<compile_context>
chip_gen: v7x
topology: tpu7x:2x2x1
jax: 0.10.2.dev20260603
libtpu: 0.0.44.dev20260713+nightly
codegen_flags: <defaults>
</compile_context>

<pallas_src>
import functools

import jax
import jax.numpy as jnp
from jax import lax
from jax.experimental import pallas as pl
from jax.experimental.pallas import tpu as pltpu
from jax.experimental.pallas import tpu_sc as plsc

f32 = jnp.float32
i32 = jnp.int32

_N = 10000
_NP = 10240
_E = 320000
_EP = 323584
_CH0 = 64
_CH1 = 64
_RPT = _NP // 16
_BLK = 1280
_NBLK = _NP // _BLK



def _tc_a_body(x_ref, win_ref, bin_ref, w0_ref, ac_ref, h_ref, s_ref):
    x0 = jnp.dot(x_ref[...], win_ref[...], preferred_element_type=f32)
    x0 = x0 + bin_ref[...]
    h = jnp.dot(x0, w0_ref[...], preferred_element_type=f32)
    h_ref[0] = h[:, :128]
    h_ref[1] = h[:, 128:]
    s_ref[...] = jnp.dot(h, ac_ref[...], preferred_element_type=f32)


def _tc_c_body(acc_ref, dt_ref, b_ref, y_ref, p_ref):
    i = pl.program_id(0)
    cols = []
    for c in range(2):
        a = acc_ref[c]
        for k in range(2):
            d = jnp.sum(dt_ref[c, k], axis=0)
            cols.append(a[:, 64 * k:64 * (k + 1)] / (d[:, None] + 1e-16))
    y = jnp.concatenate(cols, axis=1) + b_ref[...]
    y_ref[...] = y
    rows = i * _BLK + lax.broadcasted_iota(i32, (_BLK, 1), 0)
    ym = jnp.where(rows < _N, y, 0.0)
    p_ref[0, 0, :] = jnp.sum(ym, axis=0)
    p_ref[0, 1, :] = jnp.sum(ym * ym, axis=0)


def _tc_d_body(y_ref, st_ref, g_ref, be_ref, w1_ref, a1_ref, h_ref, s_ref):
    mu = st_ref[0:1, :]
    var = st_ref[1:2, :]
    xn = g_ref[...] * (y_ref[...] - mu) * lax.rsqrt(var + 1e-5) + be_ref[...]
    x1 = jnp.maximum(xn, 0.0)
    h = jnp.dot(x1, w1_ref[...], preferred_element_type=f32)
    h_ref[...] = h
    s_ref[...] = jnp.dot(h, a1_ref[...], preferred_element_type=f32)


def _tc_f_body(acc_ref, b_ref, y_ref, p_ref):
    i = pl.program_id(0)
    a = acc_ref[0] + acc_ref[1]
    y = a[:, 0:64] / (a[:, 64:65] + 1e-16) + b_ref[...]
    y_ref[...] = y
    rows = i * _BLK + lax.broadcasted_iota(i32, (_BLK, 1), 0)
    ym = jnp.where(rows < _N, y, 0.0)
    p_ref[0, 0, :] = jnp.sum(ym, axis=0)
    p_ref[0, 1, :] = jnp.sum(ym * ym, axis=0)


def _tc_g_body(y_ref, st_ref, g_ref, be_ref, wo1_ref, bo1_ref, wo2_ref,
               bo2_ref, o_ref):
    mu = st_ref[0:1, :]
    var = st_ref[1:2, :]
    x2 = g_ref[...] * (y_ref[...] - mu) * lax.rsqrt(var + 1e-5) + be_ref[...]
    h = jnp.maximum(jnp.dot(x2, wo1_ref[...], preferred_element_type=f32)
                    + bo1_ref[...], 0.0)
    o_ref[...] = jnp.dot(h, wo2_ref[...], preferred_element_type=f32) + bo2_ref[...]


def _full(shape):
    return pl.BlockSpec(shape, lambda i: tuple(0 for _ in shape))



def _sc_conv0_body(eids_h, hflat_h, s0tab_h, m_h, z_h, out_h, outd_h,
                   ids2, idxg, idxd, sbuf, eaa, eab, mv,
                   dta, dtb, gbuf, stage, acc, sem, sems):
    c = lax.axis_index("c")
    s = lax.axis_index("s")
    pltpu.sync_copy(m_h, mv)
    pltpu.sync_copy(z_h, acc.at[pl.ds(s * _RPT, _RPT)])

    def zrow(r, cc):
        sl = pl.ds(r * 16, 16)
        dta[sl] = jnp.zeros((16,), f32)
        dtb[sl] = jnp.zeros((16,), f32)
        return cc
    lax.fori_loop(0, _NP // 16, zrow, 0)
    plsc.subcore_barrier()

    m_a = plsc.load_gather(mv, [jnp.full((16,), 2 * c, i32)])
    m_b = plsc.load_gather(mv, [jnp.full((16,), 2 * c + 1, i32)])
    off = c * _NP
    nch = _EP // 16 // _CH0
    cbase = s * nch
    lane = lax.iota(i32, 16)
    lane0 = lane == 0
    zero16 = jnp.zeros((16,), i32)
    csa = jnp.full((16,), 2 * c, i32)
    csb = jnp.full((16,), 2 * c + 1, i32)
    cda = jnp.full((16,), 4 + 2 * c, i32)
    cdb = jnp.full((16,), 5 + 2 * c, i32)

    def load_ids(j, p):
        pltpu.sync_copy(eids_h.at[cbase + j], ids2.at[p])
        for g in range(4):
            sl = pl.ds(g * 16, 16)
            idxg[p, sl] = ids2[p, sl] + off
            idxd[p, sl] = ids2[p, pl.ds(64 + g * 16, 16)]

    load_ids(0, 0)
    pltpu.async_copy(hflat_h.at[idxg.at[0]], gbuf.at[0], sems.at[0])

    def chunk(j, carry):
        p = lax.rem(j, 2)
        q = 1 - p

        sdesc = pltpu.async_copy(s0tab_h.at[ids2.at[p]], sbuf, sem)

        @pl.when(j + 1 < nch)
        def _prefetch():
            load_ids(j + 1, q)
            pltpu.async_copy(hflat_h.at[idxg.at[q]], gbuf.at[q], sems.at[q])

        sdesc.wait()
        for g in range(_CH0 // 16):
            sl = pl.ds(g * 16, 16)
            rv = lane + g * 16
            rv2 = rv + 64
            sa = plsc.load_gather(sbuf, [rv, csa]) + plsc.load_gather(sbuf, [rv2, cda])
            sb = plsc.load_gather(sbuf, [rv, csb]) + plsc.load_gather(sbuf, [rv2, cdb])
            ea = jnp.where(sa >= 0, sa, 0.2 * sa) - m_a
            eb = jnp.where(sb >= 0, sb, 0.2 * sb) - m_b
            eaa[sl] = jnp.exp(ea)
            eab[sl] = jnp.exp(eb)
        pltpu.make_async_copy(hflat_h.at[idxg.at[p]], gbuf.at[p], sems.at[p]).wait()

        @plsc.parallel_loop(0, _CH0, step=1, unroll=4)
        def edge(e):
            ei = jnp.full((16,), e, i32)
            b_a = plsc.load_gather(eaa, [ei])
            b_b = plsc.load_gather(eab, [ei])
            vd = plsc.load_gather(idxd, [p * zero16 + p, ei])
            plsc.addupdate_scatter(dta, [vd], b_a, mask=lane0)
            plsc.addupdate_scatter(dtb, [vd], b_b, mask=lane0)
            for jj in range(8):
                sl = pl.ds(jj * 16, 16)
                stage[e, sl] = gbuf[p, e, sl] * (b_a if jj < 4 else b_b)
        pltpu.sync_copy(stage, acc.at[idxd.at[p]], add=True)
        return carry

    lax.fori_loop(0, nch, chunk, 0)
    plsc.subcore_barrier()
    pltpu.sync_copy(acc.at[pl.ds(s * _RPT, _RPT)],
                    out_h.at[c, pl.ds(s * _RPT, _RPT)])
    pltpu.sync_copy(dta, outd_h.at[c, 0, s])
    pltpu.sync_copy(dtb, outd_h.at[c, 1, s])


def _sc_conv1_body(eids_h, h1_h, s1tab_h, m_h, z_h, out_h,
                   ids2, idxd, sbuf, eaa, mv, gbuf, stage, acc, sem, sems):
    c = lax.axis_index("c")
    s = lax.axis_index("s")
    pltpu.sync_copy(m_h, mv)
    pltpu.sync_copy(z_h, acc.at[pl.ds(s * _RPT, _RPT)])

    def zrowst(e, cc):
        for jj in range(5, 8):
            stage[e, pl.ds(jj * 16, 16)] = jnp.zeros((16,), f32)
        return cc
    lax.fori_loop(0, _CH0, zrowst, 0)
    plsc.subcore_barrier()

    m_a = plsc.load_gather(mv, [jnp.full((16,), c, i32)])
    wid = s * 2 + c
    nch = _EP // 32 // _CH0
    cbase = wid * nch
    lane = lax.iota(i32, 16)
    zero16 = jnp.zeros((16,), i32)
    one16 = jnp.full((16,), 1, i32)

    def load_ids(j, p):
        pltpu.sync_copy(eids_h.at[cbase + j], ids2.at[p])
        for g in range(4):
            sl = pl.ds(g * 16, 16)
            idxd[p, sl] = ids2[p, pl.ds(64 + g * 16, 16)]

    load_ids(0, 0)
    pltpu.async_copy(h1_h.at[ids2.at[0, pl.ds(0, 64)]], gbuf.at[0], sems.at[0])

    def chunk(j, carry):
        p = lax.rem(j, 2)
        q = 1 - p

        sdesc = pltpu.async_copy(s1tab_h.at[ids2.at[p]], sbuf, sem)

        @pl.when(j + 1 < nch)
        def _prefetch():
            load_ids(j + 1, q)
            pltpu.async_copy(h1_h.at[ids2.at[q, pl.ds(0, 64)]], gbuf.at[q],
                             sems.at[q])

        sdesc.wait()
        for g in range(_CH0 // 16):
            sl = pl.ds(g * 16, 16)
            rv = lane + g * 16
            rv2 = rv + 64
            sa = plsc.load_gather(sbuf, [rv, zero16]) + plsc.load_gather(sbuf, [rv2, one16])
            ea = jnp.where(sa >= 0, sa, 0.2 * sa) - m_a
            eaa[sl] = jnp.exp(ea)
        pltpu.make_async_copy(h1_h.at[ids2.at[p, pl.ds(0, 64)]], gbuf.at[p],
                              sems.at[p]).wait()

        @plsc.parallel_loop(0, _CH0, step=1, unroll=4)
        def edge(e):
            b_a = plsc.load_gather(eaa, [jnp.full((16,), e, i32)])
            for jj in range(4):
                sl = pl.ds(jj * 16, 16)
                stage[e, sl] = gbuf[p, e, sl] * b_a
            tail = jnp.where(lane == 0, b_a, 0.0)
            stage[e, pl.ds(64, 16)] = tail
        pltpu.sync_copy(stage, acc.at[idxd.at[p]], add=True)
        return carry

    lax.fori_loop(0, nch, chunk, 0)
    plsc.subcore_barrier()
    pltpu.sync_copy(acc.at[pl.ds(s * _RPT, _RPT)],
                    out_h.at[c, pl.ds(s * _RPT, _RPT)])


@functools.cache
def _sc_kernels():
    mesh = plsc.VectorSubcoreMesh(core_axis_name="c", subcore_axis_name="s")
    params = pltpu.CompilerParams(needs_layout_passes=False,
                                  use_tc_tiling_on_sc=False)
    conv0 = pl.kernel(
        _sc_conv0_body,
        out_type=[
            jax.ShapeDtypeStruct((2, _NP, 128), f32),
            jax.ShapeDtypeStruct((2, 2, 16, _NP), f32),
        ],
        mesh=mesh,
        compiler_params=params,
        scratch_types=[
            pltpu.VMEM((2, 128), i32),
            pltpu.VMEM((2, _CH0), i32),
            pltpu.VMEM((2, _CH0), i32),
            pltpu.VMEM((128, 16), f32),
            pltpu.VMEM((_CH0,), f32),
            pltpu.VMEM((_CH0,), f32),
            pltpu.VMEM((128,), f32),
            pltpu.VMEM((_NP,), f32),
            pltpu.VMEM((_NP,), f32),
            pltpu.VMEM((2, _CH0, 128), f32),
            pltpu.VMEM((_CH0, 128), f32),
            pltpu.VMEM_SHARED((_NP, 128), f32),
            pltpu.SemaphoreType.DMA,
            pltpu.SemaphoreType.DMA((2,)),
        ],
    )
    conv1 = pl.kernel(
        _sc_conv1_body,
        out_type=jax.ShapeDtypeStruct((2, _NP, 128), f32),
        mesh=mesh,
        compiler_params=params,
        scratch_types=[
            pltpu.VMEM((2, 128), i32),
            pltpu.VMEM((2, _CH0), i32),
            pltpu.VMEM((128, 16), f32),
            pltpu.VMEM((_CH0,), f32),
            pltpu.VMEM((128,), f32),
            pltpu.VMEM((2, _CH0, 64), f32),
            pltpu.VMEM((_CH0, 128), f32),
            pltpu.VMEM_SHARED((_NP, 128), f32),
            pltpu.SemaphoreType.DMA,
            pltpu.SemaphoreType.DMA((2,)),
        ],
    )
    return conv0, conv1



def _leaky(x):
    return jnp.where(x >= 0, x, 0.2 * x)


def kernel(X, edge_index, W_in, b_in, W0, a_src0, a_dst0, bias0, g0, be0,
           W1, a_src1, a_dst1, bias1, g1, be1, Wo1, bo1, Wo2, bo2):
    x2 = X[:, :, -1].astype(f32)
    x2p = jnp.concatenate([x2, jnp.zeros((_NP - _N, 128), f32)], axis=0)
    src = edge_index[0].astype(i32)
    dst = edge_index[1].astype(i32)
    padi = jnp.full((_EP - _E,), _N, i32)
    srcp = jnp.concatenate([src, padi])
    dstp = jnp.concatenate([dst, padi])
    eids = jnp.concatenate([srcp.reshape(-1, _CH0), dstp.reshape(-1, _CH0)],
                           axis=1)

    eyeh = jnp.eye(4, dtype=f32)
    asrc = (a_src0[:, :, None] * eyeh[:, None, :]).reshape(256, 4)
    adst = (a_dst0[:, :, None] * eyeh[:, None, :]).reshape(256, 4)
    acomb = jnp.concatenate([asrc, adst, jnp.zeros((256, 120), f32)],
                            axis=1)
    a1c = jnp.concatenate([jnp.stack([a_src1[0], a_dst1[0]], axis=1),
                           jnp.zeros((64, 126), f32)], axis=1)

    colmask = jnp.arange(_NP) < _N

    h_split, s0t_raw = pl.pallas_call(
        _tc_a_body,
        grid=(_NBLK,),
        in_specs=[
            pl.BlockSpec((_BLK, 128), lambda i: (i, 0)),
            _full((128, 256)),
            _full((1, 256)),
            _full((256, 256)),
            _full((256, 128)),
        ],
        out_specs=[
            pl.BlockSpec((2, _BLK, 128), lambda i: (0, i, 0)),
            pl.BlockSpec((_BLK, 128), lambda i: (i, 0)),
        ],
        out_shape=[
            jax.ShapeDtypeStruct((2, _NP, 128), f32),
            jax.ShapeDtypeStruct((_NP, 128), f32),
        ],
    )(x2p, W_in, b_in[None], W0, acomb)

    s0t = jnp.where(colmask[:, None], s0t_raw[:, :8], -1e30)
    s0tab = jnp.concatenate([s0t, jnp.zeros((_NP, 8), f32)], axis=1)
    e0max = jnp.max(s0t[:, :4], axis=0) + jnp.max(s0t[:, 4:], axis=0)
    m0 = _leaky(e0max)
    mvec0 = jnp.concatenate([m0, jnp.zeros((124,), f32)])
    hflat = h_split.reshape(2 * _NP, 128)
    z0 = jnp.zeros((_RPT, 128), f32)

    sc_conv0, sc_conv1 = _sc_kernels()
    acc0, dt0 = sc_conv0(eids, hflat, s0tab, mvec0, z0)

    y0, p0 = pl.pallas_call(
        _tc_c_body,
        grid=(_NBLK,),
        in_specs=[
            pl.BlockSpec((2, _BLK, 128), lambda i: (0, i, 0)),
            pl.BlockSpec((2, 2, 16, _BLK), lambda i: (0, 0, 0, i)),
            _full((1, 256)),
        ],
        out_specs=[
            pl.BlockSpec((_BLK, 256), lambda i: (i, 0)),
            pl.BlockSpec((1, 2, 256), lambda i: (i, 0, 0)),
        ],
        out_shape=[
            jax.ShapeDtypeStruct((_NP, 256), f32),
            jax.ShapeDtypeStruct((_NBLK, 2, 256), f32),
        ],
    )(acc0, dt0, bias0[None])

    mu0 = jnp.sum(p0[:, 0, :], axis=0) / _N
    var0 = jnp.sum(p0[:, 1, :], axis=0) / _N - mu0 * mu0
    st0 = jnp.stack([mu0, var0])

    h1, s1t_raw = pl.pallas_call(
        _tc_d_body,
        grid=(_NBLK,),
        in_specs=[
            pl.BlockSpec((_BLK, 256), lambda i: (i, 0)),
            _full((2, 256)),
            _full((1, 256)),
            _full((1, 256)),
            _full((256, 64)),
            _full((64, 128)),
        ],
        out_specs=[
            pl.BlockSpec((_BLK, 64), lambda i: (i, 0)),
            pl.BlockSpec((_BLK, 128), lambda i: (i, 0)),
        ],
        out_shape=[
            jax.ShapeDtypeStruct((_NP, 64), f32),
            jax.ShapeDtypeStruct((_NP, 128), f32),
        ],
    )(y0, st0, g0[None], be0[None], W1, a1c)

    s1t = jnp.where(colmask[:, None], s1t_raw[:, :2], -1e30)
    s1tab = jnp.concatenate([s1t, jnp.zeros((_NP, 14), f32)], axis=1)
    m1 = _leaky(jnp.max(s1t[:, 0]) + jnp.max(s1t[:, 1]))
    mvec1 = jnp.concatenate([m1[None], m1[None], jnp.zeros((126,), f32)])

    acc1 = sc_conv1(eids, h1, s1tab, mvec1, z0)

    y1, p1 = pl.pallas_call(
        _tc_f_body,
        grid=(_NBLK,),
        in_specs=[
            pl.BlockSpec((2, _BLK, 128), lambda i: (0, i, 0)),
            _full((1, 64)),
        ],
        out_specs=[
            pl.BlockSpec((_BLK, 64), lambda i: (i, 0)),
            pl.BlockSpec((1, 2, 64), lambda i: (i, 0, 0)),
        ],
        out_shape=[
            jax.ShapeDtypeStruct((_NP, 64), f32),
            jax.ShapeDtypeStruct((_NBLK, 2, 64), f32),
        ],
    )(acc1, bias1[None])

    mu1 = jnp.sum(p1[:, 0, :], axis=0) / _N
    var1 = jnp.sum(p1[:, 1, :], axis=0) / _N - mu1 * mu1
    st1 = jnp.stack([mu1, var1])

    outp = pl.pallas_call(
        _tc_g_body,
        grid=(_NBLK,),
        in_specs=[
            pl.BlockSpec((_BLK, 64), lambda i: (i, 0)),
            _full((2, 64)),
            _full((1, 64)),
            _full((1, 64)),
            _full((64, 128)),
            _full((1, 128)),
            _full((128, 1)),
            _full((1, 1)),
        ],
        out_specs=pl.BlockSpec((_BLK, 1), lambda i: (i, 0)),
        out_shape=jax.ShapeDtypeStruct((_NP, 1), f32),
    )(y1, st1, g1[None], be1[None], Wo1, bo1[None], Wo2, bo2[None])

    return outp[:_N]

# --- scband reference (transcript-rebuilt; emitter-appended) ---
"""Pipeline reference for scband-gat-40114994545116 (READ-ONLY COPY).

The authoritative reference and input builder live on the scoring server;
editing this copy changes nothing except your own understanding.
"""

import jax, jax.numpy as jnp
import numpy as np

N = 10000
E = 320000

def setup_inputs(seed: int = 0):
    key = jax.random.key(seed)
    ks = jax.random.split(key, 24)
    def gl(k, shape, fan_in):
        return jax.random.normal(k, shape, dtype=jnp.float32) / np.sqrt(fan_in)
    inp = {}
    inp["X"] = jax.random.normal(ks[0], (N, 128, 4), dtype=jnp.float32)
    inp["edge_index"] = jax.random.randint(ks[1], (2, E), 0, N, dtype=jnp.int32)
    inp["W_in"] = gl(ks[2], (128, 256), 128)
    inp["b_in"] = jnp.zeros((256,), dtype=jnp.float32)
    inp["W0"] = gl(ks[3], (256, 256), 256)
    inp["a_src0"] = gl(ks[4], (4, 64), 64)
    inp["a_dst0"] = gl(ks[5], (4, 64), 64)
    inp["bias0"] = jnp.zeros((256,), dtype=jnp.float32)
    inp["g0"] = jnp.ones((256,), dtype=jnp.float32)
    inp["be0"] = jnp.zeros((256,), dtype=jnp.float32)
    inp["W1"] = gl(ks[6], (256, 64), 256)
    inp["a_src1"] = gl(ks[7], (1, 64), 64)
    inp["a_dst1"] = gl(ks[8], (1, 64), 64)
    inp["bias1"] = jnp.zeros((64,), dtype=jnp.float32)
    inp["g1"] = jnp.ones((64,), dtype=jnp.float32)
    inp["be1"] = jnp.zeros((64,), dtype=jnp.float32)
    inp["Wo1"] = gl(ks[9], (64, 128), 64)
    inp["bo1"] = jnp.zeros((128,), dtype=jnp.float32)
    inp["Wo2"] = gl(ks[10], (128, 1), 128)
    inp["bo2"] = jnp.zeros((1,), dtype=jnp.float32)
    return inp

def _gat_conv(x, src, dst, W, a_src, a_dst, bias, heads, feats, concat):
    h = (x @ W).reshape(-1, heads, feats)
    e = jax.nn.leaky_relu((h[src] * a_src).sum(-1) + (h[dst] * a_dst).sum(-1), 0.2)
    m = jax.ops.segment_max(e, dst, num_segments=N)
    m = jnp.where(jnp.isfinite(m), m, 0.0)
    ea = jnp.exp(e - m[dst])
    denom = jax.ops.segment_sum(ea, dst, num_segments=N)
    alpha = ea / (denom[dst] + 1e-16)
    out = jax.ops.segment_sum(alpha[:, :, None] * h[src], dst, num_segments=N)
    if concat:
        out = out.reshape(-1, heads * feats)
    else:
        out = out.mean(axis=1)
    return out + bias

def _bn(x, g, b):
    mu = x.mean(axis=0)
    var = x.var(axis=0)
    return g * (x - mu) / jnp.sqrt(var + 1e-5) + b

def reference(X, edge_index, W_in, b_in, W0, a_src0, a_dst0, bias0, g0, be0, W1, a_src1, a_dst1, bias1, g1, be1, Wo1, bo1, Wo2, bo2):
    edge_index = edge_index[:2]
    src = edge_index[0]
    dst = edge_index[1]
    x = X[:, :, -1]
    x = x @ W_in + b_in
    x = _gat_conv(x, src, dst, W0, a_src0, a_dst0, bias0, 4, 64, True)
    x = _bn(x, g0, be0)
    x = jax.nn.relu(x)
    x = _gat_conv(x, src, dst, W1, a_src1, a_dst1, bias1, 1, 64, False)
    x = _bn(x, g1, be1)
    h = jax.nn.relu(x @ Wo1 + bo1)
    out = h @ Wo2 + bo2
    return out

if __name__ == "__main__":
    import jax
    _d = setup_inputs()
    print(jax.jit(kernel)(*tuple(_d.values())))

</pallas_src>

<mosaic_0001>
#map = affine_map<(d0, d1) -> (0, 0)>
#map1 = affine_map<(d0, d1) -> (0)>
#map2 = affine_map<(d0, d1) -> (0, 0, 0)>
#map3 = affine_map<(d0, d1) -> (0, 0, 0, 0)>
module attributes {stable_mosaic.version = 14 : i64} {
  func.func @_sc_conv0_body(%arg0: i32, %arg1: i32, %arg2: memref<5056x128xi32, #tpu.memory_space<hbm>>, %arg3: memref<20480x128xf32, #tpu.memory_space<hbm>>, %arg4: memref<10240x16xf32, #tpu.memory_space<hbm>>, %arg5: memref<128xf32, #tpu.memory_space<hbm>>, %arg6: memref<640x128xf32, #tpu.memory_space<hbm>>, %arg7: memref<2x10240x128xf32, #tpu.memory_space<hbm>>, %arg8: memref<2x2x16x10240xf32, #tpu.memory_space<hbm>>, %arg9: memref<2x128xi32, #tpu.memory_space<vmem>>, %arg10: memref<2x64xi32, #tpu.memory_space<vmem>>, %arg11: memref<2x64xi32, #tpu.memory_space<vmem>>, %arg12: memref<128x16xf32, #tpu.memory_space<vmem>>, %arg13: memref<64xf32, #tpu.memory_space<vmem>>, %arg14: memref<64xf32, #tpu.memory_space<vmem>>, %arg15: memref<128xf32, #tpu.memory_space<vmem>>, %arg16: memref<10240xf32, #tpu.memory_space<vmem>>, %arg17: memref<10240xf32, #tpu.memory_space<vmem>>, %arg18: memref<2x64x128xf32, #tpu.memory_space<vmem>>, %arg19: memref<64x128xf32, #tpu.memory_space<vmem>>, %arg20: memref<10240x128xf32, #tpu.memory_space<vmem_shared>>, %arg21: memref<!tpu.dma_semaphore, #tpu.memory_space<semaphore_mem>>, %arg22: memref<2x!tpu.dma_semaphore, #tpu.memory_space<semaphore_mem>>) attributes {dimension_semantics = [#tpu.dimension_semantics<core_parallel>, #tpu.dimension_semantics<subcore_parallel>], iteration_bounds = array<i64: 2, 16>, scalar_prefetch = 0 : i64, scratch_operands = 14 : i64, tpu.core_type = #tpu.core_type<sc_vector_subcore>, window_params = [{transform_indices = #map}, {transform_indices = #map}, {transform_indices = #map}, {transform_indices = #map1}, {transform_indices = #map}, {transform_indices = #map2}, {transform_indices = #map3}]} {
    "tpu.region"() ({
      %run_scoped3A_138 = tpu.sem_alloc : memref<!tpu.dma_semaphore, #tpu.memory_space<semaphore_mem>>
      tpu.enqueue_dma source(%arg5 : memref<128xf32, #tpu.memory_space<hbm>>) target(%arg15 : memref<128xf32, #tpu.memory_space<vmem>>) target_semaphore(%run_scoped3A_138 : memref<!tpu.dma_semaphore, #tpu.memory_space<semaphore_mem>>)
      tpu.wait_dma2 semaphore(%run_scoped3A_138 : memref<!tpu.dma_semaphore, #tpu.memory_space<semaphore_mem>>) src(%arg5 : memref<128xf32, #tpu.memory_space<hbm>>) dst(%arg15 : memref<128xf32, #tpu.memory_space<vmem>>)
      tpu.yield
    }) : () -> ()
    %mul3A = arith.constant 640 : i32
    %mul3A_0 = arith.muli %arg1, %mul3A : i32
    "tpu.region"() ({
      %run_scoped3A_138 = tpu.sem_alloc : memref<!tpu.dma_semaphore, #tpu.memory_space<semaphore_mem>>
      %dma_start3A_139 = arith.constant 0 : i32
      %dma_start3A_140 = tpu.memref_slice %arg20[%mul3A_0, %dma_start3A_139] : memref<10240x128xf32, #tpu.memory_space<vmem_shared>> -> memref<640x128xf32, #tpu.memory_space<vmem_shared>>
      tpu.enqueue_dma source(%arg6 : memref<640x128xf32, #tpu.memory_space<hbm>>) target(%dma_start3A_140 : memref<640x128xf32, #tpu.memory_space<vmem_shared>>) target_semaphore(%run_scoped3A_138 : memref<!tpu.dma_semaphore, #tpu.memory_space<semaphore_mem>>)
      %dma_wait3A = arith.constant 0 : i32
      %dma_wait3A_141 = tpu.memref_slice %arg20[%mul3A_0, %dma_wait3A] : memref<10240x128xf32, #tpu.memory_space<vmem_shared>> -> memref<640x128xf32, #tpu.memory_space<vmem_shared>>
      tpu.wait_dma2 semaphore(%run_scoped3A_138 : memref<!tpu.dma_semaphore, #tpu.memory_space<semaphore_mem>>) src(%arg6 : memref<640x128xf32, #tpu.memory_space<hbm>>) dst(%dma_wait3A_141 : memref<640x128xf32, #tpu.memory_space<vmem_shared>>)
      tpu.yield
    }) : () -> ()
    %scan3A = arith.constant 0 : i32
    %scan3A_1 = arith.constant 0 : i32
    %scan3A_2 = arith.constant 640 : i32
    %scan3A_3 = arith.addi %scan3A_1, %scan3A_2 : i32
    %scan3A_4 = arith.constant 1 : i32
    scf.for %scan3A_138 = %scan3A_1 to %scan3A_3 step %scan3A_4  : i32 {
      %mul3A_139 = arith.constant 16 : i32
      %mul3A_140 = arith.muli %scan3A_138, %mul3A_139 : i32
      %broadcast_in_dim3A_141 = arith.constant 0.000000e+00 : f32
      %broadcast_in_dim3A_142 = vector.broadcast %broadcast_in_dim3A_141 : f32 to vector<16xf32>
      %swap3A_143 = arith.index_cast %mul3A_140 : i32 to index
      %swap3A_144 = tpu.vector_load %arg16[%swap3A_143] {strides = array<i32>} : memref<10240xf32, #tpu.memory_space<vmem>>, vector<16xf32>,
      tpu.vector_store %arg16[%swap3A_143], %broadcast_in_dim3A_142 {strides = array<i32>} : memref<10240xf32, #tpu.memory_space<vmem>>, vector<16xf32>,
      %broadcast_in_dim3A_145 = arith.constant 0.000000e+00 : f32
      %broadcast_in_dim3A_146 = vector.broadcast %broadcast_in_dim3A_145 : f32 to vector<16xf32>
      %swap3A_147 = arith.index_cast %mul3A_140 : i32 to index
      %swap3A_148 = tpu.vector_load %arg17[%swap3A_147] {strides = array<i32>} : memref<10240xf32, #tpu.memory_space<vmem>>, vector<16xf32>,
      tpu.vector_store %arg17[%swap3A_147], %broadcast_in_dim3A_146 {strides = array<i32>} : memref<10240xf32, #tpu.memory_space<vmem>>, vector<16xf32>,
    }
    %scan3A_5 = arith.constant 640 : i32
    %barrier3A = arith.constant 0 : index
    tpu.barrier barrier_id(%barrier3A)
    %mul3A_6 = arith.constant 2 : i32
    %mul3A_7 = arith.muli %mul3A_6, %arg0 : i32
    %broadcast_in_dim3A = vector.broadcast %mul3A_7 : i32 to vector<16xi32>
    %gather3A = tpu.vector_load_idx %arg15[%broadcast_in_dim3A] : memref<128xf32, #tpu.memory_space<vmem>>[vector<16xi32>], vector<16xf32>,
    %mul3A_8 = arith.constant 2 : i32
    %mul3A_9 = arith.muli %mul3A_8, %arg0 : i32
    %add3A = arith.constant 1 : i32
    %add3A_10 = arith.addi %mul3A_9, %add3A : i32
    %broadcast_in_dim3A_11 = vector.broadcast %add3A_10 : i32 to vector<16xi32>
    %gather3A_12 = tpu.vector_load_idx %arg15[%broadcast_in_dim3A_11] : memref<128xf32, #tpu.memory_space<vmem>>[vector<16xi32>], vector<16xf32>,
    %mul3A_13 = arith.constant 10240 : i32
    %mul3A_14 = arith.muli %arg0, %mul3A_13 : i32
    %mul3A_15 = arith.constant 316 : i32
    %mul3A_16 = arith.muli %arg1, %mul3A_15 : i32
    %iota3A = tpu.iota {dimensions = array<i32: 0>} : vector<16xi32>
    %eq3A = arith.constant 0 : i32
    %eq3A_17 = vector.broadcast %eq3A : i32 to vector<16xi32>
    %eq3A_18 = arith.cmpi eq, %iota3A, %eq3A_17 : vector<16xi32>
    %broadcast_in_dim3A_19 = arith.constant 0 : i32
    %broadcast_in_dim3A_20 = vector.broadcast %broadcast_in_dim3A_19 : i32 to vector<16xi32>
    %mul3A_21 = arith.constant 2 : i32
    %mul3A_22 = arith.muli %mul3A_21, %arg0 : i32
    %broadcast_in_dim3A_23 = vector.broadcast %mul3A_22 : i32 to vector<16xi32>
    %mul3A_24 = arith.constant 2 : i32
    %mul3A_25 = arith.muli %mul3A_24, %arg0 : i32
    %add3A_26 = arith.constant 1 : i32
    %add3A_27 = arith.addi %mul3A_25, %add3A_26 : i32
    %broadcast_in_dim3A_28 = vector.broadcast %add3A_27 : i32 to vector<16xi32>
    %mul3A_29 = arith.constant 2 : i32
    %mul3A_30 = arith.muli %mul3A_29, %arg0 : i32
    %add3A_31 = arith.constant 4 : i32
    %add3A_32 = arith.addi %add3A_31, %mul3A_30 : i32
    %broadcast_in_dim3A_33 = vector.broadcast %add3A_32 : i32 to vector<16xi32>
    %mul3A_34 = arith.constant 2 : i32
    %mul3A_35 = arith.muli %mul3A_34, %arg0 : i32
    %add3A_36 = arith.constant 5 : i32
    %add3A_37 = arith.addi %add3A_36, %mul3A_35 : i32
    %broadcast_in_dim3A_38 = vector.broadcast %add3A_37 : i32 to vector<16xi32>
    %add3A_39 = arith.constant 0 : i32
    %add3A_40 = arith.addi %mul3A_16, %add3A_39 : i32
    %run_scoped3A = arith.constant 0 : i32
    "tpu.region"() ({
      %run_scoped3A_138 = tpu.sem_alloc : memref<!tpu.dma_semaphore, #tpu.memory_space<semaphore_mem>>
      %dma_start3A_139 = arith.constant 0 : i32
      %dma_start3A_140 = tpu.memref_slice %arg9[%run_scoped3A, %dma_start3A_139] : memref<2x128xi32, #tpu.memory_space<vmem>> -> memref<1x128xi32, #tpu.memory_space<vmem>>
      %dma_start3A_141 = tpu.memref_squeeze %dma_start3A_140 : memref<1x128xi32, #tpu.memory_space<vmem>> -> memref<128xi32, #tpu.memory_space<vmem>>
      %dma_start3A_142 = arith.constant 0 : i32
      %dma_start3A_143 = tpu.memref_slice %arg2[%add3A_40, %dma_start3A_142] : memref<5056x128xi32, #tpu.memory_space<hbm>> -> memref<1x128xi32, #tpu.memory_space<hbm>>
      %dma_start3A_144 = tpu.memref_squeeze %dma_start3A_143 : memref<1x128xi32, #tpu.memory_space<hbm>> -> memref<128xi32, #tpu.memory_space<hbm>>
      %dma_start3A_145 = arith.constant 0 : i32
      %dma_start3A_146 = tpu.memref_slice %arg9[%run_scoped3A, %dma_start3A_145] : memref<2x128xi32, #tpu.memory_space<vmem>> -> memref<1x128xi32, #tpu.memory_space<vmem>>
      %dma_start3A_147 = tpu.memref_squeeze %dma_start3A_146 : memref<1x128xi32, #tpu.memory_space<vmem>> -> memref<128xi32, #tpu.memory_space<vmem>>
      %dma_start3A_148 = arith.constant 0 : i32
      %dma_start3A_149 = tpu.memref_slice %arg2[%add3A_40, %dma_start3A_148] : memref<5056x128xi32, #tpu.memory_space<hbm>> -> memref<1x128xi32, #tpu.memory_space<hbm>>
      %dma_start3A_150 = tpu.memref_squeeze %dma_start3A_149 : memref<1x128xi32, #tpu.memory_space<hbm>> -> memref<128xi32, #tpu.memory_space<hbm>>
      tpu.enqueue_dma source(%dma_start3A_150 : memref<128xi32, #tpu.memory_space<hbm>>) target(%dma_start3A_147 : memref<128xi32, #tpu.memory_space<vmem>>) target_semaphore(%run_scoped3A_138 : memref<!tpu.dma_semaphore, #tpu.memory_space<semaphore_mem>>)
      %dma_wait3A = arith.constant 0 : i32
      %dma_wait3A_151 = tpu.memref_slice %arg9[%run_scoped3A, %dma_wait3A] : memref<2x128xi32, #tpu.memory_space<vmem>> -> memref<1x128xi32, #tpu.memory_space<vmem>>
      %dma_wait3A_152 = tpu.memref_squeeze %dma_wait3A_151 : memref<1x128xi32, #tpu.memory_space<vmem>> -> memref<128xi32, #tpu.memory_space<vmem>>
      %dma_wait3A_153 = arith.constant 0 : i32
      %dma_wait3A_154 = tpu.memref_slice %arg2[%add3A_40, %dma_wait3A_153] : memref<5056x128xi32, #tpu.memory_space<hbm>> -> memref<1x128xi32, #tpu.memory_space<hbm>>
      %dma_wait3A_155 = tpu.memref_squeeze %dma_wait3A_154 : memref<1x128xi32, #tpu.memory_space<hbm>> -> memref<128xi32, #tpu.memory_space<hbm>>
      %dma_wait3A_156 = arith.constant 0 : i32
      %dma_wait3A_157 = tpu.memref_slice %arg9[%run_scoped3A, %dma_wait3A_156] : memref<2x128xi32, #tpu.memory_space<vmem>> -> memref<1x128xi32, #tpu.memory_space<vmem>>
      %dma_wait3A_158 = tpu.memref_squeeze %dma_wait3A_157 : memref<1x128xi32, #tpu.memory_space<vmem>> -> memref<128xi32, #tpu.memory_space<vmem>>
      %dma_wait3A_159 = arith.constant 0 : i32
      %dma_wait3A_160 = tpu.memref_slice %arg2[%add3A_40, %dma_wait3A_159] : memref<5056x128xi32, #tpu.memory_space<hbm>> -> memref<1x128xi32, #tpu.memory_space<hbm>>
      %dma_wait3A_161 = tpu.memref_squeeze %dma_wait3A_160 : memref<1x128xi32, #tpu.memory_space<hbm>> -> memref<128xi32, #tpu.memory_space<hbm>>
      tpu.wait_dma2 semaphore(%run_scoped3A_138 : memref<!tpu.dma_semaphore, #tpu.memory_space<semaphore_mem>>) src(%dma_wait3A_161 : memref<128xi32, #tpu.memory_space<hbm>>) dst(%dma_wait3A_158 : memref<128xi32, #tpu.memory_space<vmem>>)
      tpu.yield
    }) : () -> ()
    %get3A = arith.constant 0 : i32
    %get3A_41 = arith.index_cast %get3A : i32 to index
    %get3A_42 = arith.constant 0 : index
    %get3A_43 = tpu.vector_load %arg9[%get3A_41, %get3A_42] {strides = array<i32>} : memref<2x128xi32, #tpu.memory_space<vmem>>, vector<16xi32>,
    %add3A_44 = vector.broadcast %mul3A_14 : i32 to vector<16xi32>
    %add3A_45 = arith.addi %get3A_43, %add3A_44 : vector<16xi32>
    %swap3A = arith.constant 0 : i32
    %swap3A_46 = arith.index_cast %swap3A : i32 to index
    %swap3A_47 = arith.constant 0 : index
    %swap3A_48 = tpu.vector_load %arg10[%swap3A_46, %swap3A_47] {strides = array<i32>} : memref<2x64xi32, #tpu.memory_space<vmem>>, vector<16xi32>,
    tpu.vector_store %arg10[%swap3A_46, %swap3A_47], %add3A_45 {strides = array<i32>} : memref<2x64xi32, #tpu.memory_space<vmem>>, vector<16xi32>,
    %get3A_49 = arith.constant 0 : i32
    %get3A_50 = arith.index_cast %get3A_49 : i32 to index
    %get3A_51 = arith.constant 64 : index
    %get3A_52 = tpu.vector_load %arg9[%get3A_50, %get3A_51] {strides = array<i32>} : memref<2x128xi32, #tpu.memory_space<vmem>>, vector<16xi32>,
    %swap3A_53 = arith.constant 0 : i32
    %swap3A_54 = arith.index_cast %swap3A_53 : i32 to index
    %swap3A_55 = arith.constant 0 : index
    %swap3A_56 = tpu.vector_load %arg11[%swap3A_54, %swap3A_55] {strides = array<i32>} : memref<2x64xi32, #tpu.memory_space<vmem>>, vector<16xi32>,
    tpu.vector_store %arg11[%swap3A_54, %swap3A_55], %get3A_52 {strides = array<i32>} : memref<2x64xi32, #tpu.memory_space<vmem>>, vector<16xi32>,
    %get3A_57 = arith.constant 0 : i32
    %get3A_58 = arith.index_cast %get3A_57 : i32 to index
    %get3A_59 = arith.constant 16 : index
    %get3A_60 = tpu.vector_load %arg9[%get3A_58, %get3A_59] {strides = array<i32>} : memref<2x128xi32, #tpu.memory_space<vmem>>, vector<16xi32>,
    %add3A_61 = vector.broadcast %mul3A_14 : i32 to vector<16xi32>
    %add3A_62 = arith.addi %get3A_60, %add3A_61 : vector<16xi32>
    %swap3A_63 = arith.constant 0 : i32
    %swap3A_64 = arith.index_cast %swap3A_63 : i32 to index
    %swap3A_65 = arith.constant 16 : index
    %swap3A_66 = tpu.vector_load %arg10[%swap3A_64, %swap3A_65] {strides = array<i32>} : memref<2x64xi32, #tpu.memory_space<vmem>>, vector<16xi32>,
    tpu.vector_store %arg10[%swap3A_64, %swap3A_65], %add3A_62 {strides = array<i32>} : memref<2x64xi32, #tpu.memory_space<vmem>>, vector<16xi32>,
    %get3A_67 = arith.constant 0 : i32
    %get3A_68 = arith.index_cast %get3A_67 : i32 to index
    %get3A_69 = arith.constant 80 : index
    %get3A_70 = tpu.vector_load %arg9[%get3A_68, %get3A_69] {strides = array<i32>} : memref<2x128xi32, #tpu.memory_space<vmem>>, vector<16xi32>,
    %swap3A_71 = arith.constant 0 : i32
    %swap3A_72 = arith.index_cast %swap3A_71 : i32 to index
    %swap3A_73 = arith.constant 16 : index
    %swap3A_74 = tpu.vector_load %arg11[%swap3A_72, %swap3A_73] {strides = array<i32>} : memref<2x64xi32, #tpu.memory_space<vmem>>, vector<16xi32>,
    tpu.vector_store %arg11[%swap3A_72, %swap3A_73], %get3A_70 {strides = array<i32>} : memref<2x64xi32, #tpu.memory_space<vmem>>, vector<16xi32>,
    %get3A_75 = arith.constant 0 : i32
    %get3A_76 = arith.index_cast %get3A_75 : i32 to index
    %get3A_77 = arith.constant 32 : index
    %get3A_78 = tpu.vector_load %arg9[%get3A_76, %get3A_77] {strides = array<i32>} : memref<2x128xi32, #tpu.memory_space<vmem>>, vector<16xi32>,
    %add3A_79 = vector.broadcast %mul3A_14 : i32 to vector<16xi32>
    %add3A_80 = arith.addi %get3A_78, %add3A_79 : vector<16xi32>
    %swap3A_81 = arith.constant 0 : i32
    %swap3A_82 = arith.index_cast %swap3A_81 : i32 to index
    %swap3A_83 = arith.constant 32 : index
    %swap3A_84 = tpu.vector_load %arg10[%swap3A_82, %swap3A_83] {strides = array<i32>} : memref<2x64xi32, #tpu.memory_space<vmem>>, vector<16xi32>,
    tpu.vector_store %arg10[%swap3A_82, %swap3A_83], %add3A_80 {strides = array<i32>} : memref<2x64xi32, #tpu.memory_space<vmem>>, vector<16xi32>,
    %get3A_85 = arith.constant 0 : i32
    %get3A_86 = arith.index_cast %get3A_85 : i32 to index
    %get3A_87 = arith.constant 96 : index
    %get3A_88 = tpu.vector_load %arg9[%get3A_86, %get3A_87] {strides = array<i32>} : memref<2x128xi32, #tpu.memory_space<vmem>>, vector<16xi32>,
    %swap3A_89 = arith.constant 0 : i32
    %swap3A_90 = arith.index_cast %swap3A_89 : i32 to index
    %swap3A_91 = arith.constant 32 : index
    %swap3A_92 = tpu.vector_load %arg11[%swap3A_90, %swap3A_91] {strides = array<i32>} : memref<2x64xi32, #tpu.memory_space<vmem>>, vector<16xi32>,
    tpu.vector_store %arg11[%swap3A_90, %swap3A_91], %get3A_88 {strides = array<i32>} : memref<2x64xi32, #tpu.memory_space<vmem>>, vector<16xi32>,
    %get3A_93 = arith.constant 0 : i32
    %get3A_94 = arith.index_cast %get3A_93 : i32 to index
    %get3A_95 = arith.constant 48 : index
    %get3A_96 = tpu.vector_load %arg9[%get3A_94, %get3A_95] {strides = array<i32>} : memref<2x128xi32, #tpu.memory_space<vmem>>, vector<16xi32>,
    %add3A_97 = vector.broadcast %mul3A_14 : i32 to vector<16xi32>
    %add3A_98 = arith.addi %get3A_96, %add3A_97 : vector<16xi32>
    %swap3A_99 = arith.constant 0 : i32
    %swap3A_100 = arith.index_cast %swap3A_99 : i32 to index
    %swap3A_101 = arith.constant 48 : index
    %swap3A_102 = tpu.vector_load %arg10[%swap3A_100, %swap3A_101] {strides = array<i32>} : memref<2x64xi32, #tpu.memory_space<vmem>>, vector<16xi32>,
    tpu.vector_store %arg10[%swap3A_100, %swap3A_101], %add3A_98 {strides = array<i32>} : memref<2x64xi32, #tpu.memory_space<vmem>>, vector<16xi32>,
    %get3A_103 = arith.constant 0 : i32
    %get3A_104 = arith.index_cast %get3A_103 : i32 to index
    %get3A_105 = arith.constant 112 : index
    %get3A_106 = tpu.vector_load %arg9[%get3A_104, %get3A_105] {strides = array<i32>} : memref<2x128xi32, #tpu.memory_space<vmem>>, vector<16xi32>,
    %swap3A_107 = arith.constant 0 : i32
    %swap3A_108 = arith.index_cast %swap3A_107 : i32 to index
    %swap3A_109 = arith.constant 48 : index
    %swap3A_110 = tpu.vector_load %arg11[%swap3A_108, %swap3A_109] {strides = array<i32>} : memref<2x64xi32, #tpu.memory_space<vmem>>, vector<16xi32>,
    tpu.vector_store %arg11[%swap3A_108, %swap3A_109], %get3A_106 {strides = array<i32>} : memref<2x64xi32, #tpu.memory_space<vmem>>, vector<16xi32>,
    %dma_start3A = arith.constant 0 : i32
    %dma_start3A_111 = arith.constant 0 : i32
    %dma_start3A_112 = arith.constant 0 : i32
    %dma_start3A_113 = arith.constant 0 : i32
    %dma_start3A_114 = arith.constant 0 : i32
    %dma_start3A_115 = tpu.memref_slice %arg18[%dma_start3A_111, %dma_start3A_113, %dma_start3A_114] : memref<2x64x128xf32, #tpu.memory_space<vmem>> -> memref<1x64x128xf32, #tpu.memory_space<vmem>>
    %dma_start3A_116 = tpu.memref_squeeze %dma_start3A_115 : memref<1x64x128xf32, #tpu.memory_space<vmem>> -> memref<64x128xf32, #tpu.memory_space<vmem>>
    %dma_start3A_117 = arith.constant 0 : i32
    %dma_start3A_118 = tpu.memref_slice %arg10[%dma_start3A, %dma_start3A_117] : memref<2x64xi32, #tpu.memory_space<vmem>> -> memref<1x64xi32, #tpu.memory_space<vmem>>
    %dma_start3A_119 = tpu.memref_squeeze %dma_start3A_118 : memref<1x64xi32, #tpu.memory_space<vmem>> -> memref<64xi32, #tpu.memory_space<vmem>>
    %dma_start3A_120 = arith.constant 0 : i32
    %dma_start3A_121 = arith.constant 0 : i32
    %dma_start3A_122 = tpu.memref_slice %arg3[%dma_start3A_120, %dma_start3A_121] : memref<20480x128xf32, #tpu.memory_space<hbm>> -> memref<20480x128xf32, #tpu.memory_space<hbm>>
    %dma_start3A_123 = tpu.memref_slice %arg22[%dma_start3A_112] : memref<2x!tpu.dma_semaphore, #tpu.memory_space<semaphore_mem>> -> memref<1x!tpu.dma_semaphore, #tpu.memory_space<semaphore_mem>>
    %dma_start3A_124 = tpu.memref_squeeze %dma_start3A_123 : memref<1x!tpu.dma_semaphore, #tpu.memory_space<semaphore_mem>> -> memref<!tpu.dma_semaphore, #tpu.memory_space<semaphore_mem>>
    tpu.enqueue_indirect_dma source(%dma_start3A_122 : memref<20480x128xf32, #tpu.memory_space<hbm>>) target(%dma_start3A_116 : memref<64x128xf32, #tpu.memory_space<vmem>>) offsets(%dma_start3A_119 : memref<64xi32, #tpu.memory_space<vmem>>) semaphore(%dma_start3A_124 : memref<!tpu.dma_semaphore, #tpu.memory_space<semaphore_mem>>)
    %scan3A_125 = arith.constant 0 : i32
    %scan3A_126 = arith.constant 0 : i32
    %scan3A_127 = arith.constant 316 : i32
    %scan3A_128 = arith.addi %scan3A_126, %scan3A_127 : i32
    %scan3A_129 = arith.constant 1 : i32
    scf.for %scan3A_138 = %scan3A_126 to %scan3A_128 step %scan3A_129  : i32 {
      %rem3A = arith.constant 2 : i32
      %rem3A_139 = arith.remsi %scan3A_138, %rem3A : i32
      %sub3A = arith.constant 1 : i32
      %sub3A_140 = arith.subi %sub3A, %rem3A_139 : i32
      %dma_start3A_141 = arith.constant 0 : i32
      %dma_start3A_142 = tpu.memref_slice %arg9[%rem3A_139, %dma_start3A_141] : memref<2x128xi32, #tpu.memory_space<vmem>> -> memref<1x128xi32, #tpu.memory_space<vmem>>
      %dma_start3A_143 = tpu.memref_squeeze %dma_start3A_142 : memref<1x128xi32, #tpu.memory_space<vmem>> -> memref<128xi32, #tpu.memory_space<vmem>>
      %dma_start3A_144 = arith.constant 0 : i32
      %dma_start3A_145 = arith.constant 0 : i32
      %dma_start3A_146 = tpu.memref_slice %arg4[%dma_start3A_144, %dma_start3A_145] : memref<10240x16xf32, #tpu.memory_space<hbm>> -> memref<10240x16xf32, #tpu.memory_space<hbm>>
      tpu.enqueue_indirect_dma source(%dma_start3A_146 : memref<10240x16xf32, #tpu.memory_space<hbm>>) target(%arg12 : memref<128x16xf32, #tpu.memory_space<vmem>>) offsets(%dma_start3A_143 : memref<128xi32, #tpu.memory_space<vmem>>) semaphore(%arg21 : memref<!tpu.dma_semaphore, #tpu.memory_space<semaphore_mem>>)
      %add3A_147 = arith.constant 1 : i32
      %add3A_148 = arith.addi %scan3A_138, %add3A_147 : i32
      %lt3A = arith.constant 316 : i32
      %lt3A_149 = arith.cmpi slt, %add3A_148, %lt3A : i32
      %convert_element_type3A = arith.extui %lt3A_149 : i1 to i32
      %cond3A = arith.constant 0 : i32
      %cond3A_150 = arith.cmpi ne, %convert_element_type3A, %cond3A : i32
      scf.if %cond3A_150 {
        %add3A_303 = arith.constant 1 : i32
        %add3A_304 = arith.addi %scan3A_138, %add3A_303 : i32
        %add3A_305 = arith.addi %mul3A_16, %add3A_304 : i32
        "tpu.region"() ({
          %run_scoped3A_374 = tpu.sem_alloc : memref<!tpu.dma_semaphore, #tpu.memory_space<semaphore_mem>>
          %dma_start3A_375 = arith.constant 0 : i32
          %dma_start3A_376 = tpu.memref_slice %arg9[%sub3A_140, %dma_start3A_375] : memref<2x128xi32, #tpu.memory_space<vmem>> -> memref<1x128xi32, #tpu.memory_space<vmem>>
          %dma_start3A_377 = tpu.memref_squeeze %dma_start3A_376 : memref<1x128xi32, #tpu.memory_space<vmem>> -> memref<128xi32, #tpu.memory_space<vmem>>
          %dma_start3A_378 = arith.constant 0 : i32
          %dma_start3A_379 = tpu.memref_slice %arg2[%add3A_305, %dma_start3A_378] : memref<5056x128xi32, #tpu.memory_space<hbm>> -> memref<1x128xi32, #tpu.memory_space<hbm>>
          %dma_start3A_380 = tpu.memref_squeeze %dma_start3A_379 : memref<1x128xi32, #tpu.memory_space<hbm>> -> memref<128xi32, #tpu.memory_space<hbm>>
          %dma_start3A_381 = arith.constant 0 : i32
          %dma_start3A_382 = tpu.memref_slice %arg9[%sub3A_140, %dma_start3A_381] : memref<2x128xi32, #tpu.memory_space<vmem>> -> memref<1x128xi32, #tpu.memory_space<vmem>>
          %dma_start3A_383 = tpu.memref_squeeze %dma_start3A_382 : memref<1x128xi32, #tpu.memory_space<vmem>> -> memref<128xi32, #tpu.memory_space<vmem>>
          %dma_start3A_384 = arith.constant 0 : i32
          %dma_start3A_385 = tpu.memref_slice %arg2[%add3A_305, %dma_start3A_384] : memref<5056x128xi32, #tpu.memory_space<hbm>> -> memref<1x128xi32, #tpu.memory_space<hbm>>
          %dma_start3A_386 = tpu.memref_squeeze %dma_start3A_385 : memref<1x128xi32, #tpu.memory_space<hbm>> -> memref<128xi32, #tpu.memory_space<hbm>>
          tpu.enqueue_dma source(%dma_start3A_386 : memref<128xi32, #tpu.memory_space<hbm>>) target(%dma_start3A_383 : memref<128xi32, #tpu.memory_space<vmem>>) target_semaphore(%run_scoped3A_374 : memref<!tpu.dma_semaphore, #tpu.memory_space<semaphore_mem>>)
          %dma_wait3A_387 = arith.constant 0 : i32
          %dma_wait3A_388 = tpu.memref_slice %arg9[%sub3A_140, %dma_wait3A_387] : memref<2x128xi32, #tpu.memory_space<vmem>> -> memref<1x128xi32, #tpu.memory_space<vmem>>
          %dma_wait3A_389 = tpu.memref_squeeze %dma_wait3A_388 : memref<1x128xi32, #tpu.memory_space<vmem>> -> memref<128xi32, #tpu.memory_space<vmem>>
          %dma_wait3A_390 = arith.constant 0 : i32
          %dma_wait3A_391 = tpu.memref_slice %arg2[%add3A_305, %dma_wait3A_390] : memref<5056x128xi32, #tpu.memory_space<hbm>> -> memref<1x128xi32, #tpu.memory_space<hbm>>
          %dma_wait3A_392 = tpu.memref_squeeze %dma_wait3A_391 : memref<1x128xi32, #tpu.memory_space<hbm>> -> memref<128xi32, #tpu.memory_space<hbm>>
          %dma_wait3A_393 = arith.constant 0 : i32
          %dma_wait3A_394 = tpu.memref_slice %arg9[%sub3A_140, %dma_wait3A_393] : memref<2x128xi32, #tpu.memory_space<vmem>> -> memref<1x128xi32, #tpu.memory_space<vmem>>
          %dma_wait3A_395 = tpu.memref_squeeze %dma_wait3A_394 : memref<1x128xi32, #tpu.memory_space<vmem>> -> memref<128xi32, #tpu.memory_space<vmem>>
          %dma_wait3A_396 = arith.constant 0 : i32
          %dma_wait3A_397 = tpu.memref_slice %arg2[%add3A_305, %dma_wait3A_396] : memref<5056x128xi32, #tpu.memory_space<hbm>> -> memref<1x128xi32, #tpu.memory_space<hbm>>
          %dma_wait3A_398 = tpu.memref_squeeze %dma_wait3A_397 : memref<1x128xi32, #tpu.memory_space<hbm>> -> memref<128xi32, #tpu.memory_space<hbm>>
          tpu.wait_dma2 semaphore(%run_scoped3A_374 : memref<!tpu.dma_semaphore, #tpu.memory_space<semaphore_mem>>) src(%dma_wait3A_398 : memref<128xi32, #tpu.memory_space<hbm>>) dst(%dma_wait3A_395 : memref<128xi32, #tpu.memory_space<vmem>>)
          tpu.yield
        }) : () -> ()
        %get3A_306 = arith.index_cast %sub3A_140 : i32 to index
        %get3A_307 = arith.constant 0 : index
        %get3A_308 = tpu.vector_load %arg9[%get3A_306, %get3A_307] {strides = array<i32>} : memref<2x128xi32, #tpu.memory_space<vmem>>, vector<16xi32>,
        %add3A_309 = vector.broadcast %mul3A_14 : i32 to vector<16xi32>
        %add3A_310 = arith.addi %get3A_308, %add3A_309 : vector<16xi32>
        %swap3A_311 = arith.index_cast %sub3A_140 : i32 to index
        %swap3A_312 = arith.constant 0 : index
        %swap3A_313 = tpu.vector_load %arg10[%swap3A_311, %swap3A_312] {strides = array<i32>} : memref<2x64xi32, #tpu.memory_space<vmem>>, vector<16xi32>,
        tpu.vector_store %arg10[%swap3A_311, %swap3A_312], %add3A_310 {strides = array<i32>} : memref<2x64xi32, #tpu.memory_space<vmem>>, vector<16xi32>,
        %get3A_314 = arith.index_cast %sub3A_140 : i32 to index
        %get3A_315 = arith.constant 64 : index
        %get3A_316 = tpu.vector_load %arg9[%get3A_314, %get3A_315] {strides = array<i32>} : memref<2x128xi32, #tpu.memory_space<vmem>>, vector<16xi32>,
        %swap3A_317 = arith.index_cast %sub3A_140 : i32 to index
        %swap3A_318 = arith.constant 0 : index
        %swap3A_319 = tpu.vector_load %arg11[%swap3A_317, %swap3A_318] {strides = array<i32>} : memref<2x64xi32, #tpu.memory_space<vmem>>, vector<16xi32>,
        tpu.vector_store %arg11[%swap3A_317, %swap3A_318], %get3A_316 {strides = array<i32>} : memref<2x64xi32, #tpu.memory_space<vmem>>, vector<16xi32>,
        %get3A_320 = arith.index_cast %sub3A_140 : i32 to index
        %get3A_321 = arith.constant 16 : index
        %get3A_322 = tpu.vector_load %arg9[%get3A_320, %get3A_321] {strides = array<i32>} : memref<2x128xi32, #tpu.memory_space<vmem>>, vector<16xi32>,
        %add3A_323 = vector.broadcast %mul3A_14 : i32 to vector<16xi32>
        %add3A_324 = arith.addi %get3A_322, %add3A_323 : vector<16xi32>
        %swap3A_325 = arith.index_cast %sub3A_140 : i32 to index
        %swap3A_326 = arith.constant 16 : index
        %swap3A_327 = tpu.vector_load %arg10[%swap3A_325, %swap3A_326] {strides = array<i32>} : memref<2x64xi32, #tpu.memory_space<vmem>>, vector<16xi32>,
        tpu.vector_store %arg10[%swap3A_325, %swap3A_326], %add3A_324 {strides = array<i32>} : memref<2x64xi32, #tpu.memory_space<vmem>>, vector<16xi32>,
        %get3A_328 = arith.index_cast %sub3A_140 : i32 to index
        %get3A_329 = arith.constant 80 : index
        %get3A_330 = tpu.vector_load %arg9[%get3A_328, %get3A_329] {strides = array<i32>} : memref<2x128xi32, #tpu.memory_space<vmem>>, vector<16xi32>,
        %swap3A_331 = arith.index_cast %sub3A_140 : i32 to index
        %swap3A_332 = arith.constant 16 : index
        %swap3A_333 = tpu.vector_load %arg11[%swap3A_331, %swap3A_332] {strides = array<i32>} : memref<2x64xi32, #tpu.memory_space<vmem>>, vector<16xi32>,
        tpu.vector_store %arg11[%swap3A_331, %swap3A_332], %get3A_330 {strides = array<i32>} : memref<2x64xi32, #tpu.memory_space<vmem>>, vector<16xi32>,
        %get3A_334 = arith.index_cast %sub3A_140 : i32 to index
        %get3A_335 = arith.constant 32 : index
        %get3A_336 = tpu.vector_load %arg9[%get3A_334, %get3A_335] {strides = array<i32>} : memref<2x128xi32, #tpu.memory_space<vmem>>, vector<16xi32>,
        %add3A_337 = vector.broadcast %mul3A_14 : i32 to vector<16xi32>
        %add3A_338 = arith.addi %get3A_336, %add3A_337 : vector<16xi32>
        %swap3A_339 = arith.index_cast %sub3A_140 : i32 to index
        %swap3A_340 = arith.constant 32 : index
        %swap3A_341 = tpu.vector_load %arg10[%swap3A_339, %swap3A_340] {strides = array<i32>} : memref<2x64xi32, #tpu.memory_space<vmem>>, vector<16xi32>,
        tpu.vector_store %arg10[%swap3A_339, %swap3A_340], %add3A_338 {strides = array<i32>} : memref<2x64xi32, #tpu.memory_space<vmem>>, vector<16xi32>,
        %get3A_342 = arith.index_cast %sub3A_140 : i32 to index
        %get3A_343 = arith.constant 96 : index
        %get3A_344 = tpu.vector_load %arg9[%get3A_342, %get3A_343] {strides = array<i32>} : memref<2x128xi32, #tpu.memory_space<vmem>>, vector<16xi32>,
        %swap3A_345 = arith.index_cast %sub3A_140 : i32 to index
        %swap3A_346 = arith.constant 32 : index
        %swap3A_347 = tpu.vector_load %arg11[%swap3A_345, %swap3A_346] {strides = array<i32>} : memref<2x64xi32, #tpu.memory_space<vmem>>, vector<16xi32>,
        tpu.vector_store %arg11[%swap3A_345, %swap3A_346], %get3A_344 {strides = array<i32>} : memref<2x64xi32, #tpu.memory_space<vmem>>, vector<16xi32>,
        %get3A_348 = arith.index_cast %sub3A_140 : i32 to index
        %get3A_349 = arith.constant 48 : index
        %get3A_350 = tpu.vector_load %arg9[%get3A_348, %get3A_349] {strides = array<i32>} : memref<2x128xi32, #tpu.memory_space<vmem>>, vector<16xi32>,
        %add3A_351 = vector.broadcast %mul3A_14 : i32 to vector<16xi32>
        %add3A_352 = arith.addi %get3A_350, %add3A_351 : vector<16xi32>
        %swap3A_353 = arith.index_cast %sub3A_140 : i32 to index
        %swap3A_354 = arith.constant 48 : index
        %swap3A_355 = tpu.vector_load %arg10[%swap3A_353, %swap3A_354] {strides = array<i32>} : memref<2x64xi32, #tpu.memory_space<vmem>>, vector<16xi32>,
        tpu.vector_store %arg10[%swap3A_353, %swap3A_354], %add3A_352 {strides = array<i32>} : memref<2x64xi32, #tpu.memory_space<vmem>>, vector<16xi32>,
        %get3A_356 = arith.index_cast %sub3A_140 : i32 to index
        %get3A_357 = arith.constant 112 : index
        %get3A_358 = tpu.vector_load %arg9[%get3A_356, %get3A_357] {strides = array<i32>} : memref<2x128xi32, #tpu.memory_space<vmem>>, vector<16xi32>,
        %swap3A_359 = arith.index_cast %sub3A_140 : i32 to index
        %swap3A_360 = arith.constant 48 : index
        %swap3A_361 = tpu.vector_load %arg11[%swap3A_359, %swap3A_360] {strides = array<i32>} : memref<2x64xi32, #tpu.memory_space<vmem>>, vector<16xi32>,
        tpu.vector_store %arg11[%swap3A_359, %swap3A_360], %get3A_358 {strides = array<i32>} : memref<2x64xi32, #tpu.memory_space<vmem>>, vector<16xi32>,
        %dma_start3A_362 = arith.constant 0 : i32
        %dma_start3A_363 = arith.constant 0 : i32
        %dma_start3A_364 = tpu.memref_slice %arg18[%sub3A_140, %dma_start3A_362, %dma_start3A_363] : memref<2x64x128xf32, #tpu.memory_space<vmem>> -> memref<1x64x128xf32, #tpu.memory_space<vmem>>
        %dma_start3A_365 = tpu.memref_squeeze %dma_start3A_364 : memref<1x64x128xf32, #tpu.memory_space<vmem>> -> memref<64x128xf32, #tpu.memory_space<vmem>>
        %dma_start3A_366 = arith.constant 0 : i32
        %dma_start3A_367 = tpu.memref_slice %arg10[%sub3A_140, %dma_start3A_366] : memref<2x64xi32, #tpu.memory_space<vmem>> -> memref<1x64xi32, #tpu.memory_space<vmem>>
        %dma_start3A_368 = tpu.memref_squeeze %dma_start3A_367 : memref<1x64xi32, #tpu.memory_space<vmem>> -> memref<64xi32, #tpu.memory_space<vmem>>
        %dma_start3A_369 = arith.constant 0 : i32
        %dma_start3A_370 = arith.constant 0 : i32
        %dma_start3A_371 = tpu.memref_slice %arg3[%dma_start3A_369, %dma_start3A_370] : memref<20480x128xf32, #tpu.memory_space<hbm>> -> memref<20480x128xf32, #tpu.memory_space<hbm>>
        %dma_start3A_372 = tpu.memref_slice %arg22[%sub3A_140] : memref<2x!tpu.dma_semaphore, #tpu.memory_space<semaphore_mem>> -> memref<1x!tpu.dma_semaphore, #tpu.memory_space<semaphore_mem>>
        %dma_start3A_373 = tpu.memref_squeeze %dma_start3A_372 : memref<1x!tpu.dma_semaphore, #tpu.memory_space<semaphore_mem>> -> memref<!tpu.dma_semaphore, #tpu.memory_space<semaphore_mem>>
        tpu.enqueue_indirect_dma source(%dma_start3A_371 : memref<20480x128xf32, #tpu.memory_space<hbm>>) target(%dma_start3A_365 : memref<64x128xf32, #tpu.memory_space<vmem>>) offsets(%dma_start3A_368 : memref<64xi32, #tpu.memory_space<vmem>>) semaphore(%dma_start3A_373 : memref<!tpu.dma_semaphore, #tpu.memory_space<semaphore_mem>>)
      } else {
      }
      %dma_wait3A = arith.constant 0 : i32
      %dma_wait3A_151 = tpu.memref_slice %arg9[%rem3A_139, %dma_wait3A] : memref<2x128xi32, #tpu.memory_space<vmem>> -> memref<1x128xi32, #tpu.memory_space<vmem>>
      %dma_wait3A_152 = tpu.memref_squeeze %dma_wait3A_151 : memref<1x128xi32, #tpu.memory_space<vmem>> -> memref<128xi32, #tpu.memory_space<vmem>>
      %dma_wait3A_153 = arith.constant 0 : i32
      %dma_wait3A_154 = arith.constant 0 : i32
      %dma_wait3A_155 = tpu.memref_slice %arg4[%dma_wait3A_153, %dma_wait3A_154] : memref<10240x16xf32, #tpu.memory_space<hbm>> -> memref<10240x16xf32, #tpu.memory_space<hbm>>
      tpu.wait_indirect_dma semaphore(%arg21 : memref<!tpu.dma_semaphore, #tpu.memory_space<semaphore_mem>>) src(%dma_wait3A_155 : memref<10240x16xf32, #tpu.memory_space<hbm>>) dst(%arg12 : memref<128x16xf32, #tpu.memory_space<vmem>>)
      %add3A_156 = arith.constant 0 : i32
      %add3A_157 = vector.broadcast %add3A_156 : i32 to vector<16xi32>
      %add3A_158 = arith.addi %iota3A, %add3A_157 : vector<16xi32>
      %add3A_159 = arith.constant 64 : i32
      %add3A_160 = vector.broadcast %add3A_159 : i32 to vector<16xi32>
      %add3A_161 = arith.addi %add3A_158, %add3A_160 : vector<16xi32>
      %gather3A_162 = tpu.vector_load_idx %arg12[%add3A_158, %broadcast_in_dim3A_23] : memref<128x16xf32, #tpu.memory_space<vmem>>[vector<16xi32>, vector<16xi32>], vector<16xf32>,
      %gather3A_163 = tpu.vector_load_idx %arg12[%add3A_161, %broadcast_in_dim3A_33] : memref<128x16xf32, #tpu.memory_space<vmem>>[vector<16xi32>, vector<16xi32>], vector<16xf32>,
      %add3A_164 = arith.addf %gather3A_162, %gather3A_163 : vector<16xf32>
      %gather3A_165 = tpu.vector_load_idx %arg12[%add3A_158, %broadcast_in_dim3A_28] : memref<128x16xf32, #tpu.memory_space<vmem>>[vector<16xi32>, vector<16xi32>], vector<16xf32>,
      %gather3A_166 = tpu.vector_load_idx %arg12[%add3A_161, %broadcast_in_dim3A_38] : memref<128x16xf32, #tpu.memory_space<vmem>>[vector<16xi32>, vector<16xi32>], vector<16xf32>,
      %add3A_167 = arith.addf %gather3A_165, %gather3A_166 : vector<16xf32>
      %ge3A = arith.constant 0.000000e+00 : f32
      %ge3A_168 = vector.broadcast %ge3A : f32 to vector<16xf32>
      %ge3A_169 = arith.cmpf oge, %add3A_164, %ge3A_168 : vector<16xf32>
      %mul3A_170 = arith.constant 2.000000e-01 : f32
      %mul3A_171 = vector.broadcast %mul3A_170 : f32 to vector<16xf32>
      %mul3A_172 = arith.mulf %mul3A_171, %add3A_164 : vector<16xf32>
      %select_n3A = arith.select %ge3A_169, %add3A_164, %mul3A_172 : vector<16xi1>, vector<16xf32>
      %sub3A_173 = arith.subf %select_n3A, %gather3A : vector<16xf32>
      %ge3A_174 = arith.constant 0.000000e+00 : f32
      %ge3A_175 = vector.broadcast %ge3A_174 : f32 to vector<16xf32>
      %ge3A_176 = arith.cmpf oge, %add3A_167, %ge3A_175 : vector<16xf32>
      %mul3A_177 = arith.constant 2.000000e-01 : f32
      %mul3A_178 = vector.broadcast %mul3A_177 : f32 to vector<16xf32>
      %mul3A_179 = arith.mulf %mul3A_178, %add3A_167 : vector<16xf32>
      %select_n3A_180 = arith.select %ge3A_176, %add3A_167, %mul3A_179 : vector<16xi1>, vector<16xf32>
      %sub3A_181 = arith.subf %select_n3A_180, %gather3A_12 : vector<16xf32>
      %exp3A = math.exp %sub3A_173 : vector<16xf32>
      %swap3A_182 = arith.constant 0 : index
      %swap3A_183 = tpu.vector_load %arg13[%swap3A_182] {strides = array<i32>} : memref<64xf32, #tpu.memory_space<vmem>>, vector<16xf32>,
      tpu.vector_store %arg13[%swap3A_182], %exp3A {strides = array<i32>} : memref<64xf32, #tpu.memory_space<vmem>>, vector<16xf32>,
      %exp3A_184 = math.exp %sub3A_181 : vector<16xf32>
      %swap3A_185 = arith.constant 0 : index
      %swap3A_186 = tpu.vector_load %arg14[%swap3A_185] {strides = array<i32>} : memref<64xf32, #tpu.memory_space<vmem>>, vector<16xf32>,
      tpu.vector_store %arg14[%swap3A_185], %exp3A_184 {strides = array<i32>} : memref<64xf32, #tpu.memory_space<vmem>>, vector<16xf32>,
      %add3A_187 = arith.constant 16 : i32
      %add3A_188 = vector.broadcast %add3A_187 : i32 to vector<16xi32>
      %add3A_189 = arith.addi %iota3A, %add3A_188 : vector<16xi32>
      %add3A_190 = arith.constant 64 : i32
      %add3A_191 = vector.broadcast %add3A_190 : i32 to vector<16xi32>
      %add3A_192 = arith.addi %add3A_189, %add3A_191 : vector<16xi32>
      %gather3A_193 = tpu.vector_load_idx %arg12[%add3A_189, %broadcast_in_dim3A_23] : memref<128x16xf32, #tpu.memory_space<vmem>>[vector<16xi32>, vector<16xi32>], vector<16xf32>,
      %gather3A_194 = tpu.vector_load_idx %arg12[%add3A_192, %broadcast_in_dim3A_33] : memref<128x16xf32, #tpu.memory_space<vmem>>[vector<16xi32>, vector<16xi32>], vector<16xf32>,
      %add3A_195 = arith.addf %gather3A_193, %gather3A_194 : vector<16xf32>
      %gather3A_196 = tpu.vector_load_idx %arg12[%add3A_189, %broadcast_in_dim3A_28] : memref<128x16xf32, #tpu.memory_space<vmem>>[vector<16xi32>, vector<16xi32>], vector<16xf32>,
      %gather3A_197 = tpu.vector_load_idx %arg12[%add3A_192, %broadcast_in_dim3A_38] : memref<128x16xf32, #tpu.memory_space<vmem>>[vector<16xi32>, vector<16xi32>], vector<16xf32>,
      %add3A_198 = arith.addf %gather3A_196, %gather3A_197 : vector<16xf32>
      %ge3A_199 = arith.constant 0.000000e+00 : f32
      %ge3A_200 = vector.broadcast %ge3A_199 : f32 to vector<16xf32>
      %ge3A_201 = arith.cmpf oge, %add3A_195, %ge3A_200 : vector<16xf32>
      %mul3A_202 = arith.constant 2.000000e-01 : f32
      %mul3A_203 = vector.broadcast %mul3A_202 : f32 to vector<16xf32>
      %mul3A_204 = arith.mulf %mul3A_203, %add3A_195 : vector<16xf32>
      %select_n3A_205 = arith.select %ge3A_201, %add3A_195, %mul3A_204 : vector<16xi1>, vector<16xf32>
      %sub3A_206 = arith.subf %select_n3A_205, %gather3A : vector<16xf32>
      %ge3A_207 = arith.constant 0.000000e+00 : f32
      %ge3A_208 = vector.broadcast %ge3A_207 : f32 to vector<16xf32>
      %ge3A_209 = arith.cmpf oge, %add3A_198, %ge3A_208 : vector<16xf32>
      %mul3A_210 = arith.constant 2.000000e-01 : f32
      %mul3A_211 = vector.broadcast %mul3A_210 : f32 to vector<16xf32>
      %mul3A_212 = arith.mulf %mul3A_211, %add3A_198 : vector<16xf32>
      %select_n3A_213 = arith.select %ge3A_209, %add3A_198, %mul3A_212 : vector<16xi1>, vector<16xf32>
      %sub3A_214 = arith.subf %select_n3A_213, %gather3A_12 : vector<16xf32>
      %exp3A_215 = math.exp %sub3A_206 : vector<16xf32>
      %swap3A_216 = arith.constant 16 : index
      %swap3A_217 = tpu.vector_load %arg13[%swap3A_216] {strides = array<i32>} : memref<64xf32, #tpu.memory_space<vmem>>, vector<16xf32>,
      tpu.vector_store %arg13[%swap3A_216], %exp3A_215 {strides = array<i32>} : memref<64xf32, #tpu.memory_space<vmem>>, vector<16xf32>,
      %exp3A_218 = math.exp %sub3A_214 : vector<16xf32>
      %swap3A_219 = arith.constant 16 : index
      %swap3A_220 = tpu.vector_load %arg14[%swap3A_219] {strides = array<i32>} : memref<64xf32, #tpu.memory_space<vmem>>, vector<16xf32>,
      tpu.vector_store %arg14[%swap3A_219], %exp3A_218 {strides = array<i32>} : memref<64xf32, #tpu.memory_space<vmem>>, vector<16xf32>,
      %add3A_221 = arith.constant 32 : i32
      %add3A_222 = vector.broadcast %add3A_221 : i32 to vector<16xi32>
      %add3A_223 = arith.addi %iota3A, %add3A_222 : vector<16xi32>
      %add3A_224 = arith.constant 64 : i32
      %add3A_225 = vector.broadcast %add3A_224 : i32 to vector<16xi32>
      %add3A_226 = arith.addi %add3A_223, %add3A_225 : vector<16xi32>
      %gather3A_227 = tpu.vector_load_idx %arg12[%add3A_223, %broadcast_in_dim3A_23] : memref<128x16xf32, #tpu.memory_space<vmem>>[vector<16xi32>, vector<16xi32>], vector<16xf32>,
      %gather3A_228 = tpu.vector_load_idx %arg12[%add3A_226, %broadcast_in_dim3A_33] : memref<128x16xf32, #tpu.memory_space<vmem>>[vector<16xi32>, vector<16xi32>], vector<16xf32>,
      %add3A_229 = arith.addf %gather3A_227, %gather3A_228 : vector<16xf32>
      %gather3A_230 = tpu.vector_load_idx %arg12[%add3A_223, %broadcast_in_dim3A_28] : memref<128x16xf32, #tpu.memory_space<vmem>>[vector<16xi32>, vector<16xi32>], vector<16xf32>,
      %gather3A_231 = tpu.vector_load_idx %arg12[%add3A_226, %broadcast_in_dim3A_38] : memref<128x16xf32, #tpu.memory_space<vmem>>[vector<16xi32>, vector<16xi32>], vector<16xf32>,
      %add3A_232 = arith.addf %gather3A_230, %gather3A_231 : vector<16xf32>
      %ge3A_233 = arith.constant 0.000000e+00 : f32
      %ge3A_234 = vector.broadcast %ge3A_233 : f32 to vector<16xf32>
      %ge3A_235 = arith.cmpf oge, %add3A_229, %ge3A_234 : vector<16xf32>
      %mul3A_236 = arith.constant 2.000000e-01 : f32
      %mul3A_237 = vector.broadcast %mul3A_236 : f32 to vector<16xf32>
      %mul3A_238 = arith.mulf %mul3A_237, %add3A_229 : vector<16xf32>
      %select_n3A_239 = arith.select %ge3A_235, %add3A_229, %mul3A_238 : vector<16xi1>, vector<16xf32>
      %sub3A_240 = arith.subf %select_n3A_239, %gather3A : vector<16xf32>
      %ge3A_241 = arith.constant 0.000000e+00 : f32
      %ge3A_242 = vector.broadcast %ge3A_241 : f32 to vector<16xf32>
      %ge3A_243 = arith.cmpf oge, %add3A_232, %ge3A_242 : vector<16xf32>
      %mul3A_244 = arith.constant 2.000000e-01 : f32
      %mul3A_245 = vector.broadcast %mul3A_244 : f32 to vector<16xf32>
      %mul3A_246 = arith.mulf %mul3A_245, %add3A_232 : vector<16xf32>
      %select_n3A_247 = arith.select %ge3A_243, %add3A_232, %mul3A_246 : vector<16xi1>, vector<16xf32>
      %sub3A_248 = arith.subf %select_n3A_247, %gather3A_12 : vector<16xf32>
      %exp3A_249 = math.exp %sub3A_240 : vector<16xf32>
      %swap3A_250 = arith.constant 32 : index
      %swap3A_251 = tpu.vector_load %arg13[%swap3A_250] {strides = array<i32>} : memref<64xf32, #tpu.memory_space<vmem>>, vector<16xf32>,
      tpu.vector_store %arg13[%swap3A_250], %exp3A_249 {strides = array<i32>} : memref<64xf32, #tpu.memory_space<vmem>>, vector<16xf32>,
      %exp3A_252 = math.exp %sub3A_248 : vector<16xf32>
      %swap3A_253 = arith.constant 32 : index
      %swap3A_254 = tpu.vector_load %arg14[%swap3A_253] {strides = array<i32>} : memref<64xf32, #tpu.memory_space<vmem>>, vector<16xf32>,
      tpu.vector_store %arg14[%swap3A_253], %exp3A_252 {strides = array<i32>} : memref<64xf32, #tpu.memory_space<vmem>>, vector<16xf32>,
      %add3A_255 = arith.constant 48 : i32
      %add3A_256 = vector.broadcast %add3A_255 : i32 to vector<16xi32>
      %add3A_257 = arith.addi %iota3A, %add3A_256 : vector<16xi32>
      %add3A_258 = arith.constant 64 : i32
      %add3A_259 = vector.broadcast %add3A_258 : i32 to vector<16xi32>
      %add3A_260 = arith.addi %add3A_257, %add3A_259 : vector<16xi32>
      %gather3A_261 = tpu.vector_load_idx %arg12[%add3A_257, %broadcast_in_dim3A_23] : memref<128x16xf32, #tpu.memory_space<vmem>>[vector<16xi32>, vector<16xi32>], vector<16xf32>,
      %gather3A_262 = tpu.vector_load_idx %arg12[%add3A_260, %broadcast_in_dim3A_33] : memref<128x16xf32, #tpu.memory_space<vmem>>[vector<16xi32>, vector<16xi32>], vector<16xf32>,
      %add3A_263 = arith.addf %gather3A_261, %gather3A_262 : vector<16xf32>
      %gather3A_264 = tpu.vector_load_idx %arg12[%add3A_257, %broadcast_in_dim3A_28] : memref<128x16xf32, #tpu.memory_space<vmem>>[vector<16xi32>, vector<16xi32>], vector<16xf32>,
      %gather3A_265 = tpu.vector_load_idx %arg12[%add3A_260, %broadcast_in_dim3A_38] : memref<128x16xf32, #tpu.memory_space<vmem>>[vector<16xi32>, vector<16xi32>], vector<16xf32>,
      %add3A_266 = arith.addf %gather3A_264, %gather3A_265 : vector<16xf32>
      %ge3A_267 = arith.constant 0.000000e+00 : f32
      %ge3A_268 = vector.broadcast %ge3A_267 : f32 to vector<16xf32>
      %ge3A_269 = arith.cmpf oge, %add3A_263, %ge3A_268 : vector<16xf32>
      %mul3A_270 = arith.constant 2.000000e-01 : f32
      %mul3A_271 = vector.broadcast %mul3A_270 : f32 to vector<16xf32>
      %mul3A_272 = arith.mulf %mul3A_271, %add3A_263 : vector<16xf32>
      %select_n3A_273 = arith.select %ge3A_269, %add3A_263, %mul3A_272 : vector<16xi1>, vector<16xf32>
      %sub3A_274 = arith.subf %select_n3A_273, %gather3A : vector<16xf32>
      %ge3A_275 = arith.constant 0.000000e+00 : f32
      %ge3A_276 = vector.broadcast %ge3A_275 : f32 to vector<16xf32>
      %ge3A_277 = arith.cmpf oge, %add3A_266, %ge3A_276 : vector<16xf32>
      %mul3A_278 = arith.constant 2.000000e-01 : f32
      %mul3A_279 = vector.broadcast %mul3A_278 : f32 to vector<16xf32>
      %mul3A_280 = arith.mulf %mul3A_279, %add3A_266 : vector<16xf32>
      %select_n3A_281 = arith.select %ge3A_277, %add3A_266, %mul3A_280 : vector<16xi1>, vector<16xf32>
      %sub3A_282 = arith.subf %select_n3A_281, %gather3A_12 : vector<16xf32>
      %exp3A_283 = math.exp %sub3A_274 : vector<16xf32>
      %swap3A_284 = arith.constant 48 : index
      %swap3A_285 = tpu.vector_load %arg13[%swap3A_284] {strides = array<i32>} : memref<64xf32, #tpu.memory_space<vmem>>, vector<16xf32>,
      tpu.vector_store %arg13[%swap3A_284], %exp3A_283 {strides = array<i32>} : memref<64xf32, #tpu.memory_space<vmem>>, vector<16xf32>,
      %exp3A_286 = math.exp %sub3A_282 : vector<16xf32>
      %swap3A_287 = arith.constant 48 : index
      %swap3A_288 = tpu.vector_load %arg14[%swap3A_287] {strides = array<i32>} : memref<64xf32, #tpu.memory_space<vmem>>, vector<16xf32>,
      tpu.vector_store %arg14[%swap3A_287], %exp3A_286 {strides = array<i32>} : memref<64xf32, #tpu.memory_space<vmem>>, vector<16xf32>,
      %dma_wait3A_289 = arith.constant 0 : i32
      %dma_wait3A_290 = arith.constant 0 : i32
      %dma_wait3A_291 = tpu.memref_slice %arg18[%rem3A_139, %dma_wait3A_289, %dma_wait3A_290] : memref<2x64x128xf32, #tpu.memory_space<vmem>> -> memref<1x64x128xf32, #tpu.memory_space<vmem>>
      %dma_wait3A_292 = tpu.memref_squeeze %dma_wait3A_291 : memref<1x64x128xf32, #tpu.memory_space<vmem>> -> memref<64x128xf32, #tpu.memory_space<vmem>>
      %dma_wait3A_293 = arith.constant 0 : i32
      %dma_wait3A_294 = tpu.memref_slice %arg10[%rem3A_139, %dma_wait3A_293] : memref<2x64xi32, #tpu.memory_space<vmem>> -> memref<1x64xi32, #tpu.memory_space<vmem>>
      %dma_wait3A_295 = tpu.memref_squeeze %dma_wait3A_294 : memref<1x64xi32, #tpu.memory_space<vmem>> -> memref<64xi32, #tpu.memory_space<vmem>>
      %dma_wait3A_296 = arith.constant 0 : i32
      %dma_wait3A_297 = arith.constant 0 : i32
      %dma_wait3A_298 = tpu.memref_slice %arg3[%dma_wait3A_296, %dma_wait3A_297] : memref<20480x128xf32, #tpu.memory_space<hbm>> -> memref<20480x128xf32, #tpu.memory_space<hbm>>
      %dma_wait3A_299 = tpu.memref_slice %arg22[%rem3A_139] : memref<2x!tpu.dma_semaphore, #tpu.memory_space<semaphore_mem>> -> memref<1x!tpu.dma_semaphore, #tpu.memory_space<semaphore_mem>>
      %dma_wait3A_300 = tpu.memref_squeeze %dma_wait3A_299 : memref<1x!tpu.dma_semaphore, #tpu.memory_space<semaphore_mem>> -> memref<!tpu.dma_semaphore, #tpu.memory_space<semaphore_mem>>
      tpu.wait_indirect_dma semaphore(%dma_wait3A_300 : memref<!tpu.dma_semaphore, #tpu.memory_space<semaphore_mem>>) src(%dma_wait3A_298 : memref<20480x128xf32, #tpu.memory_space<hbm>>) dst(%dma_wait3A_292 : memref<64x128xf32, #tpu.memory_space<vmem>>)
      %parallel_loop3A = arith.constant 0 : i32
      %parallel_loop3A_301 = arith.constant 64 : i32
      %parallel_loop3A_302 = arith.constant 1 : i32
      scf.for %parallel_loop3A_303 = %parallel_loop3A to %parallel_loop3A_301 step %parallel_loop3A_302  : i32 {
        %parallel_loop3A_304 = vector.broadcast %parallel_loop3A_303 : i32 to vector<16xi32>
        %parallel_loop3A_305 = tpu.vector_load_idx %arg13[%parallel_loop3A_304] : memref<64xf32, #tpu.memory_space<vmem>>[vector<16xi32>], vector<16xf32>,
        %parallel_loop3A_306 = tpu.vector_load_idx %arg14[%parallel_loop3A_304] : memref<64xf32, #tpu.memory_space<vmem>>[vector<16xi32>], vector<16xf32>,
        %parallel_loop3A_307 = vector.broadcast %rem3A_139 : i32 to vector<16xi32>
        %parallel_loop3A_308 = arith.muli %parallel_loop3A_307, %broadcast_in_dim3A_20 : vector<16xi32>
        %parallel_loop3A_309 = vector.broadcast %rem3A_139 : i32 to vector<16xi32>
        %parallel_loop3A_310 = arith.addi %parallel_loop3A_308, %parallel_loop3A_309 : vector<16xi32>
        %parallel_loop3A_311 = tpu.vector_load_idx %arg11[%parallel_loop3A_310, %parallel_loop3A_304] : memref<2x64xi32, #tpu.memory_space<vmem>>[vector<16xi32>, vector<16xi32>], vector<16xi32>,
        tpu.vector_store_idx %arg16[%parallel_loop3A_311], %parallel_loop3A_305 masked %eq3A_18 {add = true} : memref<10240xf32, #tpu.memory_space<vmem>>[vector<16xi32>], vector<16xf32>, vector<16xi1>
        tpu.vector_store_idx %arg17[%parallel_loop3A_311], %parallel_loop3A_306 masked %eq3A_18 {add = true} : memref<10240xf32, #tpu.memory_space<vmem>>[vector<16xi32>], vector<16xf32>, vector<16xi1>
        %parallel_loop3A_312 = arith.index_cast %rem3A_139 : i32 to index
        %parallel_loop3A_313 = arith.index_cast %parallel_loop3A_303 : i32 to index
        %parallel_loop3A_314 = arith.constant 0 : index
        %parallel_loop3A_315 = tpu.vector_load %arg18[%parallel_loop3A_312, %parallel_loop3A_313, %parallel_loop3A_314] {strides = array<i32>} : memref<2x64x128xf32, #tpu.memory_space<vmem>>, vector<16xf32>,
        %parallel_loop3A_316 = arith.mulf %parallel_loop3A_315, %parallel_loop3A_305 : vector<16xf32>
        %parallel_loop3A_317 = arith.index_cast %parallel_loop3A_303 : i32 to index
        %parallel_loop3A_318 = arith.constant 0 : index
        %parallel_loop3A_319 = tpu.vector_load %arg19[%parallel_loop3A_317, %parallel_loop3A_318] {strides = array<i32>} : memref<64x128xf32, #tpu.memory_space<vmem>>, vector<16xf32>,
        tpu.vector_store %arg19[%parallel_loop3A_317, %parallel_loop3A_318], %parallel_loop3A_316 {strides = array<i32>} : memref<64x128xf32, #tpu.memory_space<vmem>>, vector<16xf32>,
        %parallel_loop3A_320 = arith.index_cast %rem3A_139 : i32 to index
        %parallel_loop3A_321 = arith.index_cast %parallel_loop3A_303 : i32 to index
        %parallel_loop3A_322 = arith.constant 16 : index
        %parallel_loop3A_323 = tpu.vector_load %arg18[%parallel_loop3A_320, %parallel_loop3A_321, %parallel_loop3A_322] {strides = array<i32>} : memref<2x64x128xf32, #tpu.memory_space<vmem>>, vector<16xf32>,
        %parallel_loop3A_324 = arith.mulf %parallel_loop3A_323, %parallel_loop3A_305 : vector<16xf32>
        %parallel_loop3A_325 = arith.index_cast %parallel_loop3A_303 : i32 to index
        %parallel_loop3A_326 = arith.constant 16 : index
        %parallel_loop3A_327 = tpu.vector_load %arg19[%parallel_loop3A_325, %parallel_loop3A_326] {strides = array<i32>} : memref<64x128xf32, #tpu.memory_space<vmem>>, vector<16xf32>,
        tpu.vector_store %arg19[%parallel_loop3A_325, %parallel_loop3A_326], %parallel_loop3A_324 {strides = array<i32>} : memref<64x128xf32, #tpu.memory_space<vmem>>, vector<16xf32>,
        %parallel_loop3A_328 = arith.index_cast %rem3A_139 : i32 to index
        %parallel_loop3A_329 = arith.index_cast %parallel_loop3A_303 : i32 to index
        %parallel_loop3A_330 = arith.constant 32 : index
        %parallel_loop3A_331 = tpu.vector_load %arg18[%parallel_loop3A_328, %parallel_loop3A_329, %parallel_loop3A_330] {strides = array<i32>} : memref<2x64x128xf32, #tpu.memory_space<vmem>>, vector<16xf32>,
        %parallel_loop3A_332 = arith.mulf %parallel_loop3A_331, %parallel_loop3A_305 : vector<16xf32>
        %parallel_loop3A_333 = arith.index_cast %parallel_loop3A_303 : i32 to index
        %parallel_loop3A_334 = arith.constant 32 : index
        %parallel_loop3A_335 = tpu.vector_load %arg19[%parallel_loop3A_333, %parallel_loop3A_334] {strides = array<i32>} : memref<64x128xf32, #tpu.memory_space<vmem>>, vector<16xf32>,
        tpu.vector_store %arg19[%parallel_loop3A_333, %parallel_loop3A_334], %parallel_loop3A_332 {strides = array<i32>} : memref<64x128xf32, #tpu.memory_space<vmem>>, vector<16xf32>,
        %parallel_loop3A_336 = arith.index_cast %rem3A_139 : i32 to index
        %parallel_loop3A_337 = arith.index_cast %parallel_loop3A_303 : i32 to index
        %parallel_loop3A_338 = arith.constant 48 : index
        %parallel_loop3A_339 = tpu.vector_load %arg18[%parallel_loop3A_336, %parallel_loop3A_337, %parallel_loop3A_338] {strides = array<i32>} : memref<2x64x128xf32, #tpu.memory_space<vmem>>, vector<16xf32>,
        %parallel_loop3A_340 = arith.mulf %parallel_loop3A_339, %parallel_loop3A_305 : vector<16xf32>
        %parallel_loop3A_341 = arith.index_cast %parallel_loop3A_303 : i32 to index
        %parallel_loop3A_342 = arith.constant 48 : index
        %parallel_loop3A_343 = tpu.vector_load %arg19[%parallel_loop3A_341, %parallel_loop3A_342] {strides = array<i32>} : memref<64x128xf32, #tpu.memory_space<vmem>>, vector<16xf32>,
        tpu.vector_store %arg19[%parallel_loop3A_341, %parallel_loop3A_342], %parallel_loop3A_340 {strides = array<i32>} : memref<64x128xf32, #tpu.memory_space<vmem>>, vector<16xf32>,
        %parallel_loop3A_344 = arith.index_cast %rem3A_139 : i32 to index
        %parallel_loop3A_345 = arith.index_cast %parallel_loop3A_303 : i32 to index
        %parallel_loop3A_346 = arith.constant 64 : index
        %parallel_loop3A_347 = tpu.vector_load %arg18[%parallel_loop3A_344, %parallel_loop3A_345, %parallel_loop3A_346] {strides = array<i32>} : memref<2x64x128xf32, #tpu.memory_space<vmem>>, vector<16xf32>,
        %parallel_loop3A_348 = arith.mulf %parallel_loop3A_347, %parallel_loop3A_306 : vector<16xf32>
        %parallel_loop3A_349 = arith.index_cast %parallel_loop3A_303 : i32 to index
        %parallel_loop3A_350 = arith.constant 64 : index
        %parallel_loop3A_351 = tpu.vector_load %arg19[%parallel_loop3A_349, %parallel_loop3A_350] {strides = array<i32>} : memref<64x128xf32, #tpu.memory_space<vmem>>, vector<16xf32>,
        tpu.vector_store %arg19[%parallel_loop3A_349, %parallel_loop3A_350], %parallel_loop3A_348 {strides = array<i32>} : memref<64x128xf32, #tpu.memory_space<vmem>>, vector<16xf32>,
        %parallel_loop3A_352 = arith.index_cast %rem3A_139 : i32 to index
        %parallel_loop3A_353 = arith.index_cast %parallel_loop3A_303 : i32 to index
        %parallel_loop3A_354 = arith.constant 80 : index
        %parallel_loop3A_355 = tpu.vector_load %arg18[%parallel_loop3A_352, %parallel_loop3A_353, %parallel_loop3A_354] {strides = array<i32>} : memref<2x64x128xf32, #tpu.memory_space<vmem>>, vector<16xf32>,
        %parallel_loop3A_356 = arith.mulf %parallel_loop3A_355, %parallel_loop3A_306 : vector<16xf32>
        %parallel_loop3A_357 = arith.index_cast %parallel_loop3A_303 : i32 to index
        %parallel_loop3A_358 = arith.constant 80 : index
        %parallel_loop3A_359 = tpu.vector_load %arg19[%parallel_loop3A_357, %parallel_loop3A_358] {strides = array<i32>} : memref<64x128xf32, #tpu.memory_space<vmem>>, vector<16xf32>,
        tpu.vector_store %arg19[%parallel_loop3A_357, %parallel_loop3A_358], %parallel_loop3A_356 {strides = array<i32>} : memref<64x128xf32, #tpu.memory_space<vmem>>, vector<16xf32>,
        %parallel_loop3A_360 = arith.index_cast %rem3A_139 : i32 to index
        %parallel_loop3A_361 = arith.index_cast %parallel_loop3A_303 : i32 to index
        %parallel_loop3A_362 = arith.constant 96 : index
        %parallel_loop3A_363 = tpu.vector_load %arg18[%parallel_loop3A_360, %parallel_loop3A_361, %parallel_loop3A_362] {strides = array<i32>} : memref<2x64x128xf32, #tpu.memory_space<vmem>>, vector<16xf32>,
        %parallel_loop3A_364 = arith.mulf %parallel_loop3A_363, %parallel_loop3A_306 : vector<16xf32>
        %parallel_loop3A_365 = arith.index_cast %parallel_loop3A_303 : i32 to index
        %parallel_loop3A_366 = arith.constant 96 : index
        %parallel_loop3A_367 = tpu.vector_load %arg19[%parallel_loop3A_365, %parallel_loop3A_366] {strides = array<i32>} : memref<64x128xf32, #tpu.memory_space<vmem>>, vector<16xf32>,
        tpu.vector_store %arg19[%parallel_loop3A_365, %parallel_loop3A_366], %parallel_loop3A_364 {strides = array<i32>} : memref<64x128xf32, #tpu.memory_space<vmem>>, vector<16xf32>,
        %parallel_loop3A_368 = arith.index_cast %rem3A_139 : i32 to index
        %parallel_loop3A_369 = arith.index_cast %parallel_loop3A_303 : i32 to index
        %parallel_loop3A_370 = arith.constant 112 : index
        %parallel_loop3A_371 = tpu.vector_load %arg18[%parallel_loop3A_368, %parallel_loop3A_369, %parallel_loop3A_370] {strides = array<i32>} : memref<2x64x128xf32, #tpu.memory_space<vmem>>, vector<16xf32>,
        %parallel_loop3A_372 = arith.mulf %parallel_loop3A_371, %parallel_loop3A_306 : vector<16xf32>
        %parallel_loop3A_373 = arith.index_cast %parallel_loop3A_303 : i32 to index
        %parallel_loop3A_374 = arith.constant 112 : index
        %parallel_loop3A_375 = tpu.vector_load %arg19[%parallel_loop3A_373, %parallel_loop3A_374] {strides = array<i32>} : memref<64x128xf32, #tpu.memory_space<vmem>>, vector<16xf32>,
        tpu.vector_store %arg19[%parallel_loop3A_373, %parallel_loop3A_374], %parallel_loop3A_372 {strides = array<i32>} : memref<64x128xf32, #tpu.memory_space<vmem>>, vector<16xf32>,
      } {sc.loop_unroll_factor = 4 : i64, sc.parallel_access}
      "tpu.region"() ({
        %run_scoped3A_303 = tpu.sem_alloc : memref<!tpu.dma_semaphore, #tpu.memory_space<semaphore_mem>>
        %dma_start3A_304 = arith.constant 0 : i32
        %dma_start3A_305 = tpu.memref_slice %arg11[%rem3A_139, %dma_start3A_304] : memref<2x64xi32, #tpu.memory_space<vmem>> -> memref<1x64xi32, #tpu.memory_space<vmem>>
        %dma_start3A_306 = tpu.memref_squeeze %dma_start3A_305 : memref<1x64xi32, #tpu.memory_space<vmem>> -> memref<64xi32, #tpu.memory_space<vmem>>
        %dma_start3A_307 = arith.constant 0 : i32
        %dma_start3A_308 = arith.constant 0 : i32
        %dma_start3A_309 = tpu.memref_slice %arg20[%dma_start3A_307, %dma_start3A_308] : memref<10240x128xf32, #tpu.memory_space<vmem_shared>> -> memref<10240x128xf32, #tpu.memory_space<vmem_shared>>
        tpu.enqueue_indirect_dma source(%arg19 : memref<64x128xf32, #tpu.memory_space<vmem>>) target(%dma_start3A_309 : memref<10240x128xf32, #tpu.memory_space<vmem_shared>>) offsets(%dma_start3A_306 : memref<64xi32, #tpu.memory_space<vmem>>) semaphore(%run_scoped3A_303 : memref<!tpu.dma_semaphore, #tpu.memory_space<semaphore_mem>>) {add = true}
        %dma_wait3A_310 = arith.constant 0 : i32
        %dma_wait3A_311 = tpu.memref_slice %arg11[%rem3A_139, %dma_wait3A_310] : memref<2x64xi32, #tpu.memory_space<vmem>> -> memref<1x64xi32, #tpu.memory_space<vmem>>
        %dma_wait3A_312 = tpu.memref_squeeze %dma_wait3A_311 : memref<1x64xi32, #tpu.memory_space<vmem>> -> memref<64xi32, #tpu.memory_space<vmem>>
        %dma_wait3A_313 = arith.constant 0 : i32
        %dma_wait3A_314 = arith.constant 0 : i32
        %dma_wait3A_315 = tpu.memref_slice %arg20[%dma_wait3A_313, %dma_wait3A_314] : memref<10240x128xf32, #tpu.memory_space<vmem_shared>> -> memref<10240x128xf32, #tpu.memory_space<vmem_shared>>
        tpu.wait_indirect_dma semaphore(%run_scoped3A_303 : memref<!tpu.dma_semaphore, #tpu.memory_space<semaphore_mem>>) src(%arg19 : memref<64x128xf32, #tpu.memory_space<vmem>>) dst(%dma_wait3A_315 : memref<10240x128xf32, #tpu.memory_space<vmem_shared>>)
        tpu.yield
      }) : () -> ()
    }
    %scan3A_130 = arith.constant 316 : i32
    %barrier3A_131 = arith.constant 0 : index
    tpu.barrier barrier_id(%barrier3A_131)
    %mul3A_132 = arith.constant 640 : i32
    %mul3A_133 = arith.muli %arg1, %mul3A_132 : i32
    %mul3A_134 = arith.constant 640 : i32
    %mul3A_135 = arith.muli %arg1, %mul3A_134 : i32
    "tpu.region"() ({
      %run_scoped3A_138 = tpu.sem_alloc : memref<!tpu.dma_semaphore, #tpu.memory_space<semaphore_mem>>
      %dma_start3A_139 = arith.constant 0 : i32
      %dma_start3A_140 = tpu.memref_slice %arg7[%arg0, %mul3A_135, %dma_start3A_139] : memref<2x10240x128xf32, #tpu.memory_space<hbm>> -> memref<1x640x128xf32, #tpu.memory_space<hbm>>
      %dma_start3A_141 = tpu.memref_squeeze %dma_start3A_140 : memref<1x640x128xf32, #tpu.memory_space<hbm>> -> memref<640x128xf32, #tpu.memory_space<hbm>>
      %dma_start3A_142 = arith.constant 0 : i32
      %dma_start3A_143 = tpu.memref_slice %arg20[%mul3A_133, %dma_start3A_142] : memref<10240x128xf32, #tpu.memory_space<vmem_shared>> -> memref<640x128xf32, #tpu.memory_space<vmem_shared>>
      tpu.enqueue_dma source(%dma_start3A_143 : memref<640x128xf32, #tpu.memory_space<vmem_shared>>) target(%dma_start3A_141 : memref<640x128xf32, #tpu.memory_space<hbm>>) target_semaphore(%run_scoped3A_138 : memref<!tpu.dma_semaphore, #tpu.memory_space<semaphore_mem>>)
      %dma_wait3A = arith.constant 0 : i32
      %dma_wait3A_144 = tpu.memref_slice %arg7[%arg0, %mul3A_135, %dma_wait3A] : memref<2x10240x128xf32, #tpu.memory_space<hbm>> -> memref<1x640x128xf32, #tpu.memory_space<hbm>>
      %dma_wait3A_145 = tpu.memref_squeeze %dma_wait3A_144 : memref<1x640x128xf32, #tpu.memory_space<hbm>> -> memref<640x128xf32, #tpu.memory_space<hbm>>
      %dma_wait3A_146 = arith.constant 0 : i32
      %dma_wait3A_147 = tpu.memref_slice %arg20[%mul3A_133, %dma_wait3A_146] : memref<10240x128xf32, #tpu.memory_space<vmem_shared>> -> memref<640x128xf32, #tpu.memory_space<vmem_shared>>
      tpu.wait_dma2 semaphore(%run_scoped3A_138 : memref<!tpu.dma_semaphore, #tpu.memory_space<semaphore_mem>>) src(%dma_wait3A_147 : memref<640x128xf32, #tpu.memory_space<vmem_shared>>) dst(%dma_wait3A_145 : memref<640x128xf32, #tpu.memory_space<hbm>>)
      tpu.yield
    }) : () -> ()
    %run_scoped3A_136 = arith.constant 0 : i32
    "tpu.region"() ({
      %run_scoped3A_138 = tpu.sem_alloc : memref<!tpu.dma_semaphore, #tpu.memory_space<semaphore_mem>>
      %dma_start3A_139 = arith.constant 0 : i32
      %dma_start3A_140 = tpu.memref_slice %arg8[%arg0, %run_scoped3A_136, %arg1, %dma_start3A_139] : memref<2x2x16x10240xf32, #tpu.memory_space<hbm>> -> memref<1x1x1x10240xf32, #tpu.memory_space<hbm>>
      %dma_start3A_141 = tpu.memref_squeeze %dma_start3A_140 : memref<1x1x1x10240xf32, #tpu.memory_space<hbm>> -> memref<10240xf32, #tpu.memory_space<hbm>>
      %dma_start3A_142 = arith.constant 0 : i32
      %dma_start3A_143 = tpu.memref_slice %arg8[%arg0, %run_scoped3A_136, %arg1, %dma_start3A_142] : memref<2x2x16x10240xf32, #tpu.memory_space<hbm>> -> memref<1x1x1x10240xf32, #tpu.memory_space<hbm>>
      %dma_start3A_144 = tpu.memref_squeeze %dma_start3A_143 : memref<1x1x1x10240xf32, #tpu.memory_space<hbm>> -> memref<10240xf32, #tpu.memory_space<hbm>>
      tpu.enqueue_dma source(%arg16 : memref<10240xf32, #tpu.memory_space<vmem>>) target(%dma_start3A_144 : memref<10240xf32, #tpu.memory_space<hbm>>) target_semaphore(%run_scoped3A_138 : memref<!tpu.dma_semaphore, #tpu.memory_space<semaphore_mem>>)
      %dma_wait3A = arith.constant 0 : i32
      %dma_wait3A_145 = tpu.memref_slice %arg8[%arg0, %run_scoped3A_136, %arg1, %dma_wait3A] : memref<2x2x16x10240xf32, #tpu.memory_space<hbm>> -> memref<1x1x1x10240xf32, #tpu.memory_space<hbm>>
      %dma_wait3A_146 = tpu.memref_squeeze %dma_wait3A_145 : memref<1x1x1x10240xf32, #tpu.memory_space<hbm>> -> memref<10240xf32, #tpu.memory_space<hbm>>
      %dma_wait3A_147 = arith.constant 0 : i32
      %dma_wait3A_148 = tpu.memref_slice %arg8[%arg0, %run_scoped3A_136, %arg1, %dma_wait3A_147] : memref<2x2x16x10240xf32, #tpu.memory_space<hbm>> -> memref<1x1x1x10240xf32, #tpu.memory_space<hbm>>
      %dma_wait3A_149 = tpu.memref_squeeze %dma_wait3A_148 : memref<1x1x1x10240xf32, #tpu.memory_space<hbm>> -> memref<10240xf32, #tpu.memory_space<hbm>>
      tpu.wait_dma2 semaphore(%run_scoped3A_138 : memref<!tpu.dma_semaphore, #tpu.memory_space<semaphore_mem>>) src(%arg16 : memref<10240xf32, #tpu.memory_space<vmem>>) dst(%dma_wait3A_149 : memref<10240xf32, #tpu.memory_space<hbm>>)
      tpu.yield
    }) : () -> ()
    %run_scoped3A_137 = arith.constant 1 : i32
    "tpu.region"() ({
      %run_scoped3A_138 = tpu.sem_alloc : memref<!tpu.dma_semaphore, #tpu.memory_space<semaphore_mem>>
      %dma_start3A_139 = arith.constant 0 : i32
      %dma_start3A_140 = tpu.memref_slice %arg8[%arg0, %run_scoped3A_137, %arg1, %dma_start3A_139] : memref<2x2x16x10240xf32, #tpu.memory_space<hbm>> -> memref<1x1x1x10240xf32, #tpu.memory_space<hbm>>
      %dma_start3A_141 = tpu.memref_squeeze %dma_start3A_140 : memref<1x1x1x10240xf32, #tpu.memory_space<hbm>> -> memref<10240xf32, #tpu.memory_space<hbm>>
      %dma_start3A_142 = arith.constant 0 : i32
      %dma_start3A_143 = tpu.memref_slice %arg8[%arg0, %run_scoped3A_137, %arg1, %dma_start3A_142] : memref<2x2x16x10240xf32, #tpu.memory_space<hbm>> -> memref<1x1x1x10240xf32, #tpu.memory_space<hbm>>
      %dma_start3A_144 = tpu.memref_squeeze %dma_start3A_143 : memref<1x1x1x10240xf32, #tpu.memory_space<hbm>> -> memref<10240xf32, #tpu.memory_space<hbm>>
      tpu.enqueue_dma source(%arg17 : memref<10240xf32, #tpu.memory_space<vmem>>) target(%dma_start3A_144 : memref<10240xf32, #tpu.memory_space<hbm>>) target_semaphore(%run_scoped3A_138 : memref<!tpu.dma_semaphore, #tpu.memory_space<semaphore_mem>>)
      %dma_wait3A = arith.constant 0 : i32
      %dma_wait3A_145 = tpu.memref_slice %arg8[%arg0, %run_scoped3A_137, %arg1, %dma_wait3A] : memref<2x2x16x10240xf32, #tpu.memory_space<hbm>> -> memref<1x1x1x10240xf32, #tpu.memory_space<hbm>>
      %dma_wait3A_146 = tpu.memref_squeeze %dma_wait3A_145 : memref<1x1x1x10240xf32, #tpu.memory_space<hbm>> -> memref<10240xf32, #tpu.memory_space<hbm>>
      %dma_wait3A_147 = arith.constant 0 : i32
      %dma_wait3A_148 = tpu.memref_slice %arg8[%arg0, %run_scoped3A_137, %arg1, %dma_wait3A_147] : memref<2x2x16x10240xf32, #tpu.memory_space<hbm>> -> memref<1x1x1x10240xf32, #tpu.memory_space<hbm>>
      %dma_wait3A_149 = tpu.memref_squeeze %dma_wait3A_148 : memref<1x1x1x10240xf32, #tpu.memory_space<hbm>> -> memref<10240xf32, #tpu.memory_space<hbm>>
      tpu.wait_dma2 semaphore(%run_scoped3A_138 : memref<!tpu.dma_semaphore, #tpu.memory_space<semaphore_mem>>) src(%arg17 : memref<10240xf32, #tpu.memory_space<vmem>>) dst(%dma_wait3A_149 : memref<10240xf32, #tpu.memory_space<hbm>>)
      tpu.yield
    }) : () -> ()
    return
  }
}

#map = affine_map<(d0, d1) -> (0, 0)>
#map1 = affine_map<(d0, d1) -> (0)>
#map2 = affine_map<(d0, d1) -> (0, 0, 0)>
module attributes {stable_mosaic.version = 14 : i64} {
  func.func @_sc_conv1_body(%arg0: i32, %arg1: i32, %arg2: memref<5056x128xi32, #tpu.memory_space<hbm>>, %arg3: memref<10240x64xf32, #tpu.memory_space<hbm>>, %arg4: memref<10240x16xf32, #tpu.memory_space<hbm>>, %arg5: memref<128xf32, #tpu.memory_space<hbm>>, %arg6: memref<640x128xf32, #tpu.memory_space<hbm>>, %arg7: memref<2x10240x128xf32, #tpu.memory_space<hbm>>, %arg8: memref<2x128xi32, #tpu.memory_space<vmem>>, %arg9: memref<2x64xi32, #tpu.memory_space<vmem>>, %arg10: memref<128x16xf32, #tpu.memory_space<vmem>>, %arg11: memref<64xf32, #tpu.memory_space<vmem>>, %arg12: memref<128xf32, #tpu.memory_space<vmem>>, %arg13: memref<2x64x64xf32, #tpu.memory_space<vmem>>, %arg14: memref<64x128xf32, #tpu.memory_space<vmem>>, %arg15: memref<10240x128xf32, #tpu.memory_space<vmem_shared>>, %arg16: memref<!tpu.dma_semaphore, #tpu.memory_space<semaphore_mem>>, %arg17: memref<2x!tpu.dma_semaphore, #tpu.memory_space<semaphore_mem>>) attributes {dimension_semantics = [#tpu.dimension_semantics<core_parallel>, #tpu.dimension_semantics<subcore_parallel>], iteration_bounds = array<i64: 2, 16>, scalar_prefetch = 0 : i64, scratch_operands = 10 : i64, tpu.core_type = #tpu.core_type<sc_vector_subcore>, window_params = [{transform_indices = #map}, {transform_indices = #map}, {transform_indices = #map}, {transform_indices = #map1}, {transform_indices = #map}, {transform_indices = #map2}]} {
    "tpu.region"() ({
      %run_scoped3A_71 = tpu.sem_alloc : memref<!tpu.dma_semaphore, #tpu.memory_space<semaphore_mem>>
      tpu.enqueue_dma source(%arg5 : memref<128xf32, #tpu.memory_space<hbm>>) target(%arg12 : memref<128xf32, #tpu.memory_space<vmem>>) target_semaphore(%run_scoped3A_71 : memref<!tpu.dma_semaphore, #tpu.memory_space<semaphore_mem>>)
      tpu.wait_dma2 semaphore(%run_scoped3A_71 : memref<!tpu.dma_semaphore, #tpu.memory_space<semaphore_mem>>) src(%arg5 : memref<128xf32, #tpu.memory_space<hbm>>) dst(%arg12 : memref<128xf32, #tpu.memory_space<vmem>>)
      tpu.yield
    }) : () -> ()
    %mul3A = arith.constant 640 : i32
    %mul3A_0 = arith.muli %arg1, %mul3A : i32
    "tpu.region"() ({
      %run_scoped3A_71 = tpu.sem_alloc : memref<!tpu.dma_semaphore, #tpu.memory_space<semaphore_mem>>
      %dma_start3A_72 = arith.constant 0 : i32
      %dma_start3A_73 = tpu.memref_slice %arg15[%mul3A_0, %dma_start3A_72] : memref<10240x128xf32, #tpu.memory_space<vmem_shared>> -> memref<640x128xf32, #tpu.memory_space<vmem_shared>>
      tpu.enqueue_dma source(%arg6 : memref<640x128xf32, #tpu.memory_space<hbm>>) target(%dma_start3A_73 : memref<640x128xf32, #tpu.memory_space<vmem_shared>>) target_semaphore(%run_scoped3A_71 : memref<!tpu.dma_semaphore, #tpu.memory_space<semaphore_mem>>)
      %dma_wait3A = arith.constant 0 : i32
      %dma_wait3A_74 = tpu.memref_slice %arg15[%mul3A_0, %dma_wait3A] : memref<10240x128xf32, #tpu.memory_space<vmem_shared>> -> memref<640x128xf32, #tpu.memory_space<vmem_shared>>
      tpu.wait_dma2 semaphore(%run_scoped3A_71 : memref<!tpu.dma_semaphore, #tpu.memory_space<semaphore_mem>>) src(%arg6 : memref<640x128xf32, #tpu.memory_space<hbm>>) dst(%dma_wait3A_74 : memref<640x128xf32, #tpu.memory_space<vmem_shared>>)
      tpu.yield
    }) : () -> ()
    %scan3A = arith.constant 0 : i32
    %scan3A_1 = arith.constant 0 : i32
    %scan3A_2 = arith.constant 64 : i32
    %scan3A_3 = arith.addi %scan3A_1, %scan3A_2 : i32
    %scan3A_4 = arith.constant 1 : i32
    scf.for %scan3A_71 = %scan3A_1 to %scan3A_3 step %scan3A_4  : i32 {
      %broadcast_in_dim3A_72 = arith.constant 0.000000e+00 : f32
      %broadcast_in_dim3A_73 = vector.broadcast %broadcast_in_dim3A_72 : f32 to vector<16xf32>
      %swap3A_74 = arith.index_cast %scan3A_71 : i32 to index
      %swap3A_75 = arith.constant 80 : index
      %swap3A_76 = tpu.vector_load %arg14[%swap3A_74, %swap3A_75] {strides = array<i32>} : memref<64x128xf32, #tpu.memory_space<vmem>>, vector<16xf32>,
      tpu.vector_store %arg14[%swap3A_74, %swap3A_75], %broadcast_in_dim3A_73 {strides = array<i32>} : memref<64x128xf32, #tpu.memory_space<vmem>>, vector<16xf32>,
      %broadcast_in_dim3A_77 = arith.constant 0.000000e+00 : f32
      %broadcast_in_dim3A_78 = vector.broadcast %broadcast_in_dim3A_77 : f32 to vector<16xf32>
      %swap3A_79 = arith.index_cast %scan3A_71 : i32 to index
      %swap3A_80 = arith.constant 96 : index
      %swap3A_81 = tpu.vector_load %arg14[%swap3A_79, %swap3A_80] {strides = array<i32>} : memref<64x128xf32, #tpu.memory_space<vmem>>, vector<16xf32>,
      tpu.vector_store %arg14[%swap3A_79, %swap3A_80], %broadcast_in_dim3A_78 {strides = array<i32>} : memref<64x128xf32, #tpu.memory_space<vmem>>, vector<16xf32>,
      %broadcast_in_dim3A_82 = arith.constant 0.000000e+00 : f32
      %broadcast_in_dim3A_83 = vector.broadcast %broadcast_in_dim3A_82 : f32 to vector<16xf32>
      %swap3A_84 = arith.index_cast %scan3A_71 : i32 to index
      %swap3A_85 = arith.constant 112 : index
      %swap3A_86 = tpu.vector_load %arg14[%swap3A_84, %swap3A_85] {strides = array<i32>} : memref<64x128xf32, #tpu.memory_space<vmem>>, vector<16xf32>,
      tpu.vector_store %arg14[%swap3A_84, %swap3A_85], %broadcast_in_dim3A_83 {strides = array<i32>} : memref<64x128xf32, #tpu.memory_space<vmem>>, vector<16xf32>,
    }
    %scan3A_5 = arith.constant 64 : i32
    %barrier3A = arith.constant 0 : index
    tpu.barrier barrier_id(%barrier3A)
    %broadcast_in_dim3A = vector.broadcast %arg0 : i32 to vector<16xi32>
    %gather3A = tpu.vector_load_idx %arg12[%broadcast_in_dim3A] : memref<128xf32, #tpu.memory_space<vmem>>[vector<16xi32>], vector<16xf32>,
    %mul3A_6 = arith.constant 2 : i32
    %mul3A_7 = arith.muli %arg1, %mul3A_6 : i32
    %add3A = arith.addi %mul3A_7, %arg0 : i32
    %mul3A_8 = arith.constant 158 : i32
    %mul3A_9 = arith.muli %add3A, %mul3A_8 : i32
    %iota3A = tpu.iota {dimensions = array<i32: 0>} : vector<16xi32>
    %broadcast_in_dim3A_10 = arith.constant 0 : i32
    %broadcast_in_dim3A_11 = vector.broadcast %broadcast_in_dim3A_10 : i32 to vector<16xi32>
    %broadcast_in_dim3A_12 = arith.constant 1 : i32
    %broadcast_in_dim3A_13 = vector.broadcast %broadcast_in_dim3A_12 : i32 to vector<16xi32>
    %add3A_14 = arith.constant 0 : i32
    %add3A_15 = arith.addi %mul3A_9, %add3A_14 : i32
    %run_scoped3A = arith.constant 0 : i32
    "tpu.region"() ({
      %run_scoped3A_71 = tpu.sem_alloc : memref<!tpu.dma_semaphore, #tpu.memory_space<semaphore_mem>>
      %dma_start3A_72 = arith.constant 0 : i32
      %dma_start3A_73 = tpu.memref_slice %arg8[%run_scoped3A, %dma_start3A_72] : memref<2x128xi32, #tpu.memory_space<vmem>> -> memref<1x128xi32, #tpu.memory_space<vmem>>
      %dma_start3A_74 = tpu.memref_squeeze %dma_start3A_73 : memref<1x128xi32, #tpu.memory_space<vmem>> -> memref<128xi32, #tpu.memory_space<vmem>>
      %dma_start3A_75 = arith.constant 0 : i32
      %dma_start3A_76 = tpu.memref_slice %arg2[%add3A_15, %dma_start3A_75] : memref<5056x128xi32, #tpu.memory_space<hbm>> -> memref<1x128xi32, #tpu.memory_space<hbm>>
      %dma_start3A_77 = tpu.memref_squeeze %dma_start3A_76 : memref<1x128xi32, #tpu.memory_space<hbm>> -> memref<128xi32, #tpu.memory_space<hbm>>
      %dma_start3A_78 = arith.constant 0 : i32
      %dma_start3A_79 = tpu.memref_slice %arg8[%run_scoped3A, %dma_start3A_78] : memref<2x128xi32, #tpu.memory_space<vmem>> -> memref<1x128xi32, #tpu.memory_space<vmem>>
      %dma_start3A_80 = tpu.memref_squeeze %dma_start3A_79 : memref<1x128xi32, #tpu.memory_space<vmem>> -> memref<128xi32, #tpu.memory_space<vmem>>
      %dma_start3A_81 = arith.constant 0 : i32
      %dma_start3A_82 = tpu.memref_slice %arg2[%add3A_15, %dma_start3A_81] : memref<5056x128xi32, #tpu.memory_space<hbm>> -> memref<1x128xi32, #tpu.memory_space<hbm>>
      %dma_start3A_83 = tpu.memref_squeeze %dma_start3A_82 : memref<1x128xi32, #tpu.memory_space<hbm>> -> memref<128xi32, #tpu.memory_space<hbm>>
      tpu.enqueue_dma source(%dma_start3A_83 : memref<128xi32, #tpu.memory_space<hbm>>) target(%dma_start3A_80 : memref<128xi32, #tpu.memory_space<vmem>>) target_semaphore(%run_scoped3A_71 : memref<!tpu.dma_semaphore, #tpu.memory_space<semaphore_mem>>)
      %dma_wait3A = arith.constant 0 : i32
      %dma_wait3A_84 = tpu.memref_slice %arg8[%run_scoped3A, %dma_wait3A] : memref<2x128xi32, #tpu.memory_space<vmem>> -> memref<1x128xi32, #tpu.memory_space<vmem>>
      %dma_wait3A_85 = tpu.memref_squeeze %dma_wait3A_84 : memref<1x128xi32, #tpu.memory_space<vmem>> -> memref<128xi32, #tpu.memory_space<vmem>>
      %dma_wait3A_86 = arith.constant 0 : i32
      %dma_wait3A_87 = tpu.memref_slice %arg2[%add3A_15, %dma_wait3A_86] : memref<5056x128xi32, #tpu.memory_space<hbm>> -> memref<1x128xi32, #tpu.memory_space<hbm>>
      %dma_wait3A_88 = tpu.memref_squeeze %dma_wait3A_87 : memref<1x128xi32, #tpu.memory_space<hbm>> -> memref<128xi32, #tpu.memory_space<hbm>>
      %dma_wait3A_89 = arith.constant 0 : i32
      %dma_wait3A_90 = tpu.memref_slice %arg8[%run_scoped3A, %dma_wait3A_89] : memref<2x128xi32, #tpu.memory_space<vmem>> -> memref<1x128xi32, #tpu.memory_space<vmem>>
      %dma_wait3A_91 = tpu.memref_squeeze %dma_wait3A_90 : memref<1x128xi32, #tpu.memory_space<vmem>> -> memref<128xi32, #tpu.memory_space<vmem>>
      %dma_wait3A_92 = arith.constant 0 : i32
      %dma_wait3A_93 = tpu.memref_slice %arg2[%add3A_15, %dma_wait3A_92] : memref<5056x128xi32, #tpu.memory_space<hbm>> -> memref<1x128xi32, #tpu.memory_space<hbm>>
      %dma_wait3A_94 = tpu.memref_squeeze %dma_wait3A_93 : memref<1x128xi32, #tpu.memory_space<hbm>> -> memref<128xi32, #tpu.memory_space<hbm>>
      tpu.wait_dma2 semaphore(%run_scoped3A_71 : memref<!tpu.dma_semaphore, #tpu.memory_space<semaphore_mem>>) src(%dma_wait3A_94 : memref<128xi32, #tpu.memory_space<hbm>>) dst(%dma_wait3A_91 : memref<128xi32, #tpu.memory_space<vmem>>)
      tpu.yield
    }) : () -> ()
    %get3A = arith.constant 0 : i32
    %get3A_16 = arith.index_cast %get3A : i32 to index
    %get3A_17 = arith.constant 64 : index
    %get3A_18 = tpu.vector_load %arg8[%get3A_16, %get3A_17] {strides = array<i32>} : memref<2x128xi32, #tpu.memory_space<vmem>>, vector<16xi32>,
    %swap3A = arith.constant 0 : i32
    %swap3A_19 = arith.index_cast %swap3A : i32 to index
    %swap3A_20 = arith.constant 0 : index
    %swap3A_21 = tpu.vector_load %arg9[%swap3A_19, %swap3A_20] {strides = array<i32>} : memref<2x64xi32, #tpu.memory_space<vmem>>, vector<16xi32>,
    tpu.vector_store %arg9[%swap3A_19, %swap3A_20], %get3A_18 {strides = array<i32>} : memref<2x64xi32, #tpu.memory_space<vmem>>, vector<16xi32>,
    %get3A_22 = arith.constant 0 : i32
    %get3A_23 = arith.index_cast %get3A_22 : i32 to index
    %get3A_24 = arith.constant 80 : index
    %get3A_25 = tpu.vector_load %arg8[%get3A_23, %get3A_24] {strides = array<i32>} : memref<2x128xi32, #tpu.memory_space<vmem>>, vector<16xi32>,
    %swap3A_26 = arith.constant 0 : i32
    %swap3A_27 = arith.index_cast %swap3A_26 : i32 to index
    %swap3A_28 = arith.constant 16 : index
    %swap3A_29 = tpu.vector_load %arg9[%swap3A_27, %swap3A_28] {strides = array<i32>} : memref<2x64xi32, #tpu.memory_space<vmem>>, vector<16xi32>,
    tpu.vector_store %arg9[%swap3A_27, %swap3A_28], %get3A_25 {strides = array<i32>} : memref<2x64xi32, #tpu.memory_space<vmem>>, vector<16xi32>,
    %get3A_30 = arith.constant 0 : i32
    %get3A_31 = arith.index_cast %get3A_30 : i32 to index
    %get3A_32 = arith.constant 96 : index
    %get3A_33 = tpu.vector_load %arg8[%get3A_31, %get3A_32] {strides = array<i32>} : memref<2x128xi32, #tpu.memory_space<vmem>>, vector<16xi32>,
    %swap3A_34 = arith.constant 0 : i32
    %swap3A_35 = arith.index_cast %swap3A_34 : i32 to index
    %swap3A_36 = arith.constant 32 : index
    %swap3A_37 = tpu.vector_load %arg9[%swap3A_35, %swap3A_36] {strides = array<i32>} : memref<2x64xi32, #tpu.memory_space<vmem>>, vector<16xi32>,
    tpu.vector_store %arg9[%swap3A_35, %swap3A_36], %get3A_33 {strides = array<i32>} : memref<2x64xi32, #tpu.memory_space<vmem>>, vector<16xi32>,
    %get3A_38 = arith.constant 0 : i32
    %get3A_39 = arith.index_cast %get3A_38 : i32 to index
    %get3A_40 = arith.constant 112 : index
    %get3A_41 = tpu.vector_load %arg8[%get3A_39, %get3A_40] {strides = array<i32>} : memref<2x128xi32, #tpu.memory_space<vmem>>, vector<16xi32>,
    %swap3A_42 = arith.constant 0 : i32
    %swap3A_43 = arith.index_cast %swap3A_42 : i32 to index
    %swap3A_44 = arith.constant 48 : index
    %swap3A_45 = tpu.vector_load %arg9[%swap3A_43, %swap3A_44] {strides = array<i32>} : memref<2x64xi32, #tpu.memory_space<vmem>>, vector<16xi32>,
    tpu.vector_store %arg9[%swap3A_43, %swap3A_44], %get3A_41 {strides = array<i32>} : memref<2x64xi32, #tpu.memory_space<vmem>>, vector<16xi32>,
    %dma_start3A = arith.constant 0 : i32
    %dma_start3A_46 = arith.constant 0 : i32
    %dma_start3A_47 = arith.constant 0 : i32
    %dma_start3A_48 = arith.constant 0 : i32
    %dma_start3A_49 = arith.constant 0 : i32
    %dma_start3A_50 = tpu.memref_slice %arg13[%dma_start3A_46, %dma_start3A_48, %dma_start3A_49] : memref<2x64x64xf32, #tpu.memory_space<vmem>> -> memref<1x64x64xf32, #tpu.memory_space<vmem>>
    %dma_start3A_51 = tpu.memref_squeeze %dma_start3A_50 : memref<1x64x64xf32, #tpu.memory_space<vmem>> -> memref<64x64xf32, #tpu.memory_space<vmem>>
    %dma_start3A_52 = arith.constant 0 : i32
    %dma_start3A_53 = tpu.memref_slice %arg8[%dma_start3A, %dma_start3A_52] : memref<2x128xi32, #tpu.memory_space<vmem>> -> memref<1x64xi32, #tpu.memory_space<vmem>>
    %dma_start3A_54 = tpu.memref_squeeze %dma_start3A_53 : memref<1x64xi32, #tpu.memory_space<vmem>> -> memref<64xi32, #tpu.memory_space<vmem>>
    %dma_start3A_55 = arith.constant 0 : i32
    %dma_start3A_56 = arith.constant 0 : i32
    %dma_start3A_57 = tpu.memref_slice %arg3[%dma_start3A_55, %dma_start3A_56] : memref<10240x64xf32, #tpu.memory_space<hbm>> -> memref<10240x64xf32, #tpu.memory_space<hbm>>
    %dma_start3A_58 = tpu.memref_slice %arg17[%dma_start3A_47] : memref<2x!tpu.dma_semaphore, #tpu.memory_space<semaphore_mem>> -> memref<1x!tpu.dma_semaphore, #tpu.memory_space<semaphore_mem>>
    %dma_start3A_59 = tpu.memref_squeeze %dma_start3A_58 : memref<1x!tpu.dma_semaphore, #tpu.memory_space<semaphore_mem>> -> memref<!tpu.dma_semaphore, #tpu.memory_space<semaphore_mem>>
    tpu.enqueue_indirect_dma source(%dma_start3A_57 : memref<10240x64xf32, #tpu.memory_space<hbm>>) target(%dma_start3A_51 : memref<64x64xf32, #tpu.memory_space<vmem>>) offsets(%dma_start3A_54 : memref<64xi32, #tpu.memory_space<vmem>>) semaphore(%dma_start3A_59 : memref<!tpu.dma_semaphore, #tpu.memory_space<semaphore_mem>>)
    %scan3A_60 = arith.constant 0 : i32
    %scan3A_61 = arith.constant 0 : i32
    %scan3A_62 = arith.constant 158 : i32
    %scan3A_63 = arith.addi %scan3A_61, %scan3A_62 : i32
    %scan3A_64 = arith.constant 1 : i32
    scf.for %scan3A_71 = %scan3A_61 to %scan3A_63 step %scan3A_64  : i32 {
      %rem3A = arith.constant 2 : i32
      %rem3A_72 = arith.remsi %scan3A_71, %rem3A : i32
      %sub3A = arith.constant 1 : i32
      %sub3A_73 = arith.subi %sub3A, %rem3A_72 : i32
      %dma_start3A_74 = arith.constant 0 : i32
      %dma_start3A_75 = tpu.memref_slice %arg8[%rem3A_72, %dma_start3A_74] : memref<2x128xi32, #tpu.memory_space<vmem>> -> memref<1x128xi32, #tpu.memory_space<vmem>>
      %dma_start3A_76 = tpu.memref_squeeze %dma_start3A_75 : memref<1x128xi32, #tpu.memory_space<vmem>> -> memref<128xi32, #tpu.memory_space<vmem>>
      %dma_start3A_77 = arith.constant 0 : i32
      %dma_start3A_78 = arith.constant 0 : i32
      %dma_start3A_79 = tpu.memref_slice %arg4[%dma_start3A_77, %dma_start3A_78] : memref<10240x16xf32, #tpu.memory_space<hbm>> -> memref<10240x16xf32, #tpu.memory_space<hbm>>
      tpu.enqueue_indirect_dma source(%dma_start3A_79 : memref<10240x16xf32, #tpu.memory_space<hbm>>) target(%arg10 : memref<128x16xf32, #tpu.memory_space<vmem>>) offsets(%dma_start3A_76 : memref<128xi32, #tpu.memory_space<vmem>>) semaphore(%arg16 : memref<!tpu.dma_semaphore, #tpu.memory_space<semaphore_mem>>)
      %add3A_80 = arith.constant 1 : i32
      %add3A_81 = arith.addi %scan3A_71, %add3A_80 : i32
      %lt3A = arith.constant 158 : i32
      %lt3A_82 = arith.cmpi slt, %add3A_81, %lt3A : i32
      %convert_element_type3A = arith.extui %lt3A_82 : i1 to i32
      %cond3A = arith.constant 0 : i32
      %cond3A_83 = arith.cmpi ne, %convert_element_type3A, %cond3A : i32
      scf.if %cond3A_83 {
        %add3A_180 = arith.constant 1 : i32
        %add3A_181 = arith.addi %scan3A_71, %add3A_180 : i32
        %add3A_182 = arith.addi %mul3A_9, %add3A_181 : i32
        "tpu.region"() ({
          %run_scoped3A_219 = tpu.sem_alloc : memref<!tpu.dma_semaphore, #tpu.memory_space<semaphore_mem>>
          %dma_start3A_220 = arith.constant 0 : i32
          %dma_start3A_221 = tpu.memref_slice %arg8[%sub3A_73, %dma_start3A_220] : memref<2x128xi32, #tpu.memory_space<vmem>> -> memref<1x128xi32, #tpu.memory_space<vmem>>
          %dma_start3A_222 = tpu.memref_squeeze %dma_start3A_221 : memref<1x128xi32, #tpu.memory_space<vmem>> -> memref<128xi32, #tpu.memory_space<vmem>>
          %dma_start3A_223 = arith.constant 0 : i32
          %dma_start3A_224 = tpu.memref_slice %arg2[%add3A_182, %dma_start3A_223] : memref<5056x128xi32, #tpu.memory_space<hbm>> -> memref<1x128xi32, #tpu.memory_space<hbm>>
          %dma_start3A_225 = tpu.memref_squeeze %dma_start3A_224 : memref<1x128xi32, #tpu.memory_space<hbm>> -> memref<128xi32, #tpu.memory_space<hbm>>
          %dma_start3A_226 = arith.constant 0 : i32
          %dma_start3A_227 = tpu.memref_slice %arg8[%sub3A_73, %dma_start3A_226] : memref<2x128xi32, #tpu.memory_space<vmem>> -> memref<1x128xi32, #tpu.memory_space<vmem>>
          %dma_start3A_228 = tpu.memref_squeeze %dma_start3A_227 : memref<1x128xi32, #tpu.memory_space<vmem>> -> memref<128xi32, #tpu.memory_space<vmem>>
          %dma_start3A_229 = arith.constant 0 : i32
          %dma_start3A_230 = tpu.memref_slice %arg2[%add3A_182, %dma_start3A_229] : memref<5056x128xi32, #tpu.memory_space<hbm>> -> memref<1x128xi32, #tpu.memory_space<hbm>>
          %dma_start3A_231 = tpu.memref_squeeze %dma_start3A_230 : memref<1x128xi32, #tpu.memory_space<hbm>> -> memref<128xi32, #tpu.memory_space<hbm>>
          tpu.enqueue_dma source(%dma_start3A_231 : memref<128xi32, #tpu.memory_space<hbm>>) target(%dma_start3A_228 : memref<128xi32, #tpu.memory_space<vmem>>) target_semaphore(%run_scoped3A_219 : memref<!tpu.dma_semaphore, #tpu.memory_space<semaphore_mem>>)
          %dma_wait3A_232 = arith.constant 0 : i32
          %dma_wait3A_233 = tpu.memref_slice %arg8[%sub3A_73, %dma_wait3A_232] : memref<2x128xi32, #tpu.memory_space<vmem>> -> memref<1x128xi32, #tpu.memory_space<vmem>>
          %dma_wait3A_234 = tpu.memref_squeeze %dma_wait3A_233 : memref<1x128xi32, #tpu.memory_space<vmem>> -> memref<128xi32, #tpu.memory_space<vmem>>
          %dma_wait3A_235 = arith.constant 0 : i32
          %dma_wait3A_236 = tpu.memref_slice %arg2[%add3A_182, %dma_wait3A_235] : memref<5056x128xi32, #tpu.memory_space<hbm>> -> memref<1x128xi32, #tpu.memory_space<hbm>>
          %dma_wait3A_237 = tpu.memref_squeeze %dma_wait3A_236 : memref<1x128xi32, #tpu.memory_space<hbm>> -> memref<128xi32, #tpu.memory_space<hbm>>
          %dma_wait3A_238 = arith.constant 0 : i32
          %dma_wait3A_239 = tpu.memref_slice %arg8[%sub3A_73, %dma_wait3A_238] : memref<2x128xi32, #tpu.memory_space<vmem>> -> memref<1x128xi32, #tpu.memory_space<vmem>>
          %dma_wait3A_240 = tpu.memref_squeeze %dma_wait3A_239 : memref<1x128xi32, #tpu.memory_space<vmem>> -> memref<128xi32, #tpu.memory_space<vmem>>
          %dma_wait3A_241 = arith.constant 0 : i32
          %dma_wait3A_242 = tpu.memref_slice %arg2[%add3A_182, %dma_wait3A_241] : memref<5056x128xi32, #tpu.memory_space<hbm>> -> memref<1x128xi32, #tpu.memory_space<hbm>>
          %dma_wait3A_243 = tpu.memref_squeeze %dma_wait3A_242 : memref<1x128xi32, #tpu.memory_space<hbm>> -> memref<128xi32, #tpu.memory_space<hbm>>
          tpu.wait_dma2 semaphore(%run_scoped3A_219 : memref<!tpu.dma_semaphore, #tpu.memory_space<semaphore_mem>>) src(%dma_wait3A_243 : memref<128xi32, #tpu.memory_space<hbm>>) dst(%dma_wait3A_240 : memref<128xi32, #tpu.memory_space<vmem>>)
          tpu.yield
        }) : () -> ()
        %get3A_183 = arith.index_cast %sub3A_73 : i32 to index
        %get3A_184 = arith.constant 64 : index
        %get3A_185 = tpu.vector_load %arg8[%get3A_183, %get3A_184] {strides = array<i32>} : memref<2x128xi32, #tpu.memory_space<vmem>>, vector<16xi32>,
        %swap3A_186 = arith.index_cast %sub3A_73 : i32 to index
        %swap3A_187 = arith.constant 0 : index
        %swap3A_188 = tpu.vector_load %arg9[%swap3A_186, %swap3A_187] {strides = array<i32>} : memref<2x64xi32, #tpu.memory_space<vmem>>, vector<16xi32>,
        tpu.vector_store %arg9[%swap3A_186, %swap3A_187], %get3A_185 {strides = array<i32>} : memref<2x64xi32, #tpu.memory_space<vmem>>, vector<16xi32>,
        %get3A_189 = arith.index_cast %sub3A_73 : i32 to index
        %get3A_190 = arith.constant 80 : index
        %get3A_191 = tpu.vector_load %arg8[%get3A_189, %get3A_190] {strides = array<i32>} : memref<2x128xi32, #tpu.memory_space<vmem>>, vector<16xi32>,
        %swap3A_192 = arith.index_cast %sub3A_73 : i32 to index
        %swap3A_193 = arith.constant 16 : index
        %swap3A_194 = tpu.vector_load %arg9[%swap3A_192, %swap3A_193] {strides = array<i32>} : memref<2x64xi32, #tpu.memory_space<vmem>>, vector<16xi32>,
        tpu.vector_store %arg9[%swap3A_192, %swap3A_193], %get3A_191 {strides = array<i32>} : memref<2x64xi32, #tpu.memory_space<vmem>>, vector<16xi32>,
        %get3A_195 = arith.index_cast %sub3A_73 : i32 to index
        %get3A_196 = arith.constant 96 : index
        %get3A_197 = tpu.vector_load %arg8[%get3A_195, %get3A_196] {strides = array<i32>} : memref<2x128xi32, #tpu.memory_space<vmem>>, vector<16xi32>,
        %swap3A_198 = arith.index_cast %sub3A_73 : i32 to index
        %swap3A_199 = arith.constant 32 : index
        %swap3A_200 = tpu.vector_load %arg9[%swap3A_198, %swap3A_199] {strides = array<i32>} : memref<2x64xi32, #tpu.memory_space<vmem>>, vector<16xi32>,
        tpu.vector_store %arg9[%swap3A_198, %swap3A_199], %get3A_197 {strides = array<i32>} : memref<2x64xi32, #tpu.memory_space<vmem>>, vector<16xi32>,
        %get3A_201 = arith.index_cast %sub3A_73 : i32 to index
        %get3A_202 = arith.constant 112 : index
        %get3A_203 = tpu.vector_load %arg8[%get3A_201, %get3A_202] {strides = array<i32>} : memref<2x128xi32, #tpu.memory_space<vmem>>, vector<16xi32>,
        %swap3A_204 = arith.index_cast %sub3A_73 : i32 to index
        %swap3A_205 = arith.constant 48 : index
        %swap3A_206 = tpu.vector_load %arg9[%swap3A_204, %swap3A_205] {strides = array<i32>} : memref<2x64xi32, #tpu.memory_space<vmem>>, vector<16xi32>,
        tpu.vector_store %arg9[%swap3A_204, %swap3A_205], %get3A_203 {strides = array<i32>} : memref<2x64xi32, #tpu.memory_space<vmem>>, vector<16xi32>,
        %dma_start3A_207 = arith.constant 0 : i32
        %dma_start3A_208 = arith.constant 0 : i32
        %dma_start3A_209 = tpu.memref_slice %arg13[%sub3A_73, %dma_start3A_207, %dma_start3A_208] : memref<2x64x64xf32, #tpu.memory_space<vmem>> -> memref<1x64x64xf32, #tpu.memory_space<vmem>>
        %dma_start3A_210 = tpu.memref_squeeze %dma_start3A_209 : memref<1x64x64xf32, #tpu.memory_space<vmem>> -> memref<64x64xf32, #tpu.memory_space<vmem>>
        %dma_start3A_211 = arith.constant 0 : i32
        %dma_start3A_212 = tpu.memref_slice %arg8[%sub3A_73, %dma_start3A_211] : memref<2x128xi32, #tpu.memory_space<vmem>> -> memref<1x64xi32, #tpu.memory_space<vmem>>
        %dma_start3A_213 = tpu.memref_squeeze %dma_start3A_212 : memref<1x64xi32, #tpu.memory_space<vmem>> -> memref<64xi32, #tpu.memory_space<vmem>>
        %dma_start3A_214 = arith.constant 0 : i32
        %dma_start3A_215 = arith.constant 0 : i32
        %dma_start3A_216 = tpu.memref_slice %arg3[%dma_start3A_214, %dma_start3A_215] : memref<10240x64xf32, #tpu.memory_space<hbm>> -> memref<10240x64xf32, #tpu.memory_space<hbm>>
        %dma_start3A_217 = tpu.memref_slice %arg17[%sub3A_73] : memref<2x!tpu.dma_semaphore, #tpu.memory_space<semaphore_mem>> -> memref<1x!tpu.dma_semaphore, #tpu.memory_space<semaphore_mem>>
        %dma_start3A_218 = tpu.memref_squeeze %dma_start3A_217 : memref<1x!tpu.dma_semaphore, #tpu.memory_space<semaphore_mem>> -> memref<!tpu.dma_semaphore, #tpu.memory_space<semaphore_mem>>
        tpu.enqueue_indirect_dma source(%dma_start3A_216 : memref<10240x64xf32, #tpu.memory_space<hbm>>) target(%dma_start3A_210 : memref<64x64xf32, #tpu.memory_space<vmem>>) offsets(%dma_start3A_213 : memref<64xi32, #tpu.memory_space<vmem>>) semaphore(%dma_start3A_218 : memref<!tpu.dma_semaphore, #tpu.memory_space<semaphore_mem>>)
      } else {
      }
      %dma_wait3A = arith.constant 0 : i32
      %dma_wait3A_84 = tpu.memref_slice %arg8[%rem3A_72, %dma_wait3A] : memref<2x128xi32, #tpu.memory_space<vmem>> -> memref<1x128xi32, #tpu.memory_space<vmem>>
      %dma_wait3A_85 = tpu.memref_squeeze %dma_wait3A_84 : memref<1x128xi32, #tpu.memory_space<vmem>> -> memref<128xi32, #tpu.memory_space<vmem>>
      %dma_wait3A_86 = arith.constant 0 : i32
      %dma_wait3A_87 = arith.constant 0 : i32
      %dma_wait3A_88 = tpu.memref_slice %arg4[%dma_wait3A_86, %dma_wait3A_87] : memref<10240x16xf32, #tpu.memory_space<hbm>> -> memref<10240x16xf32, #tpu.memory_space<hbm>>
      tpu.wait_indirect_dma semaphore(%arg16 : memref<!tpu.dma_semaphore, #tpu.memory_space<semaphore_mem>>) src(%dma_wait3A_88 : memref<10240x16xf32, #tpu.memory_space<hbm>>) dst(%arg10 : memref<128x16xf32, #tpu.memory_space<vmem>>)
      %add3A_89 = arith.constant 0 : i32
      %add3A_90 = vector.broadcast %add3A_89 : i32 to vector<16xi32>
      %add3A_91 = arith.addi %iota3A, %add3A_90 : vector<16xi32>
      %add3A_92 = arith.constant 64 : i32
      %add3A_93 = vector.broadcast %add3A_92 : i32 to vector<16xi32>
      %add3A_94 = arith.addi %add3A_91, %add3A_93 : vector<16xi32>
      %gather3A_95 = tpu.vector_load_idx %arg10[%add3A_91, %broadcast_in_dim3A_11] : memref<128x16xf32, #tpu.memory_space<vmem>>[vector<16xi32>, vector<16xi32>], vector<16xf32>,
      %gather3A_96 = tpu.vector_load_idx %arg10[%add3A_94, %broadcast_in_dim3A_13] : memref<128x16xf32, #tpu.memory_space<vmem>>[vector<16xi32>, vector<16xi32>], vector<16xf32>,
      %add3A_97 = arith.addf %gather3A_95, %gather3A_96 : vector<16xf32>
      %ge3A = arith.constant 0.000000e+00 : f32
      %ge3A_98 = vector.broadcast %ge3A : f32 to vector<16xf32>
      %ge3A_99 = arith.cmpf oge, %add3A_97, %ge3A_98 : vector<16xf32>
      %mul3A_100 = arith.constant 2.000000e-01 : f32
      %mul3A_101 = vector.broadcast %mul3A_100 : f32 to vector<16xf32>
      %mul3A_102 = arith.mulf %mul3A_101, %add3A_97 : vector<16xf32>
      %select_n3A = arith.select %ge3A_99, %add3A_97, %mul3A_102 : vector<16xi1>, vector<16xf32>
      %sub3A_103 = arith.subf %select_n3A, %gather3A : vector<16xf32>
      %exp3A = math.exp %sub3A_103 : vector<16xf32>
      %swap3A_104 = arith.constant 0 : index
      %swap3A_105 = tpu.vector_load %arg11[%swap3A_104] {strides = array<i32>} : memref<64xf32, #tpu.memory_space<vmem>>, vector<16xf32>,
      tpu.vector_store %arg11[%swap3A_104], %exp3A {strides = array<i32>} : memref<64xf32, #tpu.memory_space<vmem>>, vector<16xf32>,
      %add3A_106 = arith.constant 16 : i32
      %add3A_107 = vector.broadcast %add3A_106 : i32 to vector<16xi32>
      %add3A_108 = arith.addi %iota3A, %add3A_107 : vector<16xi32>
      %add3A_109 = arith.constant 64 : i32
      %add3A_110 = vector.broadcast %add3A_109 : i32 to vector<16xi32>
      %add3A_111 = arith.addi %add3A_108, %add3A_110 : vector<16xi32>
      %gather3A_112 = tpu.vector_load_idx %arg10[%add3A_108, %broadcast_in_dim3A_11] : memref<128x16xf32, #tpu.memory_space<vmem>>[vector<16xi32>, vector<16xi32>], vector<16xf32>,
      %gather3A_113 = tpu.vector_load_idx %arg10[%add3A_111, %broadcast_in_dim3A_13] : memref<128x16xf32, #tpu.memory_space<vmem>>[vector<16xi32>, vector<16xi32>], vector<16xf32>,
      %add3A_114 = arith.addf %gather3A_112, %gather3A_113 : vector<16xf32>
      %ge3A_115 = arith.constant 0.000000e+00 : f32
      %ge3A_116 = vector.broadcast %ge3A_115 : f32 to vector<16xf32>
      %ge3A_117 = arith.cmpf oge, %add3A_114, %ge3A_116 : vector<16xf32>
      %mul3A_118 = arith.constant 2.000000e-01 : f32
      %mul3A_119 = vector.broadcast %mul3A_118 : f32 to vector<16xf32>
      %mul3A_120 = arith.mulf %mul3A_119, %add3A_114 : vector<16xf32>
      %select_n3A_121 = arith.select %ge3A_117, %add3A_114, %mul3A_120 : vector<16xi1>, vector<16xf32>
      %sub3A_122 = arith.subf %select_n3A_121, %gather3A : vector<16xf32>
      %exp3A_123 = math.exp %sub3A_122 : vector<16xf32>
      %swap3A_124 = arith.constant 16 : index
      %swap3A_125 = tpu.vector_load %arg11[%swap3A_124] {strides = array<i32>} : memref<64xf32, #tpu.memory_space<vmem>>, vector<16xf32>,
      tpu.vector_store %arg11[%swap3A_124], %exp3A_123 {strides = array<i32>} : memref<64xf32, #tpu.memory_space<vmem>>, vector<16xf32>,
      %add3A_126 = arith.constant 32 : i32
      %add3A_127 = vector.broadcast %add3A_126 : i32 to vector<16xi32>
      %add3A_128 = arith.addi %iota3A, %add3A_127 : vector<16xi32>
      %add3A_129 = arith.constant 64 : i32
      %add3A_130 = vector.broadcast %add3A_129 : i32 to vector<16xi32>
      %add3A_131 = arith.addi %add3A_128, %add3A_130 : vector<16xi32>
      %gather3A_132 = tpu.vector_load_idx %arg10[%add3A_128, %broadcast_in_dim3A_11] : memref<128x16xf32, #tpu.memory_space<vmem>>[vector<16xi32>, vector<16xi32>], vector<16xf32>,
      %gather3A_133 = tpu.vector_load_idx %arg10[%add3A_131, %broadcast_in_dim3A_13] : memref<128x16xf32, #tpu.memory_space<vmem>>[vector<16xi32>, vector<16xi32>], vector<16xf32>,
      %add3A_134 = arith.addf %gather3A_132, %gather3A_133 : vector<16xf32>
      %ge3A_135 = arith.constant 0.000000e+00 : f32
      %ge3A_136 = vector.broadcast %ge3A_135 : f32 to vector<16xf32>
      %ge3A_137 = arith.cmpf oge, %add3A_134, %ge3A_136 : vector<16xf32>
      %mul3A_138 = arith.constant 2.000000e-01 : f32
      %mul3A_139 = vector.broadcast %mul3A_138 : f32 to vector<16xf32>
      %mul3A_140 = arith.mulf %mul3A_139, %add3A_134 : vector<16xf32>
      %select_n3A_141 = arith.select %ge3A_137, %add3A_134, %mul3A_140 : vector<16xi1>, vector<16xf32>
      %sub3A_142 = arith.subf %select_n3A_141, %gather3A : vector<16xf32>
      %exp3A_143 = math.exp %sub3A_142 : vector<16xf32>
      %swap3A_144 = arith.constant 32 : index
      %swap3A_145 = tpu.vector_load %arg11[%swap3A_144] {strides = array<i32>} : memref<64xf32, #tpu.memory_space<vmem>>, vector<16xf32>,
      tpu.vector_store %arg11[%swap3A_144], %exp3A_143 {strides = array<i32>} : memref<64xf32, #tpu.memory_space<vmem>>, vector<16xf32>,
      %add3A_146 = arith.constant 48 : i32
      %add3A_147 = vector.broadcast %add3A_146 : i32 to vector<16xi32>
      %add3A_148 = arith.addi %iota3A, %add3A_147 : vector<16xi32>
      %add3A_149 = arith.constant 64 : i32
      %add3A_150 = vector.broadcast %add3A_149 : i32 to vector<16xi32>
      %add3A_151 = arith.addi %add3A_148, %add3A_150 : vector<16xi32>
      %gather3A_152 = tpu.vector_load_idx %arg10[%add3A_148, %broadcast_in_dim3A_11] : memref<128x16xf32, #tpu.memory_space<vmem>>[vector<16xi32>, vector<16xi32>], vector<16xf32>,
      %gather3A_153 = tpu.vector_load_idx %arg10[%add3A_151, %broadcast_in_dim3A_13] : memref<128x16xf32, #tpu.memory_space<vmem>>[vector<16xi32>, vector<16xi32>], vector<16xf32>,
      %add3A_154 = arith.addf %gather3A_152, %gather3A_153 : vector<16xf32>
      %ge3A_155 = arith.constant 0.000000e+00 : f32
      %ge3A_156 = vector.broadcast %ge3A_155 : f32 to vector<16xf32>
      %ge3A_157 = arith.cmpf oge, %add3A_154, %ge3A_156 : vector<16xf32>
      %mul3A_158 = arith.constant 2.000000e-01 : f32
      %mul3A_159 = vector.broadcast %mul3A_158 : f32 to vector<16xf32>
      %mul3A_160 = arith.mulf %mul3A_159, %add3A_154 : vector<16xf32>
      %select_n3A_161 = arith.select %ge3A_157, %add3A_154, %mul3A_160 : vector<16xi1>, vector<16xf32>
      %sub3A_162 = arith.subf %select_n3A_161, %gather3A : vector<16xf32>
      %exp3A_163 = math.exp %sub3A_162 : vector<16xf32>
      %swap3A_164 = arith.constant 48 : index
      %swap3A_165 = tpu.vector_load %arg11[%swap3A_164] {strides = array<i32>} : memref<64xf32, #tpu.memory_space<vmem>>, vector<16xf32>,
      tpu.vector_store %arg11[%swap3A_164], %exp3A_163 {strides = array<i32>} : memref<64xf32, #tpu.memory_space<vmem>>, vector<16xf32>,
      %dma_wait3A_166 = arith.constant 0 : i32
      %dma_wait3A_167 = arith.constant 0 : i32
      %dma_wait3A_168 = tpu.memref_slice %arg13[%rem3A_72, %dma_wait3A_166, %dma_wait3A_167] : memref<2x64x64xf32, #tpu.memory_space<vmem>> -> memref<1x64x64xf32, #tpu.memory_space<vmem>>
      %dma_wait3A_169 = tpu.memref_squeeze %dma_wait3A_168 : memref<1x64x64xf32, #tpu.memory_space<vmem>> -> memref<64x64xf32, #tpu.memory_space<vmem>>
      %dma_wait3A_170 = arith.constant 0 : i32
      %dma_wait3A_171 = tpu.memref_slice %arg8[%rem3A_72, %dma_wait3A_170] : memref<2x128xi32, #tpu.memory_space<vmem>> -> memref<1x64xi32, #tpu.memory_space<vmem>>
      %dma_wait3A_172 = tpu.memref_squeeze %dma_wait3A_171 : memref<1x64xi32, #tpu.memory_space<vmem>> -> memref<64xi32, #tpu.memory_space<vmem>>
      %dma_wait3A_173 = arith.constant 0 : i32
      %dma_wait3A_174 = arith.constant 0 : i32
      %dma_wait3A_175 = tpu.memref_slice %arg3[%dma_wait3A_173, %dma_wait3A_174] : memref<10240x64xf32, #tpu.memory_space<hbm>> -> memref<10240x64xf32, #tpu.memory_space<hbm>>
      %dma_wait3A_176 = tpu.memref_slice %arg17[%rem3A_72] : memref<2x!tpu.dma_semaphore, #tpu.memory_space<semaphore_mem>> -> memref<1x!tpu.dma_semaphore, #tpu.memory_space<semaphore_mem>>
      %dma_wait3A_177 = tpu.memref_squeeze %dma_wait3A_176 : memref<1x!tpu.dma_semaphore, #tpu.memory_space<semaphore_mem>> -> memref<!tpu.dma_semaphore, #tpu.memory_space<semaphore_mem>>
      tpu.wait_indirect_dma semaphore(%dma_wait3A_177 : memref<!tpu.dma_semaphore, #tpu.memory_space<semaphore_mem>>) src(%dma_wait3A_175 : memref<10240x64xf32, #tpu.memory_space<hbm>>) dst(%dma_wait3A_169 : memref<64x64xf32, #tpu.memory_space<vmem>>)
      %parallel_loop3A = arith.constant 0 : i32
      %parallel_loop3A_178 = arith.constant 64 : i32
      %parallel_loop3A_179 = arith.constant 1 : i32
      scf.for %parallel_loop3A_180 = %parallel_loop3A to %parallel_loop3A_178 step %parallel_loop3A_179  : i32 {
        %parallel_loop3A_181 = vector.broadcast %parallel_loop3A_180 : i32 to vector<16xi32>
        %parallel_loop3A_182 = tpu.vector_load_idx %arg11[%parallel_loop3A_181] : memref<64xf32, #tpu.memory_space<vmem>>[vector<16xi32>], vector<16xf32>,
        %parallel_loop3A_183 = arith.index_cast %rem3A_72 : i32 to index
        %parallel_loop3A_184 = arith.index_cast %parallel_loop3A_180 : i32 to index
        %parallel_loop3A_185 = arith.constant 0 : index
        %parallel_loop3A_186 = tpu.vector_load %arg13[%parallel_loop3A_183, %parallel_loop3A_184, %parallel_loop3A_185] {strides = array<i32>} : memref<2x64x64xf32, #tpu.memory_space<vmem>>, vector<16xf32>,
        %parallel_loop3A_187 = arith.mulf %parallel_loop3A_186, %parallel_loop3A_182 : vector<16xf32>
        %parallel_loop3A_188 = arith.index_cast %parallel_loop3A_180 : i32 to index
        %parallel_loop3A_189 = arith.constant 0 : index
        %parallel_loop3A_190 = tpu.vector_load %arg14[%parallel_loop3A_188, %parallel_loop3A_189] {strides = array<i32>} : memref<64x128xf32, #tpu.memory_space<vmem>>, vector<16xf32>,
        tpu.vector_store %arg14[%parallel_loop3A_188, %parallel_loop3A_189], %parallel_loop3A_187 {strides = array<i32>} : memref<64x128xf32, #tpu.memory_space<vmem>>, vector<16xf32>,
        %parallel_loop3A_191 = arith.index_cast %rem3A_72 : i32 to index
        %parallel_loop3A_192 = arith.index_cast %parallel_loop3A_180 : i32 to index
        %parallel_loop3A_193 = arith.constant 16 : index
        %parallel_loop3A_194 = tpu.vector_load %arg13[%parallel_loop3A_191, %parallel_loop3A_192, %parallel_loop3A_193] {strides = array<i32>} : memref<2x64x64xf32, #tpu.memory_space<vmem>>, vector<16xf32>,
        %parallel_loop3A_195 = arith.mulf %parallel_loop3A_194, %parallel_loop3A_182 : vector<16xf32>
        %parallel_loop3A_196 = arith.index_cast %parallel_loop3A_180 : i32 to index
        %parallel_loop3A_197 = arith.constant 16 : index
        %parallel_loop3A_198 = tpu.vector_load %arg14[%parallel_loop3A_196, %parallel_loop3A_197] {strides = array<i32>} : memref<64x128xf32, #tpu.memory_space<vmem>>, vector<16xf32>,
        tpu.vector_store %arg14[%parallel_loop3A_196, %parallel_loop3A_197], %parallel_loop3A_195 {strides = array<i32>} : memref<64x128xf32, #tpu.memory_space<vmem>>, vector<16xf32>,
        %parallel_loop3A_199 = arith.index_cast %rem3A_72 : i32 to index
        %parallel_loop3A_200 = arith.index_cast %parallel_loop3A_180 : i32 to index
        %parallel_loop3A_201 = arith.constant 32 : index
        %parallel_loop3A_202 = tpu.vector_load %arg13[%parallel_loop3A_199, %parallel_loop3A_200, %parallel_loop3A_201] {strides = array<i32>} : memref<2x64x64xf32, #tpu.memory_space<vmem>>, vector<16xf32>,
        %parallel_loop3A_203 = arith.mulf %parallel_loop3A_202, %parallel_loop3A_182 : vector<16xf32>
        %parallel_loop3A_204 = arith.index_cast %parallel_loop3A_180 : i32 to index
        %parallel_loop3A_205 = arith.constant 32 : index
        %parallel_loop3A_206 = tpu.vector_load %arg14[%parallel_loop3A_204, %parallel_loop3A_205] {strides = array<i32>} : memref<64x128xf32, #tpu.memory_space<vmem>>, vector<16xf32>,
        tpu.vector_store %arg14[%parallel_loop3A_204, %parallel_loop3A_205], %parallel_loop3A_203 {strides = array<i32>} : memref<64x128xf32, #tpu.memory_space<vmem>>, vector<16xf32>,
        %parallel_loop3A_207 = arith.index_cast %rem3A_72 : i32 to index
        %parallel_loop3A_208 = arith.index_cast %parallel_loop3A_180 : i32 to index
        %parallel_loop3A_209 = arith.constant 48 : index
        %parallel_loop3A_210 = tpu.vector_load %arg13[%parallel_loop3A_207, %parallel_loop3A_208, %parallel_loop3A_209] {strides = array<i32>} : memref<2x64x64xf32, #tpu.memory_space<vmem>>, vector<16xf32>,
        %parallel_loop3A_211 = arith.mulf %parallel_loop3A_210, %parallel_loop3A_182 : vector<16xf32>
        %parallel_loop3A_212 = arith.index_cast %parallel_loop3A_180 : i32 to index
        %parallel_loop3A_213 = arith.constant 48 : index
        %parallel_loop3A_214 = tpu.vector_load %arg14[%parallel_loop3A_212, %parallel_loop3A_213] {strides = array<i32>} : memref<64x128xf32, #tpu.memory_space<vmem>>, vector<16xf32>,
        tpu.vector_store %arg14[%parallel_loop3A_212, %parallel_loop3A_213], %parallel_loop3A_211 {strides = array<i32>} : memref<64x128xf32, #tpu.memory_space<vmem>>, vector<16xf32>,
        %parallel_loop3A_215 = arith.constant 0 : i32
        %parallel_loop3A_216 = vector.broadcast %parallel_loop3A_215 : i32 to vector<16xi32>
        %parallel_loop3A_217 = arith.cmpi eq, %iota3A, %parallel_loop3A_216 : vector<16xi32>
        %parallel_loop3A_218 = arith.constant 0.000000e+00 : f32
        %parallel_loop3A_219 = vector.broadcast %parallel_loop3A_218 : f32 to vector<16xf32>
        %parallel_loop3A_220 = arith.select %parallel_loop3A_217, %parallel_loop3A_182, %parallel_loop3A_219 : vector<16xi1>, vector<16xf32>
        %parallel_loop3A_221 = arith.index_cast %parallel_loop3A_180 : i32 to index
        %parallel_loop3A_222 = arith.constant 64 : index
        %parallel_loop3A_223 = tpu.vector_load %arg14[%parallel_loop3A_221, %parallel_loop3A_222] {strides = array<i32>} : memref<64x128xf32, #tpu.memory_space<vmem>>, vector<16xf32>,
        tpu.vector_store %arg14[%parallel_loop3A_221, %parallel_loop3A_222], %parallel_loop3A_220 {strides = array<i32>} : memref<64x128xf32, #tpu.memory_space<vmem>>, vector<16xf32>,
      } {sc.loop_unroll_factor = 4 : i64, sc.parallel_access}
      "tpu.region"() ({
        %run_scoped3A_180 = tpu.sem_alloc : memref<!tpu.dma_semaphore, #tpu.memory_space<semaphore_mem>>
        %dma_start3A_181 = arith.constant 0 : i32
        %dma_start3A_182 = tpu.memref_slice %arg9[%rem3A_72, %dma_start3A_181] : memref<2x64xi32, #tpu.memory_space<vmem>> -> memref<1x64xi32, #tpu.memory_space<vmem>>
        %dma_start3A_183 = tpu.memref_squeeze %dma_start3A_182 : memref<1x64xi32, #tpu.memory_space<vmem>> -> memref<64xi32, #tpu.memory_space<vmem>>
        %dma_start3A_184 = arith.constant 0 : i32
        %dma_start3A_185 = arith.constant 0 : i32
        %dma_start3A_186 = tpu.memref_slice %arg15[%dma_start3A_184, %dma_start3A_185] : memref<10240x128xf32, #tpu.memory_space<vmem_shared>> -> memref<10240x128xf32, #tpu.memory_space<vmem_shared>>
        tpu.enqueue_indirect_dma source(%arg14 : memref<64x128xf32, #tpu.memory_space<vmem>>) target(%dma_start3A_186 : memref<10240x128xf32, #tpu.memory_space<vmem_shared>>) offsets(%dma_start3A_183 : memref<64xi32, #tpu.memory_space<vmem>>) semaphore(%run_scoped3A_180 : memref<!tpu.dma_semaphore, #tpu.memory_space<semaphore_mem>>) {add = true}
        %dma_wait3A_187 = arith.constant 0 : i32
        %dma_wait3A_188 = tpu.memref_slice %arg9[%rem3A_72, %dma_wait3A_187] : memref<2x64xi32, #tpu.memory_space<vmem>> -> memref<1x64xi32, #tpu.memory_space<vmem>>
        %dma_wait3A_189 = tpu.memref_squeeze %dma_wait3A_188 : memref<1x64xi32, #tpu.memory_space<vmem>> -> memref<64xi32, #tpu.memory_space<vmem>>
        %dma_wait3A_190 = arith.constant 0 : i32
        %dma_wait3A_191 = arith.constant 0 : i32
        %dma_wait3A_192 = tpu.memref_slice %arg15[%dma_wait3A_190, %dma_wait3A_191] : memref<10240x128xf32, #tpu.memory_space<vmem_shared>> -> memref<10240x128xf32, #tpu.memory_space<vmem_shared>>
        tpu.wait_indirect_dma semaphore(%run_scoped3A_180 : memref<!tpu.dma_semaphore, #tpu.memory_space<semaphore_mem>>) src(%arg14 : memref<64x128xf32, #tpu.memory_space<vmem>>) dst(%dma_wait3A_192 : memref<10240x128xf32, #tpu.memory_space<vmem_shared>>)
        tpu.yield
      }) : () -> ()
    }
    %scan3A_65 = arith.constant 158 : i32
    %barrier3A_66 = arith.constant 0 : index
    tpu.barrier barrier_id(%barrier3A_66)
    %mul3A_67 = arith.constant 640 : i32
    %mul3A_68 = arith.muli %arg1, %mul3A_67 : i32
    %mul3A_69 = arith.constant 640 : i32
    %mul3A_70 = arith.muli %arg1, %mul3A_69 : i32
    "tpu.region"() ({
      %run_scoped3A_71 = tpu.sem_alloc : memref<!tpu.dma_semaphore, #tpu.memory_space<semaphore_mem>>
      %dma_start3A_72 = arith.constant 0 : i32
      %dma_start3A_73 = tpu.memref_slice %arg7[%arg0, %mul3A_70, %dma_start3A_72] : memref<2x10240x128xf32, #tpu.memory_space<hbm>> -> memref<1x640x128xf32, #tpu.memory_space<hbm>>
      %dma_start3A_74 = tpu.memref_squeeze %dma_start3A_73 : memref<1x640x128xf32, #tpu.memory_space<hbm>> -> memref<640x128xf32, #tpu.memory_space<hbm>>
      %dma_start3A_75 = arith.constant 0 : i32
      %dma_start3A_76 = tpu.memref_slice %arg15[%mul3A_68, %dma_start3A_75] : memref<10240x128xf32, #tpu.memory_space<vmem_shared>> -> memref<640x128xf32, #tpu.memory_space<vmem_shared>>
      tpu.enqueue_dma source(%dma_start3A_76 : memref<640x128xf32, #tpu.memory_space<vmem_shared>>) target(%dma_start3A_74 : memref<640x128xf32, #tpu.memory_space<hbm>>) target_semaphore(%run_scoped3A_71 : memref<!tpu.dma_semaphore, #tpu.memory_space<semaphore_mem>>)
      %dma_wait3A = arith.constant 0 : i32
      %dma_wait3A_77 = tpu.memref_slice %arg7[%arg0, %mul3A_70, %dma_wait3A] : memref<2x10240x128xf32, #tpu.memory_space<hbm>> -> memref<1x640x128xf32, #tpu.memory_space<hbm>>
      %dma_wait3A_78 = tpu.memref_squeeze %dma_wait3A_77 : memref<1x640x128xf32, #tpu.memory_space<hbm>> -> memref<640x128xf32, #tpu.memory_space<hbm>>
      %dma_wait3A_79 = arith.constant 0 : i32
      %dma_wait3A_80 = tpu.memref_slice %arg15[%mul3A_68, %dma_wait3A_79] : memref<10240x128xf32, #tpu.memory_space<vmem_shared>> -> memref<640x128xf32, #tpu.memory_space<vmem_shared>>
      tpu.wait_dma2 semaphore(%run_scoped3A_71 : memref<!tpu.dma_semaphore, #tpu.memory_space<semaphore_mem>>) src(%dma_wait3A_80 : memref<640x128xf32, #tpu.memory_space<vmem_shared>>) dst(%dma_wait3A_78 : memref<640x128xf32, #tpu.memory_space<hbm>>)
      tpu.yield
    }) : () -> ()
    return
  }
}

module attributes {stable_mosaic.version = 14 : i64} {
  func.func @_tc_a_body(%arg0: i32, %arg1: memref<1280x128xf32, #tpu.memory_space<vmem>>, %arg2: memref<128x256xf32, #tpu.memory_space<vmem>>, %arg3: memref<1x256xf32, #tpu.memory_space<vmem>>, %arg4: memref<256x256xf32, #tpu.memory_space<vmem>>, %arg5: memref<256x128xf32, #tpu.memory_space<vmem>>, %arg6: memref<2x1280x128xf32, #tpu.memory_space<vmem>>, %arg7: memref<1280x128xf32, #tpu.memory_space<vmem>>) attributes {dimension_semantics = [#tpu.dimension_semantics<arbitrary>], iteration_bounds = array<i64: 8>, scalar_prefetch = 0 : i64, scratch_operands = 0 : i64, tpu.core_type = #tpu.core_type<tc>, window_params = [{transform_indices = @transform_0, window_bounds = array<i64: 1280, 128>}, {pipeline_mode = #tpu.pipeline_mode<synchronous>, transform_indices = @transform_1, window_bounds = array<i64: 128, 256>}, {pipeline_mode = #tpu.pipeline_mode<synchronous>, transform_indices = @transform_2, window_bounds = array<i64: 1, 256>}, {pipeline_mode = #tpu.pipeline_mode<synchronous>, transform_indices = @transform_3, window_bounds = array<i64: 256, 256>}, {pipeline_mode = #tpu.pipeline_mode<synchronous>, transform_indices = @transform_4, window_bounds = array<i64: 256, 128>}, {transform_indices = @transform_5, window_bounds = array<i64: 2, 1280, 128>}, {transform_indices = @transform_6, window_bounds = array<i64: 1280, 128>}]} {
    %get3A = arith.constant 0 : index
    %get3A_0 = arith.constant 0 : index
    %get3A_1 = vector.load %arg1[%get3A, %get3A_0] : memref<1280x128xf32, #tpu.memory_space<vmem>>, vector<1280x128xf32>
    %get3A_2 = arith.constant 0 : index
    %get3A_3 = arith.constant 0 : index
    %get3A_4 = vector.load %arg2[%get3A_2, %get3A_3] : memref<128x256xf32, #tpu.memory_space<vmem>>, vector<128x256xf32>
    %dot_general3A = arith.constant dense<0.000000e+00> : vector<1280x256xf32>
    %dot_general3A_5 = tpu.matmul %get3A_1, %get3A_4, %dot_general3A {dimension_numbers = #tpu.dot_dimension_numbers<[1], [0], [0], [1], [0, 0, 1, 1], [], []>, transpose_lhs_hint = false} : vector<1280x128xf32>, vector<128x256xf32>, vector<1280x256xf32> -> vector<1280x256xf32>
    %get3A_6 = arith.constant 0 : index
    %get3A_7 = arith.constant 0 : index
    %get3A_8 = vector.load %arg3[%get3A_6, %get3A_7] : memref<1x256xf32, #tpu.memory_space<vmem>>, vector<1x256xf32>
    %add3A = vector.broadcast %get3A_8 : vector<1x256xf32> to vector<1280x256xf32>
    %add3A_9 = arith.addf %dot_general3A_5, %add3A : vector<1280x256xf32>
    %get3A_10 = arith.constant 0 : index
    %get3A_11 = arith.constant 0 : index
    %get3A_12 = vector.load %arg4[%get3A_10, %get3A_11] : memref<256x256xf32, #tpu.memory_space<vmem>>, vector<256x256xf32>
    %dot_general3A_13 = arith.constant dense<0.000000e+00> : vector<1280x256xf32>
    %dot_general3A_14 = tpu.matmul %add3A_9, %get3A_12, %dot_general3A_13 {dimension_numbers = #tpu.dot_dimension_numbers<[1], [0], [0], [1], [0, 0, 1, 1], [], []>, transpose_lhs_hint = false} : vector<1280x256xf32>, vector<256x256xf32>, vector<1280x256xf32> -> vector<1280x256xf32>
    %slice3A = vector.extract_strided_slice %dot_general3A_14 {offsets = [0, 0], sizes = [1280, 128], strides = [1, 1]} : vector<1280x256xf32> to vector<1280x128xf32>
    %swap3A = arith.constant 0 : index
    %swap3A_15 = arith.constant 0 : index
    %swap3A_16 = arith.constant 0 : index
    %swap3A_17 = vector.load %arg6[%swap3A, %swap3A_15, %swap3A_16] : memref<2x1280x128xf32, #tpu.memory_space<vmem>>, vector<1x1280x128xf32>
    %swap3A_18 = vector.shape_cast %swap3A_17 : vector<1x1280x128xf32> to vector<1280x128xf32>
    %swap3A_19 = vector.shape_cast %slice3A : vector<1280x128xf32> to vector<1x1280x128xf32>
    tpu.vector_store %arg6[%swap3A, %swap3A_15, %swap3A_16], %swap3A_19 {strides = array<i32>} : memref<2x1280x128xf32, #tpu.memory_space<vmem>>, vector<1x1280x128xf32>,
    %slice3A_20 = vector.extract_strided_slice %dot_general3A_14 {offsets = [0, 128], sizes = [1280, 128], strides = [1, 1]} : vector<1280x256xf32> to vector<1280x128xf32>
    %swap3A_21 = arith.constant 1 : index
    %swap3A_22 = arith.constant 0 : index
    %swap3A_23 = arith.constant 0 : index
    %swap3A_24 = vector.load %arg6[%swap3A_21, %swap3A_22, %swap3A_23] : memref<2x1280x128xf32, #tpu.memory_space<vmem>>, vector<1x1280x128xf32>
    %swap3A_25 = vector.shape_cast %swap3A_24 : vector<1x1280x128xf32> to vector<1280x128xf32>
    %swap3A_26 = vector.shape_cast %slice3A_20 : vector<1280x128xf32> to vector<1x1280x128xf32>
    tpu.vector_store %arg6[%swap3A_21, %swap3A_22, %swap3A_23], %swap3A_26 {strides = array<i32>} : memref<2x1280x128xf32, #tpu.memory_space<vmem>>, vector<1x1280x128xf32>,
    %get3A_27 = arith.constant 0 : index
    %get3A_28 = arith.constant 0 : index
    %get3A_29 = vector.load %arg5[%get3A_27, %get3A_28] : memref<256x128xf32, #tpu.memory_space<vmem>>, vector<256x128xf32>
    %dot_general3A_30 = arith.constant dense<0.000000e+00> : vector<1280x128xf32>
    %dot_general3A_31 = tpu.matmul %dot_general3A_14, %get3A_29, %dot_general3A_30 {dimension_numbers = #tpu.dot_dimension_numbers<[1], [0], [0], [1], [0, 0, 1, 1], [], []>, transpose_lhs_hint = false} : vector<1280x256xf32>, vector<256x128xf32>, vector<1280x128xf32> -> vector<1280x128xf32>
    %swap3A_32 = arith.constant 0 : index
    %swap3A_33 = arith.constant 0 : index
    %swap3A_34 = vector.load %arg7[%swap3A_32, %swap3A_33] : memref<1280x128xf32, #tpu.memory_space<vmem>>, vector<1280x128xf32>
    tpu.vector_store %arg7[%swap3A_32, %swap3A_33], %dot_general3A_31 {strides = array<i32>} : memref<1280x128xf32, #tpu.memory_space<vmem>>, vector<1280x128xf32>,
    return
  }
  func.func @transform_0(%arg0: i32) -> (i32, i32) {
    %c0_i32 = arith.constant 0 : i32
    %c0_i32_0 = arith.constant 0 : i32
    return %arg0, %c0_i32 : i32, i32
  }
  func.func @transform_1(%arg0: i32) -> (i32, i32) {
    %c0_i32 = arith.constant 0 : i32
    %c0_i32_0 = arith.constant 0 : i32
    %c0_i32_1 = arith.constant 0 : i32
    return %c0_i32, %c0_i32_0 : i32, i32
  }
  func.func @transform_2(%arg0: i32) -> (i32, i32) {
    %c0_i32 = arith.constant 0 : i32
    %c0_i32_0 = arith.constant 0 : i32
    %c0_i32_1 = arith.constant 0 : i32
    return %c0_i32, %c0_i32_0 : i32, i32
  }
  func.func @transform_3(%arg0: i32) -> (i32, i32) {
    %c0_i32 = arith.constant 0 : i32
    %c0_i32_0 = arith.constant 0 : i32
    %c0_i32_1 = arith.constant 0 : i32
    return %c0_i32, %c0_i32_0 : i32, i32
  }
  func.func @transform_4(%arg0: i32) -> (i32, i32) {
    %c0_i32 = arith.constant 0 : i32
    %c0_i32_0 = arith.constant 0 : i32
    %c0_i32_1 = arith.constant 0 : i32
    return %c0_i32, %c0_i32_0 : i32, i32
  }
  func.func @transform_5(%arg0: i32) -> (i32, i32, i32) {
    %c0_i32 = arith.constant 0 : i32
    %c0_i32_0 = arith.constant 0 : i32
    %c0_i32_1 = arith.constant 0 : i32
    return %c0_i32, %arg0, %c0_i32_0 : i32, i32, i32
  }
  func.func @transform_6(%arg0: i32) -> (i32, i32) {
    %c0_i32 = arith.constant 0 : i32
    %c0_i32_0 = arith.constant 0 : i32
    return %arg0, %c0_i32 : i32, i32
  }
}

module attributes {stable_mosaic.version = 14 : i64} {
  func.func @_tc_c_body(%arg0: i32, %arg1: memref<2x1280x128xf32, #tpu.memory_space<vmem>>, %arg2: memref<2x2x16x1280xf32, #tpu.memory_space<vmem>>, %arg3: memref<1x256xf32, #tpu.memory_space<vmem>>, %arg4: memref<1280x256xf32, #tpu.memory_space<vmem>>, %arg5: memref<1x2x256xf32, #tpu.memory_space<vmem>>) attributes {dimension_semantics = [#tpu.dimension_semantics<arbitrary>], iteration_bounds = array<i64: 8>, scalar_prefetch = 0 : i64, scratch_operands = 0 : i64, tpu.core_type = #tpu.core_type<tc>, window_params = [{transform_indices = @transform_0, window_bounds = array<i64: 2, 1280, 128>}, {transform_indices = @transform_1, window_bounds = array<i64: 2, 2, 16, 1280>}, {pipeline_mode = #tpu.pipeline_mode<synchronous>, transform_indices = @transform_2, window_bounds = array<i64: 1, 256>}, {transform_indices = @transform_3, window_bounds = array<i64: 1280, 256>}, {transform_indices = @transform_4, window_bounds = array<i64: 1, 2, 256>}]} {
    %get3A = arith.constant 0 : index
    %get3A_0 = arith.constant 0 : index
    %get3A_1 = arith.constant 0 : index
    %get3A_2 = vector.load %arg1[%get3A, %get3A_0, %get3A_1] : memref<2x1280x128xf32, #tpu.memory_space<vmem>>, vector<1x1280x128xf32>
    %get3A_3 = vector.shape_cast %get3A_2 : vector<1x1280x128xf32> to vector<1280x128xf32>
    %get3A_4 = arith.constant 0 : index
    %get3A_5 = arith.constant 0 : index
    %get3A_6 = arith.constant 0 : index
    %get3A_7 = arith.constant 0 : index
    %get3A_8 = vector.load %arg2[%get3A_4, %get3A_5, %get3A_6, %get3A_7] : memref<2x2x16x1280xf32, #tpu.memory_space<vmem>>, vector<1x1x16x1280xf32>
    %get3A_9 = vector.shape_cast %get3A_8 : vector<1x1x16x1280xf32> to vector<16x1280xf32>
    %reduce_sum3A = arith.constant dense<0.000000e+00> : vector<1280xf32>
    %reduce_sum3A_10 = vector.multi_reduction <add>, %get3A_9, %reduce_sum3A [0] : vector<16x1280xf32> to vector<1280xf32>
    %slice3A = vector.extract_strided_slice %get3A_3 {offsets = [0, 0], sizes = [1280, 64], strides = [1, 1]} : vector<1280x128xf32> to vector<1280x64xf32>
    %broadcast_in_dim3A = vector.shape_cast %reduce_sum3A_10 : vector<1280xf32> to vector<1280x1xf32>
    %add3A = arith.constant 1.000000e-16 : f32
    %add3A_11 = vector.broadcast %add3A : f32 to vector<1280x1xf32>
    %add3A_12 = arith.addf %broadcast_in_dim3A, %add3A_11 : vector<1280x1xf32>
    %div3A = vector.broadcast %add3A_12 : vector<1280x1xf32> to vector<1280x64xf32>
    %div3A_13 = arith.divf %slice3A, %div3A : vector<1280x64xf32>
    %get3A_14 = arith.constant 0 : index
    %get3A_15 = arith.constant 1 : index
    %get3A_16 = arith.constant 0 : index
    %get3A_17 = arith.constant 0 : index
    %get3A_18 = vector.load %arg2[%get3A_14, %get3A_15, %get3A_16, %get3A_17] : memref<2x2x16x1280xf32, #tpu.memory_space<vmem>>, vector<1x1x16x1280xf32>
    %get3A_19 = vector.shape_cast %get3A_18 : vector<1x1x16x1280xf32> to vector<16x1280xf32>
    %reduce_sum3A_20 = arith.constant dense<0.000000e+00> : vector<1280xf32>
    %reduce_sum3A_21 = vector.multi_reduction <add>, %get3A_19, %reduce_sum3A_20 [0] : vector<16x1280xf32> to vector<1280xf32>
    %slice3A_22 = vector.extract_strided_slice %get3A_3 {offsets = [0, 64], sizes = [1280, 64], strides = [1, 1]} : vector<1280x128xf32> to vector<1280x64xf32>
    %broadcast_in_dim3A_23 = vector.shape_cast %reduce_sum3A_21 : vector<1280xf32> to vector<1280x1xf32>
    %add3A_24 = arith.constant 1.000000e-16 : f32
    %add3A_25 = vector.broadcast %add3A_24 : f32 to vector<1280x1xf32>
    %add3A_26 = arith.addf %broadcast_in_dim3A_23, %add3A_25 : vector<1280x1xf32>
    %div3A_27 = vector.broadcast %add3A_26 : vector<1280x1xf32> to vector<1280x64xf32>
    %div3A_28 = arith.divf %slice3A_22, %div3A_27 : vector<1280x64xf32>
    %get3A_29 = arith.constant 1 : index
    %get3A_30 = arith.constant 0 : index
    %get3A_31 = arith.constant 0 : index
    %get3A_32 = vector.load %arg1[%get3A_29, %get3A_30, %get3A_31] : memref<2x1280x128xf32, #tpu.memory_space<vmem>>, vector<1x1280x128xf32>
    %get3A_33 = vector.shape_cast %get3A_32 : vector<1x1280x128xf32> to vector<1280x128xf32>
    %get3A_34 = arith.constant 1 : index
    %get3A_35 = arith.constant 0 : index
    %get3A_36 = arith.constant 0 : index
    %get3A_37 = arith.constant 0 : index
    %get3A_38 = vector.load %arg2[%get3A_34, %get3A_35, %get3A_36, %get3A_37] : memref<2x2x16x1280xf32, #tpu.memory_space<vmem>>, vector<1x1x16x1280xf32>
    %get3A_39 = vector.shape_cast %get3A_38 : vector<1x1x16x1280xf32> to vector<16x1280xf32>
    %reduce_sum3A_40 = arith.constant dense<0.000000e+00> : vector<1280xf32>
    %reduce_sum3A_41 = vector.multi_reduction <add>, %get3A_39, %reduce_sum3A_40 [0] : vector<16x1280xf32> to vector<1280xf32>
    %slice3A_42 = vector.extract_strided_slice %get3A_33 {offsets = [0, 0], sizes = [1280, 64], strides = [1, 1]} : vector<1280x128xf32> to vector<1280x64xf32>
    %broadcast_in_dim3A_43 = vector.shape_cast %reduce_sum3A_41 : vector<1280xf32> to vector<1280x1xf32>
    %add3A_44 = arith.constant 1.000000e-16 : f32
    %add3A_45 = vector.broadcast %add3A_44 : f32 to vector<1280x1xf32>
    %add3A_46 = arith.addf %broadcast_in_dim3A_43, %add3A_45 : vector<1280x1xf32>
    %div3A_47 = vector.broadcast %add3A_46 : vector<1280x1xf32> to vector<1280x64xf32>
    %div3A_48 = arith.divf %slice3A_42, %div3A_47 : vector<1280x64xf32>
    %get3A_49 = arith.constant 1 : index
    %get3A_50 = arith.constant 1 : index
    %get3A_51 = arith.constant 0 : index
    %get3A_52 = arith.constant 0 : index
    %get3A_53 = vector.load %arg2[%get3A_49, %get3A_50, %get3A_51, %get3A_52] : memref<2x2x16x1280xf32, #tpu.memory_space<vmem>>, vector<1x1x16x1280xf32>
    %get3A_54 = vector.shape_cast %get3A_53 : vector<1x1x16x1280xf32> to vector<16x1280xf32>
    %reduce_sum3A_55 = arith.constant dense<0.000000e+00> : vector<1280xf32>
    %reduce_sum3A_56 = vector.multi_reduction <add>, %get3A_54, %reduce_sum3A_55 [0] : vector<16x1280xf32> to vector<1280xf32>
    %slice3A_57 = vector.extract_strided_slice %get3A_33 {offsets = [0, 64], sizes = [1280, 64], strides = [1, 1]} : vector<1280x128xf32> to vector<1280x64xf32>
    %broadcast_in_dim3A_58 = vector.shape_cast %reduce_sum3A_56 : vector<1280xf32> to vector<1280x1xf32>
    %add3A_59 = arith.constant 1.000000e-16 : f32
    %add3A_60 = vector.broadcast %add3A_59 : f32 to vector<1280x1xf32>
    %add3A_61 = arith.addf %broadcast_in_dim3A_58, %add3A_60 : vector<1280x1xf32>
    %div3A_62 = vector.broadcast %add3A_61 : vector<1280x1xf32> to vector<1280x64xf32>
    %div3A_63 = arith.divf %slice3A_57, %div3A_62 : vector<1280x64xf32>
    %concatenate3A = tpu.concatenate %div3A_13, %div3A_28, %div3A_48, %div3A_63 in 1 : vector<1280x64xf32>, vector<1280x64xf32>, vector<1280x64xf32>, vector<1280x64xf32> -> vector<1280x256xf32>
    %get3A_64 = arith.constant 0 : index
    %get3A_65 = arith.constant 0 : index
    %get3A_66 = vector.load %arg3[%get3A_64, %get3A_65] : memref<1x256xf32, #tpu.memory_space<vmem>>, vector<1x256xf32>
    %add3A_67 = vector.broadcast %get3A_66 : vector<1x256xf32> to vector<1280x256xf32>
    %add3A_68 = arith.addf %concatenate3A, %add3A_67 : vector<1280x256xf32>
    %swap3A = arith.constant 0 : index
    %swap3A_69 = arith.constant 0 : index
    %swap3A_70 = vector.load %arg4[%swap3A, %swap3A_69] : memref<1280x256xf32, #tpu.memory_space<vmem>>, vector<1280x256xf32>
    tpu.vector_store %arg4[%swap3A, %swap3A_69], %add3A_68 {strides = array<i32>} : memref<1280x256xf32, #tpu.memory_space<vmem>>, vector<1280x256xf32>,
    %mul3A = arith.constant 1280 : i32
    %mul3A_71 = arith.muli %arg0, %mul3A : i32
    %iota3A = tpu.iota {dimensions = array<i32: 0>} : vector<1280x1xi32>
    %add3A_72 = vector.broadcast %mul3A_71 : i32 to vector<1280x1xi32>
    %add3A_73 = arith.addi %add3A_72, %iota3A : vector<1280x1xi32>
    %lt3A = arith.constant 10000 : i32
    %lt3A_74 = vector.broadcast %lt3A : i32 to vector<1280x1xi32>
    %lt3A_75 = arith.cmpi slt, %add3A_73, %lt3A_74 : vector<1280x1xi32>
    %jit3A = arith.constant 0.000000e+00 : f32
    %broadcast_in_dim3A_76 = vector.shape_cast %lt3A_75 : vector<1280x1xi1> to vector<1280x1xi1>
    %broadcast_in_dim3A_77 = vector.broadcast %broadcast_in_dim3A_76 : vector<1280x1xi1> to vector<1280x256xi1>
    %broadcast_in_dim3A_78 = vector.broadcast %jit3A : f32 to vector<1280x256xf32>
    %select_n3A = arith.select %broadcast_in_dim3A_77, %add3A_68, %broadcast_in_dim3A_78 : vector<1280x256xi1>, vector<1280x256xf32>
    %reduce_sum3A_79 = arith.constant dense<0.000000e+00> : vector<256xf32>
    %reduce_sum3A_80 = vector.multi_reduction <add>, %select_n3A, %reduce_sum3A_79 [0] : vector<1280x256xf32> to vector<256xf32>
    %swap3A_81 = arith.constant 0 : index
    %swap3A_82 = arith.constant 0 : index
    %swap3A_83 = arith.constant 0 : index
    %swap3A_84 = vector.load %arg5[%swap3A_81, %swap3A_82, %swap3A_83] : memref<1x2x256xf32, #tpu.memory_space<vmem>>, vector<1x1x256xf32>
    %swap3A_85 = vector.shape_cast %swap3A_84 : vector<1x1x256xf32> to vector<256xf32>
    %swap3A_86 = vector.shape_cast %reduce_sum3A_80 : vector<256xf32> to vector<1x1x256xf32>
    tpu.vector_store %arg5[%swap3A_81, %swap3A_82, %swap3A_83], %swap3A_86 {strides = array<i32>} : memref<1x2x256xf32, #tpu.memory_space<vmem>>, vector<1x1x256xf32>,
    %mul3A_87 = arith.mulf %select_n3A, %select_n3A : vector<1280x256xf32>
    %reduce_sum3A_88 = arith.constant dense<0.000000e+00> : vector<256xf32>
    %reduce_sum3A_89 = vector.multi_reduction <add>, %mul3A_87, %reduce_sum3A_88 [0] : vector<1280x256xf32> to vector<256xf32>
    %swap3A_90 = arith.constant 0 : index
    %swap3A_91 = arith.constant 1 : index
    %swap3A_92 = arith.constant 0 : index
    %swap3A_93 = vector.load %arg5[%swap3A_90, %swap3A_91, %swap3A_92] : memref<1x2x256xf32, #tpu.memory_space<vmem>>, vector<1x1x256xf32>
    %swap3A_94 = vector.shape_cast %swap3A_93 : vector<1x1x256xf32> to vector<256xf32>
    %swap3A_95 = vector.shape_cast %reduce_sum3A_89 : vector<256xf32> to vector<1x1x256xf32>
    tpu.vector_store %arg5[%swap3A_90, %swap3A_91, %swap3A_92], %swap3A_95 {strides = array<i32>} : memref<1x2x256xf32, #tpu.memory_space<vmem>>, vector<1x1x256xf32>,
    return
  }
  func.func @transform_0(%arg0: i32) -> (i32, i32, i32) {
    %c0_i32 = arith.constant 0 : i32
    %c0_i32_0 = arith.constant 0 : i32
    %c0_i32_1 = arith.constant 0 : i32
    return %c0_i32, %arg0, %c0_i32_0 : i32, i32, i32
  }
  func.func @transform_1(%arg0: i32) -> (i32, i32, i32, i32) {
    %c0_i32 = arith.constant 0 : i32
    %c0_i32_0 = arith.constant 0 : i32
    %c0_i32_1 = arith.constant 0 : i32
    %c0_i32_2 = arith.constant 0 : i32
    return %c0_i32, %c0_i32_0, %c0_i32_1, %arg0 : i32, i32, i32, i32
  }
  func.func @transform_2(%arg0: i32) -> (i32, i32) {
    %c0_i32 = arith.constant 0 : i32
    %c0_i32_0 = arith.constant 0 : i32
    %c0_i32_1 = arith.constant 0 : i32
    return %c0_i32, %c0_i32_0 : i32, i32
  }
  func.func @transform_3(%arg0: i32) -> (i32, i32) {
    %c0_i32 = arith.constant 0 : i32
    %c0_i32_0 = arith.constant 0 : i32
    return %arg0, %c0_i32 : i32, i32
  }
  func.func @transform_4(%arg0: i32) -> (i32, i32, i32) {
    %c0_i32 = arith.constant 0 : i32
    %c0_i32_0 = arith.constant 0 : i32
    %c0_i32_1 = arith.constant 0 : i32
    return %arg0, %c0_i32, %c0_i32_0 : i32, i32, i32
  }
}

module attributes {stable_mosaic.version = 14 : i64} {
  func.func @_tc_d_body(%arg0: i32, %arg1: memref<1280x256xf32, #tpu.memory_space<vmem>>, %arg2: memref<2x256xf32, #tpu.memory_space<vmem>>, %arg3: memref<1x256xf32, #tpu.memory_space<vmem>>, %arg4: memref<1x256xf32, #tpu.memory_space<vmem>>, %arg5: memref<256x64xf32, #tpu.memory_space<vmem>>, %arg6: memref<64x128xf32, #tpu.memory_space<vmem>>, %arg7: memref<1280x64xf32, #tpu.memory_space<vmem>>, %arg8: memref<1280x128xf32, #tpu.memory_space<vmem>>) attributes {dimension_semantics = [#tpu.dimension_semantics<arbitrary>], iteration_bounds = array<i64: 8>, scalar_prefetch = 0 : i64, scratch_operands = 0 : i64, tpu.core_type = #tpu.core_type<tc>, window_params = [{transform_indices = @transform_0, window_bounds = array<i64: 1280, 256>}, {pipeline_mode = #tpu.pipeline_mode<synchronous>, transform_indices = @transform_1, window_bounds = array<i64: 2, 256>}, {pipeline_mode = #tpu.pipeline_mode<synchronous>, transform_indices = @transform_2, window_bounds = array<i64: 1, 256>}, {pipeline_mode = #tpu.pipeline_mode<synchronous>, transform_indices = @transform_3, window_bounds = array<i64: 1, 256>}, {pipeline_mode = #tpu.pipeline_mode<synchronous>, transform_indices = @transform_4, window_bounds = array<i64: 256, 64>}, {pipeline_mode = #tpu.pipeline_mode<synchronous>, transform_indices = @transform_5, window_bounds = array<i64: 64, 128>}, {transform_indices = @transform_6, window_bounds = array<i64: 1280, 64>}, {transform_indices = @transform_7, window_bounds = array<i64: 1280, 128>}]} {
    %get3A = arith.constant 0 : index
    %get3A_0 = arith.constant 0 : index
    %get3A_1 = vector.load %arg2[%get3A, %get3A_0] : memref<2x256xf32, #tpu.memory_space<vmem>>, vector<1x256xf32>
    %get3A_2 = arith.constant 1 : index
    %get3A_3 = arith.constant 0 : index
    %get3A_4 = vector.load %arg2[%get3A_2, %get3A_3] : memref<2x256xf32, #tpu.memory_space<vmem>>, vector<1x256xf32>
    %get3A_5 = arith.constant 0 : index
    %get3A_6 = arith.constant 0 : index
    %get3A_7 = vector.load %arg3[%get3A_5, %get3A_6] : memref<1x256xf32, #tpu.memory_space<vmem>>, vector<1x256xf32>
    %get3A_8 = arith.constant 0 : index
    %get3A_9 = arith.constant 0 : index
    %get3A_10 = vector.load %arg1[%get3A_8, %get3A_9] : memref<1280x256xf32, #tpu.memory_space<vmem>>, vector<1280x256xf32>
    %sub3A = vector.broadcast %get3A_1 : vector<1x256xf32> to vector<1280x256xf32>
    %sub3A_11 = arith.subf %get3A_10, %sub3A : vector<1280x256xf32>
    %mul3A = vector.broadcast %get3A_7 : vector<1x256xf32> to vector<1280x256xf32>
    %mul3A_12 = arith.mulf %mul3A, %sub3A_11 : vector<1280x256xf32>
    %add3A = arith.constant 9.99999974E-6 : f32
    %add3A_13 = vector.broadcast %add3A : f32 to vector<1x256xf32>
    %add3A_14 = arith.addf %get3A_4, %add3A_13 : vector<1x256xf32>
    %rsqrt3A = math.rsqrt %add3A_14 : vector<1x256xf32>
    %mul3A_15 = vector.broadcast %rsqrt3A : vector<1x256xf32> to vector<1280x256xf32>
    %mul3A_16 = arith.mulf %mul3A_12, %mul3A_15 : vector<1280x256xf32>
    %get3A_17 = arith.constant 0 : index
    %get3A_18 = arith.constant 0 : index
    %get3A_19 = vector.load %arg4[%get3A_17, %get3A_18] : memref<1x256xf32, #tpu.memory_space<vmem>>, vector<1x256xf32>
    %add3A_20 = vector.broadcast %get3A_19 : vector<1x256xf32> to vector<1280x256xf32>
    %add3A_21 = arith.addf %mul3A_16, %add3A_20 : vector<1280x256xf32>
    %max3A = arith.constant 0.000000e+00 : f32
    %max3A_22 = vector.broadcast %max3A : f32 to vector<1280x256xf32>
    %max3A_23 = arith.maximumf %add3A_21, %max3A_22 : vector<1280x256xf32>
    %get3A_24 = arith.constant 0 : index
    %get3A_25 = arith.constant 0 : index
    %get3A_26 = vector.load %arg5[%get3A_24, %get3A_25] : memref<256x64xf32, #tpu.memory_space<vmem>>, vector<256x64xf32>
    %dot_general3A = arith.constant dense<0.000000e+00> : vector<1280x64xf32>
    %dot_general3A_27 = tpu.matmul %max3A_23, %get3A_26, %dot_general3A {dimension_numbers = #tpu.dot_dimension_numbers<[1], [0], [0], [1], [0, 0, 1, 1], [], []>, transpose_lhs_hint = false} : vector<1280x256xf32>, vector<256x64xf32>, vector<1280x64xf32> -> vector<1280x64xf32>
    %swap3A = arith.constant 0 : index
    %swap3A_28 = arith.constant 0 : index
    %swap3A_29 = vector.load %arg7[%swap3A, %swap3A_28] : memref<1280x64xf32, #tpu.memory_space<vmem>>, vector<1280x64xf32>
    tpu.vector_store %arg7[%swap3A, %swap3A_28], %dot_general3A_27 {strides = array<i32>} : memref<1280x64xf32, #tpu.memory_space<vmem>>, vector<1280x64xf32>,
    %get3A_30 = arith.constant 0 : index
    %get3A_31 = arith.constant 0 : index
    %get3A_32 = vector.load %arg6[%get3A_30, %get3A_31] : memref<64x128xf32, #tpu.memory_space<vmem>>, vector<64x128xf32>
    %dot_general3A_33 = arith.constant dense<0.000000e+00> : vector<1280x128xf32>
    %dot_general3A_34 = tpu.matmul %dot_general3A_27, %get3A_32, %dot_general3A_33 {dimension_numbers = #tpu.dot_dimension_numbers<[1], [0], [0], [1], [0, 0, 1, 1], [], []>, transpose_lhs_hint = false} : vector<1280x64xf32>, vector<64x128xf32>, vector<1280x128xf32> -> vector<1280x128xf32>
    %swap3A_35 = arith.constant 0 : index
    %swap3A_36 = arith.constant 0 : index
    %swap3A_37 = vector.load %arg8[%swap3A_35, %swap3A_36] : memref<1280x128xf32, #tpu.memory_space<vmem>>, vector<1280x128xf32>
    tpu.vector_store %arg8[%swap3A_35, %swap3A_36], %dot_general3A_34 {strides = array<i32>} : memref<1280x128xf32, #tpu.memory_space<vmem>>, vector<1280x128xf32>,
    return
  }
  func.func @transform_0(%arg0: i32) -> (i32, i32) {
    %c0_i32 = arith.constant 0 : i32
    %c0_i32_0 = arith.constant 0 : i32
    return %arg0, %c0_i32 : i32, i32
  }
  func.func @transform_1(%arg0: i32) -> (i32, i32) {
    %c0_i32 = arith.constant 0 : i32
    %c0_i32_0 = arith.constant 0 : i32
    %c0_i32_1 = arith.constant 0 : i32
    return %c0_i32, %c0_i32_0 : i32, i32
  }
  func.func @transform_2(%arg0: i32) -> (i32, i32) {
    %c0_i32 = arith.constant 0 : i32
    %c0_i32_0 = arith.constant 0 : i32
    %c0_i32_1 = arith.constant 0 : i32
    return %c0_i32, %c0_i32_0 : i32, i32
  }
  func.func @transform_3(%arg0: i32) -> (i32, i32) {
    %c0_i32 = arith.constant 0 : i32
    %c0_i32_0 = arith.constant 0 : i32
    %c0_i32_1 = arith.constant 0 : i32
    return %c0_i32, %c0_i32_0 : i32, i32
  }
  func.func @transform_4(%arg0: i32) -> (i32, i32) {
    %c0_i32 = arith.constant 0 : i32
    %c0_i32_0 = arith.constant 0 : i32
    %c0_i32_1 = arith.constant 0 : i32
    return %c0_i32, %c0_i32_0 : i32, i32
  }
  func.func @transform_5(%arg0: i32) -> (i32, i32) {
    %c0_i32 = arith.constant 0 : i32
    %c0_i32_0 = arith.constant 0 : i32
    %c0_i32_1 = arith.constant 0 : i32
    return %c0_i32, %c0_i32_0 : i32, i32
  }
  func.func @transform_6(%arg0: i32) -> (i32, i32) {
    %c0_i32 = arith.constant 0 : i32
    %c0_i32_0 = arith.constant 0 : i32
    return %arg0, %c0_i32 : i32, i32
  }
  func.func @transform_7(%arg0: i32) -> (i32, i32) {
    %c0_i32 = arith.constant 0 : i32
    %c0_i32_0 = arith.constant 0 : i32
    return %arg0, %c0_i32 : i32, i32
  }
}

module attributes {stable_mosaic.version = 14 : i64} {
  func.func @_tc_f_body(%arg0: i32, %arg1: memref<2x1280x128xf32, #tpu.memory_space<vmem>>, %arg2: memref<1x64xf32, #tpu.memory_space<vmem>>, %arg3: memref<1280x64xf32, #tpu.memory_space<vmem>>, %arg4: memref<1x2x64xf32, #tpu.memory_space<vmem>>) attributes {dimension_semantics = [#tpu.dimension_semantics<arbitrary>], iteration_bounds = array<i64: 8>, scalar_prefetch = 0 : i64, scratch_operands = 0 : i64, tpu.core_type = #tpu.core_type<tc>, window_params = [{transform_indices = @transform_0, window_bounds = array<i64: 2, 1280, 128>}, {pipeline_mode = #tpu.pipeline_mode<synchronous>, transform_indices = @transform_1, window_bounds = array<i64: 1, 64>}, {transform_indices = @transform_2, window_bounds = array<i64: 1280, 64>}, {transform_indices = @transform_3, window_bounds = array<i64: 1, 2, 64>}]} {
    %get3A = arith.constant 0 : index
    %get3A_0 = arith.constant 0 : index
    %get3A_1 = arith.constant 0 : index
    %get3A_2 = vector.load %arg1[%get3A, %get3A_0, %get3A_1] : memref<2x1280x128xf32, #tpu.memory_space<vmem>>, vector<1x1280x128xf32>
    %get3A_3 = vector.shape_cast %get3A_2 : vector<1x1280x128xf32> to vector<1280x128xf32>
    %get3A_4 = arith.constant 1 : index
    %get3A_5 = arith.constant 0 : index
    %get3A_6 = arith.constant 0 : index
    %get3A_7 = vector.load %arg1[%get3A_4, %get3A_5, %get3A_6] : memref<2x1280x128xf32, #tpu.memory_space<vmem>>, vector<1x1280x128xf32>
    %get3A_8 = vector.shape_cast %get3A_7 : vector<1x1280x128xf32> to vector<1280x128xf32>
    %add3A = arith.addf %get3A_3, %get3A_8 : vector<1280x128xf32>
    %slice3A = vector.extract_strided_slice %add3A {offsets = [0, 0], sizes = [1280, 64], strides = [1, 1]} : vector<1280x128xf32> to vector<1280x64xf32>
    %slice3A_9 = vector.extract_strided_slice %add3A {offsets = [0, 64], sizes = [1280, 1], strides = [1, 1]} : vector<1280x128xf32> to vector<1280x1xf32>
    %add3A_10 = arith.constant 1.000000e-16 : f32
    %add3A_11 = vector.broadcast %add3A_10 : f32 to vector<1280x1xf32>
    %add3A_12 = arith.addf %slice3A_9, %add3A_11 : vector<1280x1xf32>
    %div3A = vector.broadcast %add3A_12 : vector<1280x1xf32> to vector<1280x64xf32>
    %div3A_13 = arith.divf %slice3A, %div3A : vector<1280x64xf32>
    %get3A_14 = arith.constant 0 : index
    %get3A_15 = arith.constant 0 : index
    %get3A_16 = vector.load %arg2[%get3A_14, %get3A_15] : memref<1x64xf32, #tpu.memory_space<vmem>>, vector<1x64xf32>
    %add3A_17 = vector.broadcast %get3A_16 : vector<1x64xf32> to vector<1280x64xf32>
    %add3A_18 = arith.addf %div3A_13, %add3A_17 : vector<1280x64xf32>
    %swap3A = arith.constant 0 : index
    %swap3A_19 = arith.constant 0 : index
    %swap3A_20 = vector.load %arg3[%swap3A, %swap3A_19] : memref<1280x64xf32, #tpu.memory_space<vmem>>, vector<1280x64xf32>
    tpu.vector_store %arg3[%swap3A, %swap3A_19], %add3A_18 {strides = array<i32>} : memref<1280x64xf32, #tpu.memory_space<vmem>>, vector<1280x64xf32>,
    %mul3A = arith.constant 1280 : i32
    %mul3A_21 = arith.muli %arg0, %mul3A : i32
    %iota3A = tpu.iota {dimensions = array<i32: 0>} : vector<1280x1xi32>
    %add3A_22 = vector.broadcast %mul3A_21 : i32 to vector<1280x1xi32>
    %add3A_23 = arith.addi %add3A_22, %iota3A : vector<1280x1xi32>
    %lt3A = arith.constant 10000 : i32
    %lt3A_24 = vector.broadcast %lt3A : i32 to vector<1280x1xi32>
    %lt3A_25 = arith.cmpi slt, %add3A_23, %lt3A_24 : vector<1280x1xi32>
    %jit3A = arith.constant 0.000000e+00 : f32
    %broadcast_in_dim3A = vector.shape_cast %lt3A_25 : vector<1280x1xi1> to vector<1280x1xi1>
    %broadcast_in_dim3A_26 = vector.broadcast %broadcast_in_dim3A : vector<1280x1xi1> to vector<1280x64xi1>
    %broadcast_in_dim3A_27 = vector.broadcast %jit3A : f32 to vector<1280x64xf32>
    %select_n3A = arith.select %broadcast_in_dim3A_26, %add3A_18, %broadcast_in_dim3A_27 : vector<1280x64xi1>, vector<1280x64xf32>
    %reduce_sum3A = arith.constant dense<0.000000e+00> : vector<64xf32>
    %reduce_sum3A_28 = vector.multi_reduction <add>, %select_n3A, %reduce_sum3A [0] : vector<1280x64xf32> to vector<64xf32>
    %swap3A_29 = arith.constant 0 : index
    %swap3A_30 = arith.constant 0 : index
    %swap3A_31 = arith.constant 0 : index
    %swap3A_32 = vector.load %arg4[%swap3A_29, %swap3A_30, %swap3A_31] : memref<1x2x64xf32, #tpu.memory_space<vmem>>, vector<1x1x64xf32>
    %swap3A_33 = vector.shape_cast %swap3A_32 : vector<1x1x64xf32> to vector<64xf32>
    %swap3A_34 = vector.shape_cast %reduce_sum3A_28 : vector<64xf32> to vector<1x1x64xf32>
    tpu.vector_store %arg4[%swap3A_29, %swap3A_30, %swap3A_31], %swap3A_34 {strides = array<i32>} : memref<1x2x64xf32, #tpu.memory_space<vmem>>, vector<1x1x64xf32>,
    %mul3A_35 = arith.mulf %select_n3A, %select_n3A : vector<1280x64xf32>
    %reduce_sum3A_36 = arith.constant dense<0.000000e+00> : vector<64xf32>
    %reduce_sum3A_37 = vector.multi_reduction <add>, %mul3A_35, %reduce_sum3A_36 [0] : vector<1280x64xf32> to vector<64xf32>
    %swap3A_38 = arith.constant 0 : index
    %swap3A_39 = arith.constant 1 : index
    %swap3A_40 = arith.constant 0 : index
    %swap3A_41 = vector.load %arg4[%swap3A_38, %swap3A_39, %swap3A_40] : memref<1x2x64xf32, #tpu.memory_space<vmem>>, vector<1x1x64xf32>
    %swap3A_42 = vector.shape_cast %swap3A_41 : vector<1x1x64xf32> to vector<64xf32>
    %swap3A_43 = vector.shape_cast %reduce_sum3A_37 : vector<64xf32> to vector<1x1x64xf32>
    tpu.vector_store %arg4[%swap3A_38, %swap3A_39, %swap3A_40], %swap3A_43 {strides = array<i32>} : memref<1x2x64xf32, #tpu.memory_space<vmem>>, vector<1x1x64xf32>,
    return
  }
  func.func @transform_0(%arg0: i32) -> (i32, i32, i32) {
    %c0_i32 = arith.constant 0 : i32
    %c0_i32_0 = arith.constant 0 : i32
    %c0_i32_1 = arith.constant 0 : i32
    return %c0_i32, %arg0, %c0_i32_0 : i32, i32, i32
  }
  func.func @transform_1(%arg0: i32) -> (i32, i32) {
    %c0_i32 = arith.constant 0 : i32
    %c0_i32_0 = arith.constant 0 : i32
    %c0_i32_1 = arith.constant 0 : i32
    return %c0_i32, %c0_i32_0 : i32, i32
  }
  func.func @transform_2(%arg0: i32) -> (i32, i32) {
    %c0_i32 = arith.constant 0 : i32
    %c0_i32_0 = arith.constant 0 : i32
    return %arg0, %c0_i32 : i32, i32
  }
  func.func @transform_3(%arg0: i32) -> (i32, i32, i32) {
    %c0_i32 = arith.constant 0 : i32
    %c0_i32_0 = arith.constant 0 : i32
    %c0_i32_1 = arith.constant 0 : i32
    return %arg0, %c0_i32, %c0_i32_0 : i32, i32, i32
  }
}

module attributes {stable_mosaic.version = 14 : i64} {
  func.func @_tc_g_body(%arg0: i32, %arg1: memref<1280x64xf32, #tpu.memory_space<vmem>>, %arg2: memref<2x64xf32, #tpu.memory_space<vmem>>, %arg3: memref<1x64xf32, #tpu.memory_space<vmem>>, %arg4: memref<1x64xf32, #tpu.memory_space<vmem>>, %arg5: memref<64x128xf32, #tpu.memory_space<vmem>>, %arg6: memref<1x128xf32, #tpu.memory_space<vmem>>, %arg7: memref<128x1xf32, #tpu.memory_space<vmem>>, %arg8: memref<1x1xf32, #tpu.memory_space<vmem>>, %arg9: memref<1280x1xf32, #tpu.memory_space<vmem>>) attributes {dimension_semantics = [#tpu.dimension_semantics<arbitrary>], iteration_bounds = array<i64: 8>, scalar_prefetch = 0 : i64, scratch_operands = 0 : i64, tpu.core_type = #tpu.core_type<tc>, window_params = [{transform_indices = @transform_0, window_bounds = array<i64: 1280, 64>}, {pipeline_mode = #tpu.pipeline_mode<synchronous>, transform_indices = @transform_1, window_bounds = array<i64: 2, 64>}, {pipeline_mode = #tpu.pipeline_mode<synchronous>, transform_indices = @transform_2, window_bounds = array<i64: 1, 64>}, {pipeline_mode = #tpu.pipeline_mode<synchronous>, transform_indices = @transform_3, window_bounds = array<i64: 1, 64>}, {pipeline_mode = #tpu.pipeline_mode<synchronous>, transform_indices = @transform_4, window_bounds = array<i64: 64, 128>}, {pipeline_mode = #tpu.pipeline_mode<synchronous>, transform_indices = @transform_5, window_bounds = array<i64: 1, 128>}, {pipeline_mode = #tpu.pipeline_mode<synchronous>, transform_indices = @transform_6, window_bounds = array<i64: 128, 1>}, {pipeline_mode = #tpu.pipeline_mode<synchronous>, transform_indices = @transform_7, window_bounds = array<i64: 1, 1>}, {transform_indices = @transform_8, window_bounds = array<i64: 1280, 1>}]} {
    %get3A = arith.constant 0 : index
    %get3A_0 = arith.constant 0 : index
    %get3A_1 = vector.load %arg2[%get3A, %get3A_0] : memref<2x64xf32, #tpu.memory_space<vmem>>, vector<1x64xf32>
    %get3A_2 = arith.constant 1 : index
    %get3A_3 = arith.constant 0 : index
    %get3A_4 = vector.load %arg2[%get3A_2, %get3A_3] : memref<2x64xf32, #tpu.memory_space<vmem>>, vector<1x64xf32>
    %get3A_5 = arith.constant 0 : index
    %get3A_6 = arith.constant 0 : index
    %get3A_7 = vector.load %arg3[%get3A_5, %get3A_6] : memref<1x64xf32, #tpu.memory_space<vmem>>, vector<1x64xf32>
    %get3A_8 = arith.constant 0 : index
    %get3A_9 = arith.constant 0 : index
    %get3A_10 = vector.load %arg1[%get3A_8, %get3A_9] : memref<1280x64xf32, #tpu.memory_space<vmem>>, vector<1280x64xf32>
    %sub3A = vector.broadcast %get3A_1 : vector<1x64xf32> to vector<1280x64xf32>
    %sub3A_11 = arith.subf %get3A_10, %sub3A : vector<1280x64xf32>
    %mul3A = vector.broadcast %get3A_7 : vector<1x64xf32> to vector<1280x64xf32>
    %mul3A_12 = arith.mulf %mul3A, %sub3A_11 : vector<1280x64xf32>
    %add3A = arith.constant 9.99999974E-6 : f32
    %add3A_13 = vector.broadcast %add3A : f32 to vector<1x64xf32>
    %add3A_14 = arith.addf %get3A_4, %add3A_13 : vector<1x64xf32>
    %rsqrt3A = math.rsqrt %add3A_14 : vector<1x64xf32>
    %mul3A_15 = vector.broadcast %rsqrt3A : vector<1x64xf32> to vector<1280x64xf32>
    %mul3A_16 = arith.mulf %mul3A_12, %mul3A_15 : vector<1280x64xf32>
    %get3A_17 = arith.constant 0 : index
    %get3A_18 = arith.constant 0 : index
    %get3A_19 = vector.load %arg4[%get3A_17, %get3A_18] : memref<1x64xf32, #tpu.memory_space<vmem>>, vector<1x64xf32>
    %add3A_20 = vector.broadcast %get3A_19 : vector<1x64xf32> to vector<1280x64xf32>
    %add3A_21 = arith.addf %mul3A_16, %add3A_20 : vector<1280x64xf32>
    %get3A_22 = arith.constant 0 : index
    %get3A_23 = arith.constant 0 : index
    %get3A_24 = vector.load %arg5[%get3A_22, %get3A_23] : memref<64x128xf32, #tpu.memory_space<vmem>>, vector<64x128xf32>
    %dot_general3A = arith.constant dense<0.000000e+00> : vector<1280x128xf32>
    %dot_general3A_25 = tpu.matmul %add3A_21, %get3A_24, %dot_general3A {dimension_numbers = #tpu.dot_dimension_numbers<[1], [0], [0], [1], [0, 0, 1, 1], [], []>, transpose_lhs_hint = false} : vector<1280x64xf32>, vector<64x128xf32>, vector<1280x128xf32> -> vector<1280x128xf32>
    %get3A_26 = arith.constant 0 : index
    %get3A_27 = arith.constant 0 : index
    %get3A_28 = vector.load %arg6[%get3A_26, %get3A_27] : memref<1x128xf32, #tpu.memory_space<vmem>>, vector<1x128xf32>
    %add3A_29 = vector.broadcast %get3A_28 : vector<1x128xf32> to vector<1280x128xf32>
    %add3A_30 = arith.addf %dot_general3A_25, %add3A_29 : vector<1280x128xf32>
    %max3A = arith.constant 0.000000e+00 : f32
    %max3A_31 = vector.broadcast %max3A : f32 to vector<1280x128xf32>
    %max3A_32 = arith.maximumf %add3A_30, %max3A_31 : vector<1280x128xf32>
    %get3A_33 = arith.constant 0 : index
    %get3A_34 = arith.constant 0 : index
    %get3A_35 = vector.load %arg7[%get3A_33, %get3A_34] : memref<128x1xf32, #tpu.memory_space<vmem>>, vector<128x1xf32>
    %dot_general3A_36 = arith.constant dense<0.000000e+00> : vector<1280x1xf32>
    %dot_general3A_37 = tpu.matmul %max3A_32, %get3A_35, %dot_general3A_36 {dimension_numbers = #tpu.dot_dimension_numbers<[1], [0], [0], [1], [0, 0, 1, 1], [], []>, transpose_lhs_hint = false} : vector<1280x128xf32>, vector<128x1xf32>, vector<1280x1xf32> -> vector<1280x1xf32>
    %get3A_38 = arith.constant 0 : index
    %get3A_39 = arith.constant 0 : index
    %get3A_40 = vector.load %arg8[%get3A_38, %get3A_39] : memref<1x1xf32, #tpu.memory_space<vmem>>, vector<1x1xf32>
    %add3A_41 = vector.broadcast %get3A_40 : vector<1x1xf32> to vector<1280x1xf32>
    %add3A_42 = arith.addf %dot_general3A_37, %add3A_41 : vector<1280x1xf32>
    %swap3A = arith.constant 0 : index
    %swap3A_43 = arith.constant 0 : index
    %swap3A_44 = vector.load %arg9[%swap3A, %swap3A_43] : memref<1280x1xf32, #tpu.memory_space<vmem>>, vector<1280x1xf32>
    tpu.vector_store %arg9[%swap3A, %swap3A_43], %add3A_42 {strides = array<i32>} : memref<1280x1xf32, #tpu.memory_space<vmem>>, vector<1280x1xf32>,
    return
  }
  func.func @transform_0(%arg0: i32) -> (i32, i32) {
    %c0_i32 = arith.constant 0 : i32
    %c0_i32_0 = arith.constant 0 : i32
    return %arg0, %c0_i32 : i32, i32
  }
  func.func @transform_1(%arg0: i32) -> (i32, i32) {
    %c0_i32 = arith.constant 0 : i32
    %c0_i32_0 = arith.constant 0 : i32
    %c0_i32_1 = arith.constant 0 : i32
    return %c0_i32, %c0_i32_0 : i32, i32
  }
  func.func @transform_2(%arg0: i32) -> (i32, i32) {
    %c0_i32 = arith.constant 0 : i32
    %c0_i32_0 = arith.constant 0 : i32
    %c0_i32_1 = arith.constant 0 : i32
    return %c0_i32, %c0_i32_0 : i32, i32
  }
  func.func @transform_3(%arg0: i32) -> (i32, i32) {
    %c0_i32 = arith.constant 0 : i32
    %c0_i32_0 = arith.constant 0 : i32
    %c0_i32_1 = arith.constant 0 : i32
    return %c0_i32, %c0_i32_0 : i32, i32
  }
  func.func @transform_4(%arg0: i32) -> (i32, i32) {
    %c0_i32 = arith.constant 0 : i32
    %c0_i32_0 = arith.constant 0 : i32
    %c0_i32_1 = arith.constant 0 : i32
    return %c0_i32, %c0_i32_0 : i32, i32
  }
  func.func @transform_5(%arg0: i32) -> (i32, i32) {
    %c0_i32 = arith.constant 0 : i32
    %c0_i32_0 = arith.constant 0 : i32
    %c0_i32_1 = arith.constant 0 : i32
    return %c0_i32, %c0_i32_0 : i32, i32
  }
  func.func @transform_6(%arg0: i32) -> (i32, i32) {
    %c0_i32 = arith.constant 0 : i32
    %c0_i32_0 = arith.constant 0 : i32
    %c0_i32_1 = arith.constant 0 : i32
    return %c0_i32, %c0_i32_0 : i32, i32
  }
  func.func @transform_7(%arg0: i32) -> (i32, i32) {
    %c0_i32 = arith.constant 0 : i32
    %c0_i32_0 = arith.constant 0 : i32
    %c0_i32_1 = arith.constant 0 : i32
    return %c0_i32, %c0_i32_0 : i32, i32
  }
  func.func @transform_8(%arg0: i32) -> (i32, i32) {
    %c0_i32 = arith.constant 0 : i32
    %c0_i32_0 = arith.constant 0 : i32
    return %arg0, %c0_i32 : i32, i32
  }
}

</mosaic_0001>

<sc_bundles>
// kernel: kernel.12.cloned.1.call-start
scs
__scs_entry_jumppad:
0x0: {  	(pc) =	sbr.rel $0x88, $3  }
0x1: {  	(tag) =	ssettag $0x0;
	lr =	simm.s32 $0x1  }
0x2: {  	[smem:$0x3F8D] =	sst lr;
	_ =	strace $0xD0000000  }
0x3: {  	_ = 	snop  }
0x4: {  	_ = 	snop  }
0x5: {  	_ = 	snop  }
0x6: {  	_ = 	snop  }
0x7: {  	_ = 	snop  }
__scs_overlays_trampoline_lowered:
0x8: {  	[smem:$0x3F9C] =	sst s0  }
0x9: {  	[smem:$0x3F9D] =	sst s1  }
0xa: {  	[smem:$0x3F9E] =	sst s2  }
0xb: {  	[smem:$0x3F9F] =	sst s3  }
0xc: {  	[smem:$0x3FA0] =	sst s4  }
0xd: {  	[smem:$0x3FA1] =	sst s5  }
0xe: {  	[smem:$0x3FA2] =	sst s6  }
0xf: {  	[smem:$0x3FA3] =	sst s7  }
0x10: {  	[smem:$0x3FA4] =	sst s8  }
0x11: {  	[smem:$0x3FA5] =	sst s9;
	s0 =	simm.s32 @!p0 $0x0  }
0x12: {  	s1 =	sld [smem:$0x3F8B];
	s0 =	simm.s32 @p0 $0x1  }
0x13: {  	[smem:$0x3FA6] =	sst s0;
	s0 =	simm.s32 @!p1 $0x0  }
0x14: {  	s2 =	sld [smem:$0x3F8A];
	s0 =	simm.s32 @p1 $0x1  }
0x15: {  	[smem:$0x3FA7] =	sst s0;
	s0 =	simm.s32 @!p2 $0x0  }
0x16: {  	s3 =	sld [smem:$0x3FDB];
	s0 =	simm.s32 @p2 $0x1  }
0x17: {  	s4 =	simm.s32 $0x1BF5;
	[smem:$0x3FA9] =	sst s0  }
0x18: {  	s0 =	sld [smem:$0x3F8C];
	_ =	swait.ge [sflag:s4], $0x0  }
0x19: {  	s7 =	sld [smem:$0x3F8D]  }
0x1a: {  	s8 =	sadd.s32 $0xFFFFE003, lr  }
0x1b: {  	s9 =	sadd.s32 $0xFFFFFEF7, lr;
	s5 =	simm.s32 $0xFFFFFFFF;
	p2 =	slt.u32 s8, $0xFFFFF086  }
0x1c: {  	p1 =	slt.u32 s9, $0xF7A;
	s5 =	simm.s32 @!p2 $0x0  }
0x1d: {  	s5 =	simm.s32 @p1 $0x1;
	p0 =	seq.s32 s7, s2  }
0x1e: {  	s7 =	smul.u32 @!p0 $0xF7A, s2;
	p2 =	seq.s32 @!p0 s5, $0x0  }
0x1f: {  	s9 =	smul.u32 $0xF7A, s1;
	s8 =	simm.s32 @!p0 $0x1BF5;
	p2 =	por !p2, p0  }
0x20: {  	[sflag:s8] =	ssyncset.s32 @!p0 $0xFFFFF086;
	s6 =	sadd.s32 @!p0 s3, s7;
	s7 =	simm.s32 @!p0 $0x108  }
0x21: {  	s3 =	sadd.s32 s3, s9;
	s6 =	sadd.s32 @!p0 $0x88, s6;
	s7 =	simm.s32 @p2 $0x1082  }
0x22: {  	[simem:s7], [sflag:s8] =	dma.local @!p0 [hbm:s6], $0xF7A  }
0x23: {  	s9 =	sor.u32 $0xD0000000, s2;
	s6 =	simm.s32 $0x108;
	_ =	swait.ge @!p0 [sflag:s8], $0x0  }
0x24: {  	s3 =	sadd.s32 $0x88, s3;
	s6 =	simm.s32 @!p1 $0x1082;
	[sflag:s4] =	ssyncset.s32 $0xFFFFF086  }
0x25: {  	[simem:s6], [sflag:s4] =	dma.local [hbm:s3], $0xF7A  }
0x26: {  	[smem:$0x3F8D] =	sst s1;
	(tag) =	ssettag s2;
	_ =	strace s9  }
0x27: {  	s1 =	sld [smem:$0x3F9D]  }
0x28: {  	s2 =	sld [smem:$0x3F9E]  }
0x29: {  	s4 =	sld [smem:$0x3FA0]  }
0x2a: {  	p0 =	seq.s32 s5, $0x0;
	s5 =	sld [smem:$0x3FA1]  }
0x2b: {  	s6 =	sld [smem:$0x3FA2]  }
0x2c: {  	s7 =	sld [smem:$0x3FA3]  }
0x2d: {  	s3 =	simm.s32 $0x108;
	s8 =	sld [smem:$0x3FA4]  }
0x2e: {  	s3 =	simm.s32 @!p0 $0x1082;
	s9 =	sld [smem:$0x3FA5]  }
0x2f: {  	lr =	sadd.s32 s0, s3;
	s0 =	sld [smem:$0x3F9C]  }
0x30: {  	s3 =	sld [smem:$0x3F9F]  }
0x31: {  	[smem:$0x3FA8] =	sst s10  }
0x32: {  	s10 =	sld [smem:$0x3FA6];
	_ =	sdelay $0x3  }
0x33: {  	p0 =	seq.s32 s10, $0x1;
	s10 =	sld [smem:$0x3FA8];
	_ =	sdelay $0x3  }
0x34: {  	[smem:$0x3FA8] =	sst s10  }
0x35: {  	s10 =	sld [smem:$0x3FA7];
	_ =	sdelay $0x3  }
0x36: {  	p1 =	seq.s32 s10, $0x1;
	s10 =	sld [smem:$0x3FA8];
	_ =	sdelay $0x3  }
0x37: {  	[smem:$0x3FA8] =	sst s10  }
0x38: {  	s10 =	sld [smem:$0x3FA9]  }
0x39: {  	_ = 	snop;
	(pc) =	sbr.ind lr, $3  }
0x3a: {  	_ = 	snop  }
0x3b: {  	_ = 	snop  }
0x3c: {  	p2 =	seq.s32 s10, $0x1;
	s10 =	sld [smem:$0x3FA8]  }
0x3d: {  	_ =	shalt  }
0x3e: {  	_ =	shalt  }
0x3f: {  	_ =	shalt  }
0x40: {  	_ =	shalt  }
0x41: {  	_ =	shalt  }
0x42: {  	_ =	shalt  }
0x43: {  	_ =	shalt  }
0x44: {  	_ =	shalt  }
0x45: {  	_ =	shalt  }
0x46: {  	_ =	shalt  }
0x47: {  	_ =	shalt  }
0x48: {  	_ =	shalt  }
0x49: {  	_ =	shalt  }
0x4a: {  	_ =	shalt  }
0x4b: {  	_ =	shalt  }
0x4c: {  	_ =	shalt  }
0x4d: {  	_ =	shalt  }
0x4e: {  	_ =	shalt  }
0x4f: {  	_ =	shalt  }
0x50: {  	_ =	shalt  }
0x51: {  	_ =	shalt  }
0x52: {  	_ =	shalt  }
0x53: {  	_ =	shalt  }
0x54: {  	_ =	shalt  }
0x55: {  	_ =	shalt  }
0x56: {  	_ =	shalt  }
0x57: {  	_ =	shalt  }
0x58: {  	_ =	shalt  }
0x59: {  	_ =	shalt  }
0x5a: {  	_ =	shalt  }
0x5b: {  	_ =	shalt  }
0x5c: {  	_ =	shalt  }
0x5d: {  	_ =	shalt  }
0x5e: {  	_ =	shalt  }
0x5f: {  	_ =	shalt  }
0x60: {  	_ =	shalt  }
0x61: {  	_ =	shalt  }
0x62: {  	_ =	shalt  }
0x63: {  	_ =	shalt  }
0x64: {  	_ =	shalt  }
0x65: {  	_ =	shalt  }
0x66: {  	_ =	shalt  }
0x67: {  	_ =	shalt  }
0x68: {  	_ =	shalt  }
0x69: {  	_ =	shalt  }
0x6a: {  	_ =	shalt  }
0x6b: {  	_ =	shalt  }
0x6c: {  	_ =	shalt  }
0x6d: {  	_ =	shalt  }
0x6e: {  	_ =	shalt  }
0x6f: {  	_ =	shalt  }
0x70: {  	_ =	shalt  }
0x71: {  	_ =	shalt  }
0x72: {  	_ =	shalt  }
0x73: {  	_ =	shalt  }
0x74: {  	_ =	shalt  }
0x75: {  	_ =	shalt  }
0x76: {  	_ =	shalt  }
0x77: {  	_ =	shalt  }
0x78: {  	_ =	shalt  }
0x79: {  	_ =	shalt  }
0x7a: {  	_ =	shalt  }
0x7b: {  	_ =	shalt  }
0x7c: {  	_ =	shalt  }
0x7d: {  	_ =	shalt  }
0x7e: {  	_ =	shalt  }
0x7f: {  	_ =	shalt  }
0x80: {  	_ =	shalt  }
0x81: {  	_ =	shalt  }
0x82: {  	_ =	shalt  }
0x83: {  	_ =	shalt  }
0x84: {  	_ =	shalt  }
0x85: {  	_ =	shalt  }
0x86: {  	_ =	shalt  }
0x87: {  	_ =	shalt  }
.Lfunc_end0:
.L_simem_size_0:
called_computation.1_lowered:
.L_overlay_start_0:
0x88: {  	s2 =	sld [smem:$0x3FD9]  }
0x89: {  	s3 =	sld [smem:$0x3FFE];
	_ =	sdelay $0x1  }
0x8a: {  	s1 =	srdreg.scid  }
0x8b: {  	s0 =	sand.u32 $0x1, s1  }
0x8c: {  	s16 =	sshll.u32 s0, $0xA;
	s2 =	sadd.s32 s3, s2  }
0x8d: {  	s2 =	sadd.s32 s2, s16  }
0x8e: {  	[smem:$0x3FB4] =	sst s2  }
0x8f: {  	_ = 	snop  }
0x90: {  	(tm) =	ssettm $0x1  }
0x91: {  	s17 =	sld [smem:$0x3FFB];
	_ =	sdelay $0x3  }
0x92: {  	_ =	strace s17  }
0x93: {  	s2 =	sld [smem:$0x3FFC];
	_ =	sdelay $0x3  }
0x94: {  	_ =	strace s2  }
0x95: {  	s2 =	sld [smem:$0x3FFD];
	_ =	sdelay $0x3  }
0x96: {  	_ =	strace s2  }
0x97: {  	_ =	strace $0x8FFFFFFF  }
0x98: {  	s18 =	sld [smem:$0x3FDB];
	_ =	sdelay $0x1  }
0x99: {  	s19 =	simm.s32 $_scs_section_size  }
0x9a: {  	s4 =	simm.s32 $_size__tile_overlayer_lowered;
	s5 =	simm.s32 $_tile_overlayer_lowered  }
0x9b: {  	s22 =	simm.s32 $0x1BFF;
	s21 =	sshll.u32 s5, $0x1;
	s2 =	sadd.s32 s19, s18  }
0x9c: {  	s6 =	simm.s32 $0x0;
	s20 =	sshll.u32 s4, $0x1;
	s4 =	sadd.s32 s21, s2  }
0x9d: {  	[timem:s6], [sflag:s22] =	dma.local [hbm:s4], s20  }
0x9e: {  	_ =	swait.ge [sflag:s22], s20  }
0x9f: {  	s3 =	ssub.s32 $0x0, s20;
	[sflag:s22] =	ssyncset.done $0x0  }
0xa0: {  	[sflag:s22] =	ssyncadd.s32 s3;
	_ =	sdelay $0x1  }
0xa1: {  	s23 =	simm.s32 $0x1B8B  }
0xa2: {  	_ =	swait.ge [sflag:s23], $0x1  }
0xa3: {  	[sflag:s23] =	ssyncset.done $0x0  }
0xa4: {  	s25 =	simm.s32 $0x1B8E;
	s24 =	sld [smem:$0x3FFE];
	[sflag:s23] =	ssyncadd.s32 $0xFFFFFFFF  }
0xa5: {  	s26 =	simm.s32 $execute0_lowered;
	[smem:$0x3FD2] =	sst s25  }
0xa6: {  	s4 =	sshll.u32 s26, $0x1;
	_ =	strace $0x80000049;
	[dreg:$0x1] =	wrdreg $0xFFFFFFFF  }
0xa7: {  	s28 =	simm.s32 $_size_execute0_lowered;
	s2 =	sadd.s32 s2, s4;
	[dreg:$0x0] =	wrdreg $0x0  }
0xa8: {  	s4 =	sshll.u32 s28, $0x1;
	[dreg:$0x2] =	wrdreg s2  }
0xa9: {  	[dreg:$0x3] =	wrdreg s4  }
0xaa: {  	[dreg:$0x4] =	wrdreg $0xC0  }
0xab: {  	_ =	task [dreg:s6], $0x5FFFF  }
0xac: {  	[dreg:$0x1] =	wrdreg $0xFFFFFFFF  }
0xad: {  	[dreg:$0x0] =	wrdreg $0x60  }
0xae: {  	[dreg:$0x2] =	wrdreg s24  }
0xaf: {  	[dreg:$0x3] =	wrdreg $0x4A400  }
0xb0: {  	[dreg:$0x4] =	wrdreg $0x9  }
0xb1: {  	_ =	task.clear_ibuf [dreg:s6], $0x5FFFF;
	_ =	strace $0x90000049  }
0xb2: {  	s29 =	simm.s32 $0x9;
	_ =	strace $0x8000004B  }
0xb3: {  	_ =	swait.ge [sflag:s29], $0x1  }
0xb4: {  	[sflag:s29] =	ssyncadd.s32 $0xFFFFFFFF  }
0xb5: {  	_ =	strace $0x9000004B  }
0xb6: {  	_ =	sfence  }
0xb7: {  	s30 =	sld [smem:$0x0];
	_ =	sdelay $0x2  }
0xb8: {  	s31 =	sshll.u32 s1, $0xD;
	s1 =	sshrl.u32 s1, $0x2  }
0xb9: {  	s3 =	sand.u32 $0x4000, s31;
	s1 =	sadd.s32 s1, s30  }
0xba: {  	s0 =	sor.u32 s3, s0;
	s1 =	sshll.u32 s1, $0x11  }
0xbb: {  	s0 =	sor.u32 s1, s0  }
0xbc: {  	s0 =	sadd.s32 $0x8F2B, s0  }
0xbd: {  	[sflag:s0] =	ssyncadd.remote.s32 $0x1  }
0xbe: {  	_ =	sfence.sel $0xFFFF  }
0xbf: {  	[dreg:$0x0] =	wrdreg $0xFFFFFFFF;
	(pc) =	sbr.abs _section_cstart, $3  }
0xc0: {  	[dreg:$0x1] =	wrdreg $0xFFFFFFFF  }
0xc1: {  	_ =	task.clear_ibuf [dreg:s6], $0x2FFFF;
	_ =	strace $0x9FFFFFFF  }
0xc2: {  	(tm) =	ssettm $0x7FFFFFFF  }
0xc3: {  	_ =	shalt  }
tec
execute0_lowered:
.L_overlay_start_1:
0x0: {  	(tag) =	ssettag $0x1  }
0x1: {  	s0 =	rddreg [dreg:$0x0]  }
0x2: {  	s1 =	rddreg [dreg:$0x1];
	s2 =	simm.s32 $0x0  }
0x3: {  	s30 =	srdreg.scid;
	s14 =	stileid.u32;
	s17 =	simm.s32 $0x40  }
0x4: {  	s19 =	simm.s32 $0x1;
	s20 =	simm.s32 $0x80;
	s21 =	simm.s32 $0x180  }
0x5: {  	s22 =	simm.s32 $0x980;
	s23 =	simm.s32 $0x2A40;
	s24 =	simm.s32 $0x0  }
0x6: {  	s25 =	simm.s32 $0x0;
	[smem:$0x7FF] =	sst s2;
	s2 =	sand.u32 $0x1, s30  }
0x7: {  	s3 =	smul.u32 $0x14000, s14;
	s4 =	sadd.s32 $0x55C00, s0;
	s5 =	sadd.s32 $0x5E00, s0  }
0x8: {  	s6 =	sadd.s32 $0xE00, s0;
	s7 =	sadd.s32 $0xC00, s0;
	s9 =	sshll.u32 s14, $0x1  }
0x9: {  	s31 =	sshll.u32 s14, $0x6;
	s14 =	simm.s32 $0x4;
	_ =	strace $0x8000004A  }
0xa: {  	v0 =	vlaneseq.u32;
	s8 =	smul.u32 $0x140000, s2;
	s10 =	ssub.s32 $0x2, s2;
	s9 =	sor.u32 s2, s9  }
0xb: {  	v0 =	vmul.u32 $0x10, v0;
	s15 =	sor.u32 $0x1C04, s31;
	s12 =	sshrl.u32 s10, $0x1;
	s13 =	smul.u32 $0x9E0, s9  }
0xc: {  	v2 =	vimm.f32 $0.0e+00;
	s9 =	smul.u32 $0x9E, s9;
	s8 =	sadd.s32 s3, s8;
	s12 =	ssub.s32 s10, s12  }
0xd: {  	vm0 =	vmmov $0x1;
	v1 =	vmov s2;
	v3 =	vor.u32 $0x401, v0;
	s3 =	sadd.s32 s3, s1;
	s11 =	sshrl.u32 s8, $0x3;
	s8 =	sadd.s32 $0x69800, s0  }
0xe: {  	v4 =	vor.u32 $0x100, v0;
	v5 =	vor.u32 $0x501, v0;
	v6 =	vor.u32 $0x200, v0;
	s10 =	sadd.s32 s4, s13;
	s12 =	smax.u32 s12, $0x1;
	s0 =	sadd.s32 s11, s0  }
0xf: {  	v7 =	vor.u32 $0x601, v0;
	v8 =	vor.u32 $0x300, v0;
	v9 =	vor.u32 $0x701, v0;
	s13 =	simm.s32 $0x9C0;
	s16 =	sshrl.u32 s3, $0x3;
	s11 =	sadd.s32 $0x6C000, s0  }
.LBB2_1:
0x10: {  	s0 =	simm.s32 $0x0  }
0x11: {  	[tilespmem:s13], [sflag:$0x4] =	stream.linear.gather [hbm4b:s7+s0], $0x80, $0x38;
	[tilespmem:$0x18A40] =	vst v63  }
0x12: {  	_ =	swait.ge [sflag:s14], $0x80  }
0x13: {  	[sflag:s14] =	ssyncset.done $0x0  }
0x14: {  	[sflag:s14] =	ssyncadd.s32 $0xFFFFFF80  }
0x15: {  	[spmem:s16], [sflag:s15] =	dma.local [hbm:s8], $0x2800  }
0x16: {  	_ =	swait.ge [sflag:s14], $0x2800  }
0x17: {  	[sflag:s14] =	ssyncset.done $0x0  }
0x18: {  	s2 =	simm.s32 $0x0;
	s0 =	simm.s32 $0x200;
	[sflag:s14] =	ssyncadd.s32 $0xFFFFD800  }
.LBB2_2:
0x19: {  	p0 =	sne.s32 s0, $0x7E00;
	[tilespmem:s2+$0x2AB0] =	vst v2;
	s3 =	smov.u32 s0;
	s0 =	sadd.s32 $0x200, s0  }
.Ltmp0:
0x1a: {  	[tilespmem:s2+$0x2A90] =	vst v2;
	(pc) =	sbr.rel @p0 .LBB2_2-.Ltmp0, $2  }
0x1b: {  	[tilespmem:s2+$0x2AA0] =	vst v2;
	_ =	sdelay $0x2  }
0x1c: {  	s2 =	sshra.s32 s3, $0x2  }
0x1d: {  	[tilespmem:s2+$0x2AB0] =	vst v2  }
0x1e: {  	[tilespmem:s2+$0x2A90] =	vst v2  }
0x1f: {  	[tilespmem:s2+$0x2AA0] =	vst v2  }
0x20: {  	[bflag:$0x0] =	sbarrier.arrive $0xFFFF  }
0x21: {  	v10 =	vld.idx.msk [tilespmem:v1+s13+$0x0], $0xffff;
	[tilespmem:s25], [sflag:$0x4] =	stream.linear.gather [hbm4b:s10+s25], $0x80, $0x38  }
0x22: {  	_ =	swait.ge [sflag:s14], $0x80  }
0x23: {  	[sflag:s14] =	ssyncset.done $0x0  }
0x24: {  	[sflag:s14] =	ssyncadd.s32 $0xFFFFFF80  }
0x25: {  	v11 =	vld [tilespmem:$0x40]  }
0x26: {  	v12 =	vld [tilespmem:$0x50]  }
0x27: {  	v13 =	vld [tilespmem:$0x60]  }
0x28: {  	v14 =	vld [tilespmem:$0x70];
	_ =	sdelay $0x1  }
0x29: {  	[tilespmem:$0x100] =	vst v11  }
0x2a: {  	[tilespmem:$0x110] =	vst v12  }
0x2b: {  	[tilespmem:$0x120] =	vst v13  }
0x2c: {  	s0 =	simm.s32 $0xA40;
	p0 =	por $0x0, $0x0;
	s26 =	simm.s32 $0x0;
	[tilespmem:$0x130] =	vst v14  }
0x2d: {  	[tilespmem:s0], [sflag:$0x2] =	stream.indirect.gather [hbm4b:s5+s17], $0x40, s25, s17, $0xb8;
	[tilespmem:$0x18A40] =	vst v63  }
.LBB2_4:
0x2e: {  	s0 =	smov.u32 s26;
	s28 =	sand.u32 $0x1, s26  }
0x2f: {  	s26 =	sadd.s32 $0x1, s26;
	s2 =	sshll.u32 s28, $0x7;
	p1 =	seq.s32 s0, $0x9D  }
0x30: {  	[tilespmem:s21], [sflag:$0x1] =	stream.indirect.gather [hbm4b:s6+s20], $0x10, s2, s20, $0xb8;
	[tilespmem:$0x18A40] =	vst v63  }
0x31: {  	s0 =	sadd.s32 @!p1 s9, s26  }
0x32: {  	s0 =	sshll.u32 @!p1 s0, $0x4  }
0x33: {  	s2 =	sxor.u32 @!p1 $0x1, s28;
	s0 =	sand.u32 @!p1 $0x1FFFFFF0, s0  }
0x34: {  	s29 =	simm.s32 @!p1 $0x0;
	s3 =	sshll.u32 @!p1 s2, $0x7;
	s0 =	sadd.s32 @!p1 s4, s0  }
0x35: {  	[tilespmem:s3], [sflag:$0x4] =	stream.linear.gather @!p1 [hbm4b:s0+s29], $0x80, $0x38;
	[tilespmem:$0x18A40] =	vst v63  }
0x36: {  	s0 =	simm.s32 @!p1 $0x4  }
0x37: {  	_ =	swait.ge @!p1 [sflag:s0], $0x80  }
0x38: {  	[sflag:s0] =	ssyncset.done @!p1 $0x0  }
0x39: {  	[sflag:s0] =	ssyncadd.s32 @!p1 $0xFFFFFF80  }
0x3a: {  	v11 =	vld @!p1 [tilespmem:s3+$0x40];
	_ =	sdelay $0x3  }
0x3b: {  	s0 =	sshll.u32 @!p1 s2, $0x6  }
0x3c: {  	[tilespmem:s0+$0x100] =	vst @!p1 v11  }
0x3d: {  	v11 =	vld @!p1 [tilespmem:s3+$0x50];
	_ =	sdelay $0x4  }
0x3e: {  	[tilespmem:s0+$0x110] =	vst @!p1 v11  }
0x3f: {  	v11 =	vld @!p1 [tilespmem:s3+$0x60];
	_ =	sdelay $0x4  }
0x40: {  	[tilespmem:s0+$0x120] =	vst @!p1 v11  }
0x41: {  	v11 =	vld @!p1 [tilespmem:s3+$0x70];
	_ =	sdelay $0x3  }
0x42: {  	s29 =	sshll.u32 @!p1 s2, $0xC  }
0x43: {  	s2 =	sor.u32 @!p1 $0x2, s2;
	[tilespmem:s0+$0x130] =	vst @!p1 v11;
	s0 =	sor.u32 @!p1 $0xA40, s29;
	s29 =	simm.s32 @!p1 $0x40  }
0x44: {  	[tilespmem:s0], [sflag:s2] =	stream.indirect.gather @!p1 [hbm4b:s5+s29], $0x40, s3, s29, $0xb8;
	[tilespmem:$0x18A40] =	vst v63  }
0x45: {  	_ =	swait.ge [sflag:s19], $0x800  }
0x46: {  	[sflag:s19] =	ssyncset.done $0x0  }
0x47: {  	[sflag:s19] =	ssyncadd.s32 $0xFFFFF800  }
0x48: {  	v11 =	vld.idx.msk [tilespmem:v0+s21+$0x0], $0xffff  }
0x49: {  	v12 =	vld.idx.msk [tilespmem:v3+s21+$0x0], $0xffff;
	_ =	sdelay $0x4  }
0x4a: {  	v11 =	vadd.f32 v12, v11;
	_ =	sdelay $0x1  }
0x4b: {  	v12 =	vmul.f32 $2.000000030e-01, v11  }
0x4c: {  	vm1 =	vge.f32 v11, $0.0e+00  }
0x4d: {  	v11 =	vsel vm1, v11, v12  }
0x4e: {  	v11 =	vsub.f32 v11, v10;
	_ =	sdelay $0x1  }
0x4f: {  	v11 =	vmul.f32 $1.442695020e+00, v11;
	_ =	sdelay $0x1  }
0x50: {  	(erf) = vpow2.f32 v11;
	_ =	sdelay $0x8  }
0x51: {  	v11 =	vpop (erf)  }
0x52: {  	[tilespmem:$0x980] =	vst v11  }
0x53: {  	v11 =	vld.idx.msk [tilespmem:v4+s21+$0x0], $0xffff  }
0x54: {  	v12 =	vld.idx.msk [tilespmem:v5+s21+$0x0], $0xffff;
	_ =	sdelay $0x4  }
0x55: {  	v11 =	vadd.f32 v12, v11;
	_ =	sdelay $0x1  }
0x56: {  	v12 =	vmul.f32 $2.000000030e-01, v11  }
0x57: {  	vm1 =	vge.f32 v11, $0.0e+00  }
0x58: {  	v11 =	vsel vm1, v11, v12  }
0x59: {  	v11 =	vsub.f32 v11, v10;
	_ =	sdelay $0x1  }
0x5a: {  	v11 =	vmul.f32 $1.442695020e+00, v11;
	_ =	sdelay $0x1  }
0x5b: {  	(erf) = vpow2.f32 v11;
	_ =	sdelay $0x8  }
0x5c: {  	v11 =	vpop (erf)  }
0x5d: {  	[tilespmem:$0x990] =	vst v11  }
0x5e: {  	v11 =	vld.idx.msk [tilespmem:v6+s21+$0x0], $0xffff  }
0x5f: {  	v12 =	vld.idx.msk [tilespmem:v7+s21+$0x0], $0xffff;
	_ =	sdelay $0x4  }
0x60: {  	v11 =	vadd.f32 v12, v11;
	_ =	sdelay $0x1  }
0x61: {  	v12 =	vmul.f32 $2.000000030e-01, v11  }
0x62: {  	vm1 =	vge.f32 v11, $0.0e+00  }
0x63: {  	v11 =	vsel vm1, v11, v12  }
0x64: {  	v11 =	vsub.f32 v11, v10;
	_ =	sdelay $0x1  }
0x65: {  	v11 =	vmul.f32 $1.442695020e+00, v11;
	_ =	sdelay $0x1  }
0x66: {  	(erf) = vpow2.f32 v11;
	_ =	sdelay $0x8  }
0x67: {  	v11 =	vpop (erf)  }
0x68: {  	[tilespmem:$0x9A0] =	vst v11  }
0x69: {  	v11 =	vld.idx.msk [tilespmem:v8+s21+$0x0], $0xffff  }
0x6a: {  	v12 =	vld.idx.msk [tilespmem:v9+s21+$0x0], $0xffff;
	_ =	sdelay $0x4  }
0x6b: {  	v11 =	vadd.f32 v12, v11;
	_ =	sdelay $0x1  }
0x6c: {  	v12 =	vmul.f32 $2.000000030e-01, v11  }
0x6d: {  	vm1 =	vge.f32 v11, $0.0e+00  }
0x6e: {  	v11 =	vsel vm1, v11, v12  }
0x6f: {  	v11 =	vsub.f32 v11, v10;
	_ =	sdelay $0x1  }
0x70: {  	v11 =	vmul.f32 $1.442695020e+00, v11;
	_ =	sdelay $0x1  }
0x71: {  	(erf) = vpow2.f32 v11;
	_ =	sdelay $0x5  }
0x72: {  	s2 =	simm.s32 $0x1;
	v11 =	vmov s25  }
0x73: {  	v12 =	vmov s2;
	v11 =	vand.u32 $0xFFFFFFFC, v11  }
0x74: {  	v12 =	vand.u32 $0xFFFFFFFD, v12;
	v11 =	vbroadcast v11, $0x0  }
0x75: {  	s3 =	simm.s32 $0x2;
	v12 =	vbroadcast v12, $0x0;
	v14 =	vpop (erf)  }
0x76: {  	s18 =	sor.u32 $0x2, s28;
	v13 =	vmov s3;
	[tilespmem:$0x9B0] =	vst v14  }
0x77: {  	v13 =	vand.u32 $0xFFFFFFFE, v13;
	_ =	swait.ge [sflag:s18], $0x1000  }
0x78: {  	s2 =	simm.s32 $0x1;
	v14 =	vbroadcast v13, $0x0;
	[sflag:s18] =	ssyncset.done $0x0  }
0x79: {  	s2 =	simm.s32 @!p0 $0x0;
	[sflag:s18] =	ssyncadd.s32 $0xFFFFF000  }
0x7a: {  	s2 =	sshll.u32 s2, $0xC;
	v13 =	vld.idx.msk [tilespmem:v11+s22+$0x0], $0xffff  }
0x7b: {  	s3 =	simm.s32 $0x3;
	s0 =	sor.u32 $0xAC0, s2;
	v17 =	vld.idx.msk [tilespmem:v12+s22+$0x0], $0xffff  }
0x7c: {  	v11 =	vmov s3;
	v12 =	vld [tilespmem:s0+$0x0]  }
0x7d: {  	v16 =	vld [tilespmem:s0+$0xFFFFFFC0]  }
0x7e: {  	v27 =	vld.idx.msk [tilespmem:v14+s22+$0x0], $0xffff  }
0x7f: {  	v15 =	vld [tilespmem:s0+$0xFFFFFF80];
	_ =	sdelay $0x1  }
0x80: {  	v14 =	vld.idx.msk [tilespmem:v11+s22+$0x0], $0xffff  }
0x81: {  	v11 =	vld [tilespmem:s0+$0x40];
	v16 =	vmul.f32 v16, v17  }
0x82: {  	s31 =	simm.s32 $0x2B40;
	s18 =	simm.s32 $0x4;
	v12 =	vmul.f32 v12, v27  }
0x83: {  	v18 =	vmov s18;
	s3 =	simm.s32 $0x5;
	v15 =	vmul.f32 v15, v13;
	[tilespmem:s31+$0xFFFFFF80] =	vst v16  }
0x84: {  	s18 =	simm.s32 $0x7;
	v18 =	vand.u32 $0xFFFFFFFC, v18;
	v19 =	vmov s3;
	v16 =	vld [tilespmem:s0+$0xFFFFFFD0];
	[tilespmem:s31+$0x0] =	vst v12  }
0x85: {  	v18 =	vbroadcast v18, $0x0;
	v19 =	vand.u32 $0xFFFFFFFD, v19;
	[tilespmem:s31+$0xFFFFFF00] =	vst v15;
	v12 =	vmov s18;
	v15 =	vld [tilespmem:s0+$0x10]  }
0x86: {  	v19 =	vbroadcast v19, $0x0;
	v20 =	vld [tilespmem:s0+$0xFFFFFF90];
	v11 =	vmul.f32 v11, v14  }
0x87: {  	s29 =	sadd.s32 $0x100, s0;
	s18 =	simm.s32 $0x6  }
0x88: {  	v26 =	vld [tilespmem:s29+$0x40];
	[tilespmem:s31+$0x80] =	vst v11;
	v11 =	vmov s18  }
0x89: {  	v21 =	vld [tilespmem:s0+$0x50];
	v22 =	vand.u32 $0xFFFFFFFE, v11;
	v16 =	vmul.f32 v16, v17  }
0x8a: {  	v11 =	vld.idx.msk [tilespmem:v12+s22+$0x0], $0xffff;
	v22 =	vbroadcast v22, $0x0;
	v23 =	vmul.f32 v15, v27  }
0x8b: {  	v12 =	vld.idx.msk [tilespmem:v18+s22+$0x0], $0xffff;
	v18 =	vmul.f32 v20, v13;
	[tilespmem:s31+$0xFFFFFF90] =	vst v16  }
0x8c: {  	v15 =	vld.idx.msk [tilespmem:v19+s22+$0x0], $0xffff;
	[tilespmem:s31+$0x10] =	vst v23  }
0x8d: {  	[tilespmem:s31+$0xFFFFFF10] =	vst v18;
	v18 =	vld [tilespmem:s0+$0x20]  }
0x8e: {  	v20 =	vld [tilespmem:s0+$0xFFFFFFE0]  }
0x8f: {  	v19 =	vld [tilespmem:s0+$0xFFFFFFA0]  }
0x90: {  	v16 =	vld.idx.msk [tilespmem:v22+s22+$0x0], $0xffff  }
0x91: {  	v21 =	vmul.f32 v21, v14;
	v22 =	vld [tilespmem:s29+$0x0]  }
0x92: {  	v23 =	vld [tilespmem:s29+$0xFFFFFF80];
	v18 =	vmul.f32 v18, v27  }
0x93: {  	v24 =	vld [tilespmem:s29+$0xFFFFFFC0];
	[tilespmem:s31+$0x90] =	vst v21;
	v20 =	vmul.f32 v20, v17  }
0x94: {  	[tilespmem:s31+$0x20] =	vst v18;
	v18 =	vmul.f32 v19, v13  }
0x95: {  	s18 =	simm.s32 $0x9;
	[tilespmem:s31+$0xFFFFFFA0] =	vst v20;
	v28 =	vld [tilespmem:s0+$0x30]  }
0x96: {  	s3 =	simm.s32 $0x8;
	v25 =	vmov s18;
	v21 =	vnsel vm0, $0x0, v17;
	v29 =	vld [tilespmem:s0+$0x60];
	[tilespmem:s31+$0xFFFFFF20] =	vst v18;
	v18 =	vmul.f32 v22, v16  }
0x97: {  	s30 =	simm.s32 $0x2D40;
	s18 =	simm.s32 $0xB;
	v31 =	vmul.f32 v26, v11;
	v23 =	vmul.f32 v23, v12;
	v20 =	vld [tilespmem:s0+$0xFFFFFFF0];
	[tilespmem:s31+$0xFFFFFFC0] =	vst v21;
	v21 =	vmov s3  }
0x98: {  	v26 =	vmov s18;
	v30 =	vmul.f32 v24, v15;
	v21 =	vand.u32 $0xFFFFFFFC, v21;
	v22 =	vld [tilespmem:s0+$0xFFFFFFB0];
	[tilespmem:s30+$0x0] =	vst v18  }
0x99: {  	v24 =	vand.u32 $0xFFFFFFFD, v25;
	[tilespmem:s30+$0xFFFFFF00] =	vst v23;
	v21 =	vbroadcast v21, $0x0;
	v25 =	vld [tilespmem:s29+$0x10]  }
0x9a: {  	[tilespmem:s30+$0xFFFFFF80] =	vst v30;
	v23 =	vbroadcast v24, $0x0;
	v24 =	vld [tilespmem:s29+$0xFFFFFF90];
	v28 =	vmul.f32 v28, v27  }
0x9b: {  	s2 =	simm.s32 $0xC;
	[tilespmem:s30+$0x80] =	vst v31;
	s3 =	simm.s32 $0xA;
	v19 =	vnsel vm0, $0x0, v27;
	v29 =	vmul.f32 v29, v14;
	v18 =	vnsel vm0, $0x0, v16;
	v27 =	vld [tilespmem:s29+$0xFFFFFFD0]  }
.LBB2_5:
0x9c: {  	p1 =	slt.u32 s2, $0x3C;
	v30 =	vmov s3;
	v31 =	vld [tilespmem:s29+$0x50];
	v20 =	vmul.f32 v20, v17;
	[tilespmem:s31+$0x30] =	vst v28;
	v17 =	vmov v15  }
0x9d: {  	v15 =	vand.u32 $0xFFFFFFFE, v30;
	v26 =	vld.idx.msk [tilespmem:v26+s22+$0x0], $0xffff;
	v22 =	vmul.f32 v22, v13;
	[tilespmem:s31+$0xA0] =	vst v29  }
0x9e: {  	v28 =	vbroadcast v15, $0x0;
	v25 =	vmul.f32 v25, v16;
	[tilespmem:s31+$0xFFFFFFB0] =	vst v20;
	v20 =	vld [tilespmem:s0+$0x70];
	s0 =	smov.u32 s29  }
0x9f: {  	v21 =	vld.idx.msk [tilespmem:v21+s22+$0x0], $0xffff;
	v24 =	vmul.f32 v24, v12;
	[tilespmem:s31+$0xFFFFFF30] =	vst v22  }
0xa0: {  	v15 =	vld.idx.msk [tilespmem:v23+s22+$0x0], $0xffff;
	v22 =	vmul.f32 v27, v17;
	[tilespmem:s30+$0x10] =	vst v25  }
0xa1: {  	[tilespmem:s30+$0xFFFFFF10] =	vst v24;
	v23 =	vld [tilespmem:s29+$0x20];
	v24 =	vmul.f32 v31, v11  }
0xa2: {  	v25 =	vld [tilespmem:s29+$0xFFFFFFA0];
	[tilespmem:s30+$0xFFFFFF90] =	vst v22  }
0xa3: {  	v22 =	vld [tilespmem:s29+$0xFFFFFFE0];
	[tilespmem:s30+$0x90] =	vst v24;
	v20 =	vmul.f32 v20, v14  }
0xa4: {  	s29 =	sadd.s32 $0x100, s29;
	v27 =	vld.idx.msk [tilespmem:v28+s22+$0x0], $0xffff;
	[tilespmem:s31+$0x40] =	vst v19;
	v19 =	vmov v18  }
0xa5: {  	v24 =	vnsel vm0, $0x0, v13;
	v13 =	vmov v12;
	v12 =	vmov v21;
	v18 =	vld [tilespmem:s29+$0x0];
	[tilespmem:s31+$0xB0] =	vst v20  }
0xa6: {  	v20 =	vld [tilespmem:s29+$0xFFFFFF80];
	v21 =	vmul.f32 v23, v16;
	[tilespmem:s31+$0xFFFFFF40] =	vst v24;
	v23 =	vnsel vm0, $0x0, v14;
	v14 =	vmovc v11;
	v11 =	vmov v26  }
0xa7: {  	v24 =	vld [tilespmem:s29+$0xFFFFFFC0];
	v25 =	vmul.f32 v25, v13;
	[tilespmem:s31+$0xC0] =	vst v23;
	s31 =	smov.u32 s30  }
0xa8: {  	v23 =	vld [tilespmem:s29+$0x40];
	v22 =	vmul.f32 v22, v17;
	[tilespmem:s30+$0x20] =	vst v21  }
0xa9: {  	[tilespmem:s30+$0xFFFFFF20] =	vst v25;
	v28 =	vld [tilespmem:s0+$0x30]  }
0xaa: {  	s3 =	sadd.s32 $0x3, s2;
	v21 =	vmul.f32 v18, v27;
	v18 =	vnsel vm0, $0x0, v27;
	[tilespmem:s30+$0xFFFFFFA0] =	vst v22;
	v22 =	vnsel vm0, $0x0, v17;
	v29 =	vld [tilespmem:s0+$0x60]  }
.Ltmp1:
0xab: {  	s18 =	sadd.s32 $0x1, s2;
	v26 =	vmov s3;
	v25 =	vmov s2;
	s30 =	sadd.s32 $0x200, s30;
	v30 =	vmul.f32 v20, v12;
	v20 =	vld [tilespmem:s0+$0xFFFFFFF0];
	[tilespmem:s31+$0xFFFFFFC0] =	vst v22;
	(pc) =	sbr.rel @p1 .LBB2_5-.Ltmp1, $4  }
0xac: {  	v31 =	vmov s18;
	v25 =	vand.u32 $0xFFFFFFFC, v25;
	v32 =	vmul.f32 v24, v15;
	[tilespmem:s30+$0x0] =	vst v21;
	v22 =	vld [tilespmem:s0+$0xFFFFFFB0]  }
0xad: {  	v21 =	vbroadcast v25, $0x0;
	v24 =	vand.u32 $0xFFFFFFFD, v31;
	[tilespmem:s30+$0xFFFFFF00] =	vst v30;
	v25 =	vld [tilespmem:s29+$0x10];
	v30 =	vmul.f32 v23, v11  }
0xae: {  	v23 =	vbroadcast v24, $0x0;
	v24 =	vld [tilespmem:s29+$0xFFFFFF90];
	[tilespmem:s30+$0xFFFFFF80] =	vst v32;
	v28 =	vmul.f32 v28, v16;
	v16 =	vmov v27  }
0xaf: {  	s3 =	sadd.s32 $0x2, s2;
	s2 =	sadd.s32 $0x4, s2;
	v27 =	vld [tilespmem:s29+$0xFFFFFFD0];
	[tilespmem:s30+$0x80] =	vst v30;
	v29 =	vmul.f32 v29, v14  }
0xb0: {  	_ =	sdelay $0x2  }
0xb1: {  	v31 =	vld [tilespmem:s29+$0x50];
	[tilespmem:s31+$0x30] =	vst v28  }
0xb2: {  	v17 =	vmul.f32 v20, v17;
	v20 =	vld.idx.msk [tilespmem:v26+s22+$0x0], $0xffff;
	[tilespmem:s31+$0x40] =	vst v19  }
0xb3: {  	v23 =	vld.idx.msk [tilespmem:v23+s22+$0x0], $0xffff;
	s18 =	sadd.s32 $0x100, s29;
	v61 =	vnsel vm0, $0x0, v13;
	[tilespmem:s31+$0xA0] =	vst v29  }
0xb4: {  	v30 =	vmov s3;
	v22 =	vmul.f32 v22, v13;
	v58 =	vld [tilespmem:s18+$0xFFFFFFC0];
	[tilespmem:s31+$0xFFFFFF40] =	vst v61  }
0xb5: {  	v30 =	vand.u32 $0xFFFFFFFE, v30;
	v59 =	vld [tilespmem:s18+$0xFFFFFF80];
	v25 =	vmul.f32 v25, v16;
	[tilespmem:s31+$0xFFFFFFB0] =	vst v17  }
0xb6: {  	v63 =	vld [tilespmem:s18+$0x40];
	v30 =	vbroadcast v30, $0x0;
	v52 =	vmul.f32 v24, v12;
	[tilespmem:s31+$0xFFFFFF30] =	vst v22  }
0xb7: {  	v51 =	vld [tilespmem:s0+$0x70];
	[tilespmem:s30+$0x10] =	vst v25;
	v53 =	vmul.f32 v27, v15  }
0xb8: {  	v17 =	vld.idx.msk [tilespmem:v21+s22+$0x0], $0xffff;
	[tilespmem:s30+$0xFFFFFF10] =	vst v52  }
0xb9: {  	v54 =	vld [tilespmem:s29+$0x20];
	v55 =	vmul.f32 v31, v11;
	v31 =	vnsel vm0, $0x0, v14;
	[tilespmem:s30+$0xFFFFFF90] =	vst v53  }
0xba: {  	v56 =	vld [tilespmem:s18+$0x0];
	[tilespmem:s31+$0xC0] =	vst v31;
	v34 =	vmul.f32 v58, v23  }
0xbb: {  	s2 =	sadd.s32 $0x200, s30;
	v13 =	vmul.f32 v63, v20;
	[tilespmem:s30+$0x90] =	vst v55;
	v60 =	vld [tilespmem:s29+$0xFFFFFFE0]  }
0xbc: {  	v57 =	vmul.f32 v51, v14;
	v25 =	vld.idx.msk [tilespmem:v30+s22+$0x0], $0xffff;
	[tilespmem:s2+$0xFFFFFF80] =	vst v34  }
0xbd: {  	v19 =	vmul.f32 v59, v17;
	v30 =	vld [tilespmem:s29+$0xFFFFFFA0];
	[tilespmem:s2+$0x80] =	vst v13  }
0xbe: {  	v35 =	vld [tilespmem:s29+$0x60];
	[tilespmem:s31+$0xB0] =	vst v57;
	v62 =	vmul.f32 v54, v16  }
0xbf: {  	[tilespmem:s2+$0xFFFFFF00] =	vst v19;
	v38 =	vld [tilespmem:s18+$0xFFFFFFD0]  }
0xc0: {  	v40 =	vld [tilespmem:s18+$0xFFFFFF90];
	[tilespmem:s30+$0x20] =	vst v62;
	v36 =	vmul.f32 v60, v15  }
0xc1: {  	v32 =	vmul.f32 v56, v25;
	v33 =	vld [tilespmem:s29+$0x30];
	[tilespmem:s30+$0x40] =	vst v18  }
0xc2: {  	v43 =	vld [tilespmem:s18+$0x50];
	v39 =	vmul.f32 v30, v12;
	[tilespmem:s30+$0xFFFFFFA0] =	vst v36  }
0xc3: {  	[tilespmem:s2+$0x0] =	vst v32  }
0xc4: {  	v42 =	vnsel vm0, $0x0, v15;
	v45 =	vmul.f32 v38, v23;
	v41 =	vld [tilespmem:s29+$0xFFFFFFF0];
	[tilespmem:s30+$0xFFFFFF20] =	vst v39  }
0xc5: {  	[tilespmem:s30+$0xFFFFFFC0] =	vst v42;
	v46 =	vmul.f32 v40, v17;
	v37 =	vld [tilespmem:s18+$0x10]  }
0xc6: {  	v47 =	vmul.f32 v35, v11;
	[tilespmem:s2+$0xFFFFFF90] =	vst v45  }
0xc7: {  	v49 =	vmul.f32 v43, v20;
	[tilespmem:s2+$0xFFFFFF10] =	vst v46;
	v50 =	vld [tilespmem:s18+$0xFFFFFFE0]  }
0xc8: {  	[tilespmem:s30+$0xA0] =	vst v47;
	v52 =	vld [tilespmem:s18+$0xFFFFFFA0]  }
0xc9: {  	v60 =	vnsel vm0, $0x0, v12;
	v22 =	vld [tilespmem:s29+$0xFFFFFFB0];
	[tilespmem:s2+$0x90] =	vst v49;
	v14 =	vmul.f32 v33, v16  }
0xca: {  	v54 =	vld [tilespmem:s29+$0x70];
	[tilespmem:s30+$0xFFFFFF40] =	vst v60;
	v44 =	vmul.f32 v37, v25  }
0xcb: {  	[tilespmem:s30+$0x30] =	vst v14;
	v51 =	vmul.f32 v41, v15;
	v14 =	vld [tilespmem:s18+$0x60]  }
0xcc: {  	v16 =	vmul.f32 v50, v23;
	[tilespmem:s2+$0x10] =	vst v44  }
0xcd: {  	[tilespmem:s30+$0xFFFFFFB0] =	vst v51;
	v13 =	vmul.f32 v52, v17;
	v48 =	vld [tilespmem:s18+$0x20]  }
0xce: {  	[tilespmem:s2+$0xFFFFFFA0] =	vst v16  }
0xcf: {  	v53 =	vmul.f32 v22, v12;
	v56 =	vmul.f32 v54, v11;
	v11 =	vnsel vm0, $0x0, v11;
	[tilespmem:s2+$0xFFFFFF20] =	vst v13;
	v58 =	vld [tilespmem:s18+$0xFFFFFFF0]  }
0xd0: {  	[tilespmem:s30+$0xC0] =	vst v11;
	v14 =	vmul.f32 v14, v20;
	v59 =	vld [tilespmem:s18+$0xFFFFFFB0]  }
0xd1: {  	[tilespmem:s30+$0xFFFFFF30] =	vst v53  }
0xd2: {  	v11 =	vnsel vm0, $0x0, v23;
	[tilespmem:s2+$0xA0] =	vst v14;
	v55 =	vmul.f32 v48, v25  }
0xd3: {  	[tilespmem:s2+$0xFFFFFFC0] =	vst v11;
	v61 =	vld [tilespmem:s18+$0x70]  }
0xd4: {  	v11 =	vmul.f32 v58, v23;
	[tilespmem:s2+$0x20] =	vst v55  }
0xd5: {  	[tilespmem:s30+$0xB0] =	vst v56;
	v63 =	vmul.f32 v59, v17;
	v57 =	vld [tilespmem:s18+$0x30]  }
0xd6: {  	[tilespmem:s2+$0xFFFFFFB0] =	vst v11  }
0xd7: {  	v11 =	vnsel vm0, $0x0, v25;
	[tilespmem:s2+$0xFFFFFF30] =	vst v63  }
0xd8: {  	v12 =	vmul.f32 v61, v20;
	[tilespmem:s2+$0x40] =	vst v11;
	v11 =	vnsel vm0, $0x0, v17  }
0xd9: {  	[tilespmem:s2+$0xFFFFFF40] =	vst v11  }
0xda: {  	v11 =	vnsel vm0, $0x0, v20;
	[tilespmem:s2+$0xB0] =	vst v12;
	v62 =	vmul.f32 v57, v25  }
0xdb: {  	p1 =	sne.s32 s26, $0x9E;
	s31 =	sshll.u32 s28, $0x6;
	[tilespmem:s2+$0xC0] =	vst v11  }
.Ltmp2:
0xdc: {  	s0 =	sor.u32 $0x100, s31;
	[tilespmem:s2+$0x30] =	vst v62;
	(pc) =	sbr.rel @p1 .LBB2_4-.Ltmp2, $4  }
0xdd: {  	[spmem:s1] =	stream.indirect.scatter.add.f32 [tilespmem:s23], [sflag:$0x4], $0x80, s0, s17, $0xb8;
	[tilespmem:$0x18A40] =	vst v63  }
0xde: {  	_ =	swait.ge [sflag:s14], $0x2000  }
0xdf: {  	[sflag:s14] =	ssyncset.done $0x0  }
0xe0: {  	p0 =	por !p0, !p0;
	[sflag:s14] =	ssyncadd.s32 $0xFFFFE000  }
0xe1: {  	s24 =	sadd.s32 $0x1, s24  }
0xe2: {  	p0 =	sne.s32 s24, s12  }
.Ltmp3:
0xe3: {  	[bflag:$0x0] =	sbarrier.arrive $0xFFFF;
	(pc) =	sbr.rel @p0 .LBB2_1-.Ltmp3, $4  }
0xe4: {  	[hbm:s11], [sflag:s15] =	dma.local [spmem:s16], $0x2800  }
0xe5: {  	_ =	swait.ge [sflag:s14], $0x2800  }
0xe6: {  	[sflag:s14] =	ssyncset.done $0x0  }
0xe7: {  	[sflag:s14] =	ssyncadd.s32 $0xFFFFD800  }
0xe8: {  	_ =	sfence.sel $0x180000  }
0xe9: {  	[bflag:$0x0] =	sbarrier.arrive $0xFFFF  }
0xea: {  	_ =	strace $0x9000004A  }
0xeb: {  	s0 =	stileid.u32;
	[bflag:$0x2] =	sbarrier.arrive $0xFFFF  }
0xec: {  	p0 =	sne.s32 s0, $0x0;
	s0 =	rddreg [dreg:$0x2]  }
0xed: {  	s0 =	sadd.s32 @!p0 $0x100000, s0  }
0xee: {  	[sflag:s0] =	ssyncadd.tile.s32 @!p0 $0x1;
	_ =	shalt  }
.Lfunc_end2:
_tile_overlayer_lowered:
.L_overlay_start_2:
0xef: {  	(tag) =	ssettag $0x2  }
0xf0: {  	s0 =	rddreg [dreg:$0x0];
	s2 =	stileid.u32  }
0xf1: {  	s1 =	rddreg [dreg:$0x1];
	p0 =	sne.s32 s2, $0x0  }
0xf2: {  	s3 =	rddreg [dreg:$0x2];
	[bflag:$0x3] =	sbarrier.arrive $0xFFFF;
	s2 =	simm.s32 @!p0 $0x1C04  }
0xf3: {  	[timem:s3], [sflag:s2] =	dma.local @!p0 [hbm:s0], s1  }
0xf4: {  	s0 =	simm.s32 @!p0 $0x4  }
0xf5: {  	_ =	swait.ge @!p0 [sflag:s0], s1  }
0xf6: {  	s1 =	ssub.s32 @!p0 $0x0, s1;
	[sflag:s0] =	ssyncset.done @!p0 $0x0  }
0xf7: {  	[sflag:s0] =	ssyncadd.s32 @!p0 s1  }
0xf8: {  	[bflag:$0x3] =	sbarrier.arrive $0xFFFF  }
0xf9: {  	_ =	shalt  }

// kernel: kernel.9.cloned.1.call-start
scs
__scs_entry_jumppad:
0x0: {  	(pc) =	sbr.rel $0x88, $3  }
0x1: {  	(tag) =	ssettag $0x0;
	lr =	simm.s32 $0x1  }
0x2: {  	[smem:$0x3F8D] =	sst lr;
	_ =	strace $0xD0000000  }
0x3: {  	_ = 	snop  }
0x4: {  	_ = 	snop  }
0x5: {  	_ = 	snop  }
0x6: {  	_ = 	snop  }
0x7: {  	_ = 	snop  }
__scs_overlays_trampoline_lowered:
0x8: {  	[smem:$0x3F9C] =	sst s0  }
0x9: {  	[smem:$0x3F9D] =	sst s1  }
0xa: {  	[smem:$0x3F9E] =	sst s2  }
0xb: {  	[smem:$0x3F9F] =	sst s3  }
0xc: {  	[smem:$0x3FA0] =	sst s4  }
0xd: {  	[smem:$0x3FA1] =	sst s5  }
0xe: {  	[smem:$0x3FA2] =	sst s6  }
0xf: {  	[smem:$0x3FA3] =	sst s7  }
0x10: {  	[smem:$0x3FA4] =	sst s8  }
0x11: {  	[smem:$0x3FA5] =	sst s9;
	s0 =	simm.s32 @!p0 $0x0  }
0x12: {  	s1 =	sld [smem:$0x3F8B];
	s0 =	simm.s32 @p0 $0x1  }
0x13: {  	[smem:$0x3FA6] =	sst s0;
	s0 =	simm.s32 @!p1 $0x0  }
0x14: {  	s2 =	sld [smem:$0x3F8A];
	s0 =	simm.s32 @p1 $0x1  }
0x15: {  	[smem:$0x3FA7] =	sst s0;
	s0 =	simm.s32 @!p2 $0x0  }
0x16: {  	s3 =	sld [smem:$0x3FDB];
	s0 =	simm.s32 @p2 $0x1  }
0x17: {  	s4 =	simm.s32 $0x1BF5;
	[smem:$0x3FA9] =	sst s0  }
0x18: {  	s0 =	sld [smem:$0x3F8C];
	_ =	swait.ge [sflag:s4], $0x0  }
0x19: {  	s7 =	sld [smem:$0x3F8D]  }
0x1a: {  	s8 =	sadd.s32 $0xFFFFE003, lr  }
0x1b: {  	s9 =	sadd.s32 $0xFFFFFEF7, lr;
	s5 =	simm.s32 $0xFFFFFFFF;
	p2 =	slt.u32 s8, $0xFFFFF086  }
0x1c: {  	p1 =	slt.u32 s9, $0xF7A;
	s5 =	simm.s32 @!p2 $0x0  }
0x1d: {  	s5 =	simm.s32 @p1 $0x1;
	p0 =	seq.s32 s7, s2  }
0x1e: {  	s7 =	smul.u32 @!p0 $0xF7A, s2;
	p2 =	seq.s32 @!p0 s5, $0x0  }
0x1f: {  	s9 =	smul.u32 $0xF7A, s1;
	s8 =	simm.s32 @!p0 $0x1BF5;
	p2 =	por !p2, p0  }
0x20: {  	[sflag:s8] =	ssyncset.s32 @!p0 $0xFFFFF086;
	s6 =	sadd.s32 @!p0 s3, s7;
	s7 =	simm.s32 @!p0 $0x108  }
0x21: {  	s3 =	sadd.s32 s3, s9;
	s6 =	sadd.s32 @!p0 $0x88, s6;
	s7 =	simm.s32 @p2 $0x1082  }
0x22: {  	[simem:s7], [sflag:s8] =	dma.local @!p0 [hbm:s6], $0xF7A  }
0x23: {  	s9 =	sor.u32 $0xD0000000, s2;
	s6 =	simm.s32 $0x108;
	_ =	swait.ge @!p0 [sflag:s8], $0x0  }
0x24: {  	s3 =	sadd.s32 $0x88, s3;
	s6 =	simm.s32 @!p1 $0x1082;
	[sflag:s4] =	ssyncset.s32 $0xFFFFF086  }
0x25: {  	[simem:s6], [sflag:s4] =	dma.local [hbm:s3], $0xF7A  }
0x26: {  	[smem:$0x3F8D] =	sst s1;
	(tag) =	ssettag s2;
	_ =	strace s9  }
0x27: {  	s1 =	sld [smem:$0x3F9D]  }
0x28: {  	s2 =	sld [smem:$0x3F9E]  }
0x29: {  	s4 =	sld [smem:$0x3FA0]  }
0x2a: {  	p0 =	seq.s32 s5, $0x0;
	s5 =	sld [smem:$0x3FA1]  }
0x2b: {  	s6 =	sld [smem:$0x3FA2]  }
0x2c: {  	s7 =	sld [smem:$0x3FA3]  }
0x2d: {  	s3 =	simm.s32 $0x108;
	s8 =	sld [smem:$0x3FA4]  }
0x2e: {  	s3 =	simm.s32 @!p0 $0x1082;
	s9 =	sld [smem:$0x3FA5]  }
0x2f: {  	lr =	sadd.s32 s0, s3;
	s0 =	sld [smem:$0x3F9C]  }
0x30: {  	s3 =	sld [smem:$0x3F9F]  }
0x31: {  	[smem:$0x3FA8] =	sst s10  }
0x32: {  	s10 =	sld [smem:$0x3FA6];
	_ =	sdelay $0x3  }
0x33: {  	p0 =	seq.s32 s10, $0x1;
	s10 =	sld [smem:$0x3FA8];
	_ =	sdelay $0x3  }
0x34: {  	[smem:$0x3FA8] =	sst s10  }
0x35: {  	s10 =	sld [smem:$0x3FA7];
	_ =	sdelay $0x3  }
0x36: {  	p1 =	seq.s32 s10, $0x1;
	s10 =	sld [smem:$0x3FA8];
	_ =	sdelay $0x3  }
0x37: {  	[smem:$0x3FA8] =	sst s10  }
0x38: {  	s10 =	sld [smem:$0x3FA9]  }
0x39: {  	_ = 	snop;
	(pc) =	sbr.ind lr, $3  }
0x3a: {  	_ = 	snop  }
0x3b: {  	_ = 	snop  }
0x3c: {  	p2 =	seq.s32 s10, $0x1;
	s10 =	sld [smem:$0x3FA8]  }
0x3d: {  	_ =	shalt  }
0x3e: {  	_ =	shalt  }
0x3f: {  	_ =	shalt  }
0x40: {  	_ =	shalt  }
0x41: {  	_ =	shalt  }
0x42: {  	_ =	shalt  }
0x43: {  	_ =	shalt  }
0x44: {  	_ =	shalt  }
0x45: {  	_ =	shalt  }
0x46: {  	_ =	shalt  }
0x47: {  	_ =	shalt  }
0x48: {  	_ =	shalt  }
0x49: {  	_ =	shalt  }
0x4a: {  	_ =	shalt  }
0x4b: {  	_ =	shalt  }
0x4c: {  	_ =	shalt  }
0x4d: {  	_ =	shalt  }
0x4e: {  	_ =	shalt  }
0x4f: {  	_ =	shalt  }
0x50: {  	_ =	shalt  }
0x51: {  	_ =	shalt  }
0x52: {  	_ =	shalt  }
0x53: {  	_ =	shalt  }
0x54: {  	_ =	shalt  }
0x55: {  	_ =	shalt  }
0x56: {  	_ =	shalt  }
0x57: {  	_ =	shalt  }
0x58: {  	_ =	shalt  }
0x59: {  	_ =	shalt  }
0x5a: {  	_ =	shalt  }
0x5b: {  	_ =	shalt  }
0x5c: {  	_ =	shalt  }
0x5d: {  	_ =	shalt  }
0x5e: {  	_ =	shalt  }
0x5f: {  	_ =	shalt  }
0x60: {  	_ =	shalt  }
0x61: {  	_ =	shalt  }
0x62: {  	_ =	shalt  }
0x63: {  	_ =	shalt  }
0x64: {  	_ =	shalt  }
0x65: {  	_ =	shalt  }
0x66: {  	_ =	shalt  }
0x67: {  	_ =	shalt  }
0x68: {  	_ =	shalt  }
0x69: {  	_ =	shalt  }
0x6a: {  	_ =	shalt  }
0x6b: {  	_ =	shalt  }
0x6c: {  	_ =	shalt  }
0x6d: {  	_ =	shalt  }
0x6e: {  	_ =	shalt  }
0x6f: {  	_ =	shalt  }
0x70: {  	_ =	shalt  }
0x71: {  	_ =	shalt  }
0x72: {  	_ =	shalt  }
0x73: {  	_ =	shalt  }
0x74: {  	_ =	shalt  }
0x75: {  	_ =	shalt  }
0x76: {  	_ =	shalt  }
0x77: {  	_ =	shalt  }
0x78: {  	_ =	shalt  }
0x79: {  	_ =	shalt  }
0x7a: {  	_ =	shalt  }
0x7b: {  	_ =	shalt  }
0x7c: {  	_ =	shalt  }
0x7d: {  	_ =	shalt  }
0x7e: {  	_ =	shalt  }
0x7f: {  	_ =	shalt  }
0x80: {  	_ =	shalt  }
0x81: {  	_ =	shalt  }
0x82: {  	_ =	shalt  }
0x83: {  	_ =	shalt  }
0x84: {  	_ =	shalt  }
0x85: {  	_ =	shalt  }
0x86: {  	_ =	shalt  }
0x87: {  	_ =	shalt  }
.Lfunc_end0:
.L_simem_size_0:
called_computation_lowered:
.L_overlay_start_0:
0x88: {  	s2 =	sld [smem:$0x3FD9]  }
0x89: {  	s3 =	sld [smem:$0x3FFE];
	_ =	sdelay $0x1  }
0x8a: {  	s1 =	srdreg.scid  }
0x8b: {  	s0 =	sand.u32 $0x1, s1  }
0x8c: {  	s17 =	sshll.u32 s0, $0xA;
	s2 =	sadd.s32 s3, s2  }
0x8d: {  	s2 =	sadd.s32 s2, s17  }
0x8e: {  	[smem:$0x3FB4] =	sst s2  }
0x8f: {  	_ = 	snop  }
0x90: {  	s2 =	sld [smem:$0x3FD0];
	(tm) =	ssettm $0x1  }
0x91: {  	s18 =	sld [smem:$0x3FFB];
	_ =	sdelay $0x3  }
0x92: {  	_ =	strace s18  }
0x93: {  	s3 =	sld [smem:$0x3FFC];
	_ =	sdelay $0x3  }
0x94: {  	_ =	strace s3  }
0x95: {  	s3 =	sld [smem:$0x3FFD];
	_ =	sdelay $0x3  }
0x96: {  	_ =	strace s3  }
0x97: {  	_ =	strace $0x8FFFFFFF  }
0x98: {  	s19 =	sld [smem:$0x3FDB];
	_ =	sdelay $0x1  }
0x99: {  	s4 =	simm.s32 $_scs_section_size  }
0x9a: {  	s5 =	simm.s32 $_size__tile_overlayer_lowered;
	s6 =	simm.s32 $_tile_overlayer_lowered  }
0x9b: {  	s22 =	simm.s32 $0x1BFF;
	s21 =	sshll.u32 s6, $0x1;
	s3 =	sadd.s32 s4, s19  }
0x9c: {  	s7 =	simm.s32 $0x0;
	s20 =	sshll.u32 s5, $0x1;
	s5 =	sadd.s32 s21, s3  }
0x9d: {  	[timem:s7], [sflag:s22] =	dma.local [hbm:s5], s20  }
0x9e: {  	_ =	swait.ge [sflag:s22], s20  }
0x9f: {  	s4 =	ssub.s32 $0x0, s20;
	[sflag:s22] =	ssyncset.done $0x0  }
0xa0: {  	[sflag:s22] =	ssyncadd.s32 s4;
	_ =	sdelay $0x1  }
0xa1: {  	s23 =	simm.s32 $0x1B8B  }
0xa2: {  	_ =	swait.ge [sflag:s23], $0x1  }
0xa3: {  	[sflag:s23] =	ssyncset.done $0x0  }
0xa4: {  	s25 =	simm.s32 $0x1B8E;
	s24 =	sld [smem:$0x3FFE];
	[sflag:s23] =	ssyncadd.s32 $0xFFFFFFFF  }
0xa5: {  	s26 =	simm.s32 $execute0_lowered;
	[smem:$0x3FD2] =	sst s25  }
0xa6: {  	s5 =	sshll.u32 s26, $0x1;
	_ =	strace $0x80000046;
	[dreg:$0x1] =	wrdreg $0xFFFFFFFF  }
0xa7: {  	s28 =	simm.s32 $_size_execute0_lowered;
	s3 =	sadd.s32 s3, s5;
	[dreg:$0x0] =	wrdreg $0x0  }
0xa8: {  	s5 =	sshll.u32 s28, $0x1;
	[dreg:$0x2] =	wrdreg s3  }
0xa9: {  	[dreg:$0x3] =	wrdreg s5  }
0xaa: {  	[dreg:$0x4] =	wrdreg $0xC0  }
0xab: {  	_ =	task [dreg:s7], $0x5FFFF  }
0xac: {  	[dreg:$0x1] =	wrdreg $0xFFFFFFFF  }
0xad: {  	[dreg:$0x0] =	wrdreg $0x60  }
0xae: {  	[dreg:$0x2] =	wrdreg s24  }
0xaf: {  	[dreg:$0x3] =	wrdreg s2  }
0xb0: {  	[dreg:$0x4] =	wrdreg $0xBB000  }
0xb1: {  	[dreg:$0x5] =	wrdreg $0x9  }
0xb2: {  	_ =	task.clear_ibuf [dreg:s7], $0x6FFFF;
	_ =	strace $0x90000046  }
0xb3: {  	s29 =	simm.s32 $0x9;
	_ =	strace $0x80000048  }
0xb4: {  	_ =	swait.ge [sflag:s29], $0x1  }
0xb5: {  	[sflag:s29] =	ssyncadd.s32 $0xFFFFFFFF  }
0xb6: {  	_ =	strace $0x90000048  }
0xb7: {  	_ =	sfence  }
0xb8: {  	s30 =	sld [smem:$0x0];
	_ =	sdelay $0x2  }
0xb9: {  	s31 =	sshll.u32 s1, $0xD;
	s1 =	sshrl.u32 s1, $0x2  }
0xba: {  	s3 =	sand.u32 $0x4000, s31;
	s1 =	sadd.s32 s1, s30  }
0xbb: {  	s0 =	sor.u32 s3, s0;
	s1 =	sshll.u32 s1, $0x11  }
0xbc: {  	s0 =	sor.u32 s1, s0  }
0xbd: {  	s0 =	sadd.s32 $0x8F2B, s0  }
0xbe: {  	[sflag:s0] =	ssyncadd.remote.s32 $0x1  }
0xbf: {  	_ =	sfence.sel $0xFFFF  }
0xc0: {  	[dreg:$0x0] =	wrdreg $0xFFFFFFFF;
	(pc) =	sbr.abs _section_cstart, $3  }
0xc1: {  	[dreg:$0x1] =	wrdreg $0xFFFFFFFF  }
0xc2: {  	_ =	task.clear_ibuf [dreg:s7], $0x2FFFF;
	_ =	strace $0x9FFFFFFF  }
0xc3: {  	(tm) =	ssettm $0x7FFFFFFF  }
tec
execute0_lowered:
.L_overlay_start_1:
0x0: {  	(tag) =	ssettag $0x1  }
0x1: {  	s0 =	rddreg [dreg:$0x0]  }
0x2: {  	s3 =	rddreg [dreg:$0x2];
	s1 =	srdreg.scid  }
0x3: {  	s4 =	stileid.u32;
	s15 =	simm.s32 $0x0;
	s16 =	simm.s32 $0x4  }
0x4: {  	s19 =	simm.s32 $0x40;
	s28 =	simm.s32 $0x180;
	s29 =	simm.s32 $0xB00  }
0x5: {  	s30 =	simm.s32 $0x3300;
	s31 =	simm.s32 $0x9B00;
	s2 =	smul.u32 $0x14000, s4  }
0x6: {  	s1 =	sand.u32 $0x1, s1;
	[smem:$0x7FF] =	sst s15;
	s10 =	smul.u32 $0x2800, s4  }
0x7: {  	s5 =	sadd.s32 $0x55C00, s0;
	s6 =	sadd.s32 $0xC00, s0;
	s13 =	smul.u32 $0x13C0, s4  }
0x8: {  	s7 =	sadd.s32 $0x50C00, s0;
	s11 =	sadd.s32 $0x69800, s0;
	s8 =	smul.u32 $0x140000, s1  }
0x9: {  	s26 =	sshll.u32 s4, $0x6;
	_ =	strace $0x80000047;
	s9 =	smul.u32 $0x50000, s1  }
0xa: {  	[dreg:$0x4] =	wrdreg s11;
	s21 =	ssub.s32 $0x2, s1;
	s23 =	smul.u32 $0x2800, s1  }
0xb: {  	v0 =	vlaneseq.u32;
	s12 =	sshll.u32 s1, $0x1;
	s1 =	sshllo.u32 s1, $0x1;
	s17 =	sor.u32 $0x1C04, s26  }
0xc: {  	v11 =	vmul.u32 $0x10, v0;
	s26 =	simm.s32 $0xA40;
	s22 =	sshrl.u32 s21, $0x1;
	s14 =	sor.u32 $0x4, s12  }
0xd: {  	v19 =	vimm.f32 $0.0e+00;
	v0 =	vmov s12;
	v1 =	vmov s1;
	s20 =	sor.u32 $0x5, s12;
	s13 =	sadd.s32 s5, s13;
	s8 =	sadd.s32 s2, s8  }
0xe: {  	v15 =	vor.u32 $0x400, v11;
	v3 =	vor.u32 s12, v11;
	v5 =	vor.u32 s1, v11;
	s9 =	sadd.s32 s10, s9;
	s10 =	ssub.s32 s21, s22;
	s2 =	sadd.s32 s2, s3  }
0xf: {  	v8 =	vor.u32 $0x100, v11;
	v16 =	vor.u32 $0x500, v11;
	[dreg:$0x5] =	wrdreg s13;
	v2 =	vmov s23;
	s22 =	simm.s32 $0x1;
	s23 =	simm.s32 $0x80  }
0x10: {  	v12 =	vor.u32 $0x200, v11;
	v14 =	vor.u32 $0x300, v11;
	v17 =	vor.u32 $0x600, v11;
	s8 =	sshrl.u32 s8, $0x3;
	s9 =	sshrl.u32 s9, $0x3;
	s25 =	smax.u32 s10, $0x1  }
0x11: {  	v18 =	vor.u32 $0x700, v11;
	v4 =	vor.u32 s14, v15;
	v6 =	vor.u32 s12, v8;
	s10 =	simm.s32 $0xA80;
	s18 =	sshrl.u32 s2, $0x3;
	s8 =	sadd.s32 s8, s0  }
0x12: {  	v7 =	vor.u32 s14, v16;
	v8 =	vor.u32 s1, v8;
	v9 =	vor.u32 s12, v12;
	s0 =	sadd.s32 s9, s0;
	[dreg:$0x9] =	wrdreg s25;
	s8 =	sadd.s32 $0x80000, s8  }
0x13: {  	v10 =	vor.u32 s12, v14;
	v11 =	vor.u32 s14, v17;
	v12 =	vor.u32 s1, v12;
	s9 =	smul.u32 $0x13C, s4;
	s24 =	sadd.s32 $0x6C000, s0;
	[dreg:$0x6] =	wrdreg s8  }
0x14: {  	v13 =	vor.u32 s14, v18;
	v14 =	vor.u32 s1, v14;
	v15 =	vor.u32 s20, v15;
	s25 =	simm.s32 $0xA00;
	s0 =	sadd.s32 $0x71000, s0;
	[dreg:$0x7] =	wrdreg s24  }
0x15: {  	v16 =	vor.u32 s20, v16;
	v17 =	vor.u32 s20, v17;
	v18 =	vor.u32 s20, v18;
	[dreg:$0x8] =	wrdreg s0;
	s24 =	simm.s32 $0x200;
	s0 =	simm.s32 $0x0  }
.LBB2_1:
0x16: {  	s1 =	rddreg [dreg:$0x1]  }
0x17: {  	[tilespmem:s10], [sflag:$0x4] =	stream.linear.gather [hbm4b:s1+s15], $0x80, $0x38;
	[tilespmem:$0x1FB00] =	vst v63  }
0x18: {  	_ =	swait.ge [sflag:s16], $0x80  }
0x19: {  	[sflag:s16] =	ssyncset.done $0x0  }
0x1a: {  	s21 =	rddreg [dreg:$0x4];
	[sflag:s16] =	ssyncadd.s32 $0xFFFFFF80  }
0x1b: {  	[spmem:s18], [sflag:s17] =	dma.local [hbm:s21], $0x2800  }
0x1c: {  	_ =	swait.ge [sflag:s16], $0x2800  }
0x1d: {  	[sflag:s16] =	ssyncset.done $0x0  }
0x1e: {  	s2 =	simm.s32 $0x0;
	s1 =	simm.s32 $0x40;
	[sflag:s16] =	ssyncadd.s32 $0xFFFFD800  }
.LBB2_2:
0x1f: {  	p0 =	sne.s32 s1, $0x9FC0;
	[tilespmem:s2+$0xB00] =	vst v19;
	s8 =	smov.u32 s1;
	s1 =	sadd.s32 $0x40, s1  }
.Ltmp0:
0x20: {  	[tilespmem:s2+$0x3300] =	vst v19;
	(pc) =	sbr.rel @p0 .LBB2_2-.Ltmp0, $2  }
0x21: {  	_ =	sdelay $0x2  }
0x22: {  	s2 =	sshra.s32 s8, $0x2  }
0x23: {  	_ = 	snop  }
0x24: {  	[tilespmem:s2+$0xB00] =	vst v19  }
0x25: {  	[tilespmem:s2+$0x3300] =	vst v19  }
0x26: {  	[bflag:$0x0] =	sbarrier.arrive $0xFFFF  }
0x27: {  	s1 =	simm.s32 $0x0;
	v20 =	vld.idx.msk [tilespmem:v0+s10+$0x0], $0xffff;
	s20 =	rddreg [dreg:$0x5]  }
0x28: {  	v21 =	vld.idx.msk [tilespmem:v1+s10+$0x0], $0xffff;
	[tilespmem:s1], [sflag:$0x4] =	stream.linear.gather [hbm4b:s20+s1], $0x80, $0x38  }
0x29: {  	_ =	swait.ge [sflag:s16], $0x80  }
0x2a: {  	[sflag:s16] =	ssyncset.done $0x0  }
0x2b: {  	[sflag:s16] =	ssyncadd.s32 $0xFFFFFF80  }
0x2c: {  	v22 =	vld [tilespmem:$0x0]  }
0x2d: {  	v23 =	vld [tilespmem:$0x40]  }
0x2e: {  	v24 =	vld [tilespmem:$0x10];
	_ =	sdelay $0x1  }
0x2f: {  	v25 =	vld [tilespmem:$0x50]  }
0x30: {  	v26 =	vld [tilespmem:$0x20]  }
0x31: {  	v27 =	vld [tilespmem:$0x60];
	v22 =	vadd.s32 v2, v22;
	[tilespmem:$0x180] =	vst v23  }
0x32: {  	v23 =	vadd.s32 v2, v24;
	[tilespmem:$0x100] =	vst v22;
	v22 =	vld [tilespmem:$0x30]  }
0x33: {  	[tilespmem:$0x110] =	vst v23;
	v23 =	vld [tilespmem:$0x70];
	_ =	sdelay $0x1  }
0x34: {  	[tilespmem:$0x190] =	vst v25  }
0x35: {  	v63 =	vadd.s32 v2, v26;
	[tilespmem:$0x1A0] =	vst v27  }
0x36: {  	[tilespmem:$0x120] =	vst v63  }
0x37: {  	s21 =	simm.s32 $0x100;
	v22 =	vadd.s32 v2, v22;
	[tilespmem:$0x1B0] =	vst v23  }
0x38: {  	s4 =	simm.s32 $0x5B00;
	p0 =	por $0x0, $0x0;
	s2 =	simm.s32 $0x0;
	[tilespmem:$0x130] =	vst v22  }
0x39: {  	[tilespmem:s4], [sflag:$0x2] =	stream.indirect.gather [hbm4b:s6+s19], $0x80, s21, s19, $0xb8;
	[tilespmem:$0x1FB00] =	vst v63  }
.LBB2_4:
0x3a: {  	s8 =	sand.u32 $0x1, s2  }
0x3b: {  	s10 =	smov.u32 s2;
	s2 =	sshll.u32 s8, $0x7  }
0x3c: {  	[tilespmem:s24], [sflag:$0x1] =	stream.indirect.gather [hbm4b:s7+s23], $0x10, s2, s23, $0xb8;
	[tilespmem:$0x1FB00] =	vst v63  }
0x3d: {  	p1 =	seq.s32 s10, $0x13B;
	s2 =	sadd.s32 $0x1, s10  }
0x3e: {  	s10 =	sadd.s32 @!p1 s9, s2  }
0x3f: {  	s11 =	sxor.u32 @!p1 $0x1, s8;
	s10 =	sshll.u32 @!p1 s10, $0x4  }
0x40: {  	s13 =	simm.s32 @!p1 $0x0;
	s12 =	sshll.u32 @!p1 s11, $0x7;
	s10 =	sadd.s32 @!p1 s5, s10  }
0x41: {  	[tilespmem:s12], [sflag:$0x4] =	stream.linear.gather @!p1 [hbm4b:s10+s13], $0x80, $0x38;
	[tilespmem:$0x1FB00] =	vst v63  }
0x42: {  	s10 =	simm.s32 @!p1 $0x4  }
0x43: {  	_ =	swait.ge @!p1 [sflag:s10], $0x80  }
0x44: {  	[sflag:s10] =	ssyncset.done @!p1 $0x0  }
0x45: {  	[sflag:s10] =	ssyncadd.s32 @!p1 $0xFFFFFF80  }
0x46: {  	v22 =	vld @!p1 [tilespmem:s12+$0x0];
	_ =	sdelay $0x4  }
0x47: {  	s10 =	sshll.u32 @!p1 s11, $0x6;
	v22 =	vadd.s32 @!p1 v2, v22  }
0x48: {  	[tilespmem:s10+$0x100] =	vst @!p1 v22  }
0x49: {  	v22 =	vld @!p1 [tilespmem:s12+$0x40];
	_ =	sdelay $0x4  }
0x4a: {  	[tilespmem:s10+$0x180] =	vst @!p1 v22  }
0x4b: {  	v22 =	vld @!p1 [tilespmem:s12+$0x10];
	_ =	sdelay $0x4  }
0x4c: {  	v22 =	vadd.s32 @!p1 v2, v22  }
0x4d: {  	[tilespmem:s10+$0x110] =	vst @!p1 v22  }
0x4e: {  	v22 =	vld @!p1 [tilespmem:s12+$0x50];
	_ =	sdelay $0x4  }
0x4f: {  	[tilespmem:s10+$0x190] =	vst @!p1 v22  }
0x50: {  	v22 =	vld @!p1 [tilespmem:s12+$0x20];
	_ =	sdelay $0x4  }
0x51: {  	v22 =	vadd.s32 @!p1 v2, v22  }
0x52: {  	[tilespmem:s10+$0x120] =	vst @!p1 v22  }
0x53: {  	v22 =	vld @!p1 [tilespmem:s12+$0x60];
	_ =	sdelay $0x4  }
0x54: {  	[tilespmem:s10+$0x1A0] =	vst @!p1 v22  }
0x55: {  	v22 =	vld @!p1 [tilespmem:s12+$0x30];
	_ =	sdelay $0x4  }
0x56: {  	v22 =	vadd.s32 @!p1 v2, v22  }
0x57: {  	[tilespmem:s10+$0x130] =	vst @!p1 v22  }
0x58: {  	v22 =	vld @!p1 [tilespmem:s12+$0x70];
	_ =	sdelay $0x3  }
0x59: {  	s13 =	sshll.u32 @!p1 s11, $0xD;
	s11 =	sor.u32 @!p1 $0x2, s11  }
0x5a: {  	s12 =	sor.u32 @!p1 $0x100, s10;
	[tilespmem:s10+$0x1B0] =	vst @!p1 v22;
	s10 =	sor.u32 @!p1 $0x5B00, s13;
	s13 =	simm.s32 @!p1 $0x40  }
0x5b: {  	[tilespmem:s10], [sflag:s11] =	stream.indirect.gather @!p1 [hbm4b:s6+s13], $0x80, s12, s13, $0xb8;
	[tilespmem:$0x1FB00] =	vst v63  }
0x5c: {  	_ =	swait.ge [sflag:s22], $0x800  }
0x5d: {  	[sflag:s22] =	ssyncset.done $0x0  }
0x5e: {  	[sflag:s22] =	ssyncadd.s32 $0xFFFFF800  }
0x5f: {  	v22 =	vld.idx.msk [tilespmem:v3+s24+$0x0], $0xffff  }
0x60: {  	v23 =	vld.idx.msk [tilespmem:v4+s24+$0x0], $0xffff  }
0x61: {  	v24 =	vld.idx.msk [tilespmem:v5+s24+$0x0], $0xffff  }
0x62: {  	v25 =	vld.idx.msk [tilespmem:v15+s24+$0x0], $0xffff;
	_ =	sdelay $0x3  }
0x63: {  	v22 =	vadd.f32 v23, v22  }
0x64: {  	v23 =	vadd.f32 v25, v24  }
0x65: {  	v24 =	vmul.f32 $2.000000030e-01, v22  }
0x66: {  	vm0 =	vge.f32 v22, $0.0e+00;
	v25 =	vmul.f32 $2.000000030e-01, v23  }
0x67: {  	vm9 =	vge.f32 v23, $0.0e+00;
	v22 =	vsel vm0, v22, v24  }
0x68: {  	v23 =	vsel vm9, v23, v25;
	v22 =	vsub.f32 v22, v20  }
0x69: {  	v23 =	vsub.f32 v23, v21  }
0x6a: {  	v22 =	vmul.f32 $1.442695020e+00, v22  }
0x6b: {  	v23 =	vmul.f32 $1.442695020e+00, v23  }
0x6c: {  	(erf) = vpow2.f32 v22  }
0x6d: {  	(erf) = vpow2.f32 v23;
	_ =	sdelay $0x7  }
0x6e: {  	v22 =	vpop (erf)  }
0x6f: {  	[tilespmem:$0xA00] =	vst v22;
	v22 =	vpop (erf)  }
0x70: {  	[tilespmem:$0xA40] =	vst v22  }
0x71: {  	v22 =	vld.idx.msk [tilespmem:v6+s24+$0x0], $0xffff  }
0x72: {  	v23 =	vld.idx.msk [tilespmem:v7+s24+$0x0], $0xffff  }
0x73: {  	v24 =	vld.idx.msk [tilespmem:v8+s24+$0x0], $0xffff  }
0x74: {  	v25 =	vld.idx.msk [tilespmem:v16+s24+$0x0], $0xffff;
	_ =	sdelay $0x3  }
0x75: {  	v22 =	vadd.f32 v23, v22  }
0x76: {  	v23 =	vadd.f32 v25, v24  }
0x77: {  	v24 =	vmul.f32 $2.000000030e-01, v22  }
0x78: {  	vm10 =	vge.f32 v22, $0.0e+00;
	v25 =	vmul.f32 $2.000000030e-01, v23  }
0x79: {  	vm11 =	vge.f32 v23, $0.0e+00;
	v22 =	vsel vm10, v22, v24  }
0x7a: {  	v23 =	vsel vm11, v23, v25;
	v22 =	vsub.f32 v22, v20  }
0x7b: {  	v23 =	vsub.f32 v23, v21  }
0x7c: {  	v22 =	vmul.f32 $1.442695020e+00, v22  }
0x7d: {  	v23 =	vmul.f32 $1.442695020e+00, v23  }
0x7e: {  	(erf) = vpow2.f32 v22  }
0x7f: {  	(erf) = vpow2.f32 v23;
	_ =	sdelay $0x7  }
0x80: {  	v22 =	vpop (erf)  }
0x81: {  	[tilespmem:$0xA10] =	vst v22;
	v22 =	vpop (erf)  }
0x82: {  	[tilespmem:$0xA50] =	vst v22  }
0x83: {  	v22 =	vld.idx.msk [tilespmem:v9+s24+$0x0], $0xffff  }
0x84: {  	v23 =	vld.idx.msk [tilespmem:v11+s24+$0x0], $0xffff  }
0x85: {  	v24 =	vld.idx.msk [tilespmem:v12+s24+$0x0], $0xffff  }
0x86: {  	v25 =	vld.idx.msk [tilespmem:v17+s24+$0x0], $0xffff;
	_ =	sdelay $0x3  }
0x87: {  	v22 =	vadd.f32 v23, v22  }
0x88: {  	v23 =	vadd.f32 v25, v24  }
0x89: {  	v24 =	vmul.f32 $2.000000030e-01, v22  }
0x8a: {  	vm12 =	vge.f32 v22, $0.0e+00;
	v25 =	vmul.f32 $2.000000030e-01, v23  }
0x8b: {  	vm13 =	vge.f32 v23, $0.0e+00;
	v22 =	vsel vm12, v22, v24  }
0x8c: {  	v23 =	vsel vm13, v23, v25;
	v22 =	vsub.f32 v22, v20  }
0x8d: {  	v23 =	vsub.f32 v23, v21  }
0x8e: {  	v22 =	vmul.f32 $1.442695020e+00, v22  }
0x8f: {  	v23 =	vmul.f32 $1.442695020e+00, v23  }
0x90: {  	(erf) = vpow2.f32 v22  }
0x91: {  	(erf) = vpow2.f32 v23;
	_ =	sdelay $0x7  }
0x92: {  	v22 =	vpop (erf)  }
0x93: {  	[tilespmem:$0xA20] =	vst v22;
	v22 =	vpop (erf)  }
0x94: {  	[tilespmem:$0xA60] =	vst v22  }
0x95: {  	v22 =	vld.idx.msk [tilespmem:v10+s24+$0x0], $0xffff  }
0x96: {  	v23 =	vld.idx.msk [tilespmem:v13+s24+$0x0], $0xffff  }
0x97: {  	v24 =	vld.idx.msk [tilespmem:v14+s24+$0x0], $0xffff  }
0x98: {  	v25 =	vld.idx.msk [tilespmem:v18+s24+$0x0], $0xffff;
	_ =	sdelay $0x3  }
0x99: {  	v22 =	vadd.f32 v23, v22  }
0x9a: {  	v23 =	vadd.f32 v25, v24  }
0x9b: {  	v24 =	vmul.f32 $2.000000030e-01, v22  }
0x9c: {  	vm14 =	vge.f32 v22, $0.0e+00;
	v25 =	vmul.f32 $2.000000030e-01, v23  }
0x9d: {  	vm15 =	vge.f32 v23, $0.0e+00;
	v22 =	vsel vm14, v22, v24  }
0x9e: {  	v23 =	vsel vm15, v23, v25;
	v22 =	vsub.f32 v22, v20  }
0x9f: {  	v23 =	vsub.f32 v23, v21  }
0xa0: {  	v22 =	vmul.f32 $1.442695020e+00, v22  }
0xa1: {  	v23 =	vmul.f32 $1.442695020e+00, v23  }
0xa2: {  	(erf) = vpow2.f32 v22  }
0xa3: {  	(erf) = vpow2.f32 v23;
	_ =	sdelay $0x7  }
0xa4: {  	s15 =	simm.s32 $0x1;
	v22 =	vpop (erf)  }
0xa5: {  	s20 =	sshll.u32 s8, $0x6;
	v24 =	vmov s15;
	[tilespmem:$0xA30] =	vst v22;
	v22 =	vpop (erf)  }
0xa6: {  	s21 =	simm.s32 $0x2;
	v26 =	vmov s1;
	s4 =	sor.u32 $0x2, s8;
	v30 =	vmov s20;
	[tilespmem:$0xA70] =	vst v22  }
0xa7: {  	v27 =	vor.u32 s21, v30;
	_ =	swait.ge [sflag:s4], $0x2000  }
0xa8: {  	v28 =	vor.u32 s15, v30;
	s11 =	simm.s32 $0x3;
	[sflag:s4] =	ssyncset.done $0x0  }
0xa9: {  	v29 =	vor.u32 s11, v30;
	[sflag:s4] =	ssyncadd.s32 $0xFFFFE000  }
0xaa: {  	v31 =	vor.u32 s1, v30;
	v35 =	vld.idx.msk [tilespmem:v24+s25+$0x0], $0xffff  }
0xab: {  	v32 =	vmov s11;
	v23 =	vld.idx.msk [tilespmem:v26+s26+$0x0], $0xffff  }
0xac: {  	v27 =	vld.idx.msk [tilespmem:v27+s28+$0x0], $0xffff  }
0xad: {  	s12 =	simm.s32 $0x5;
	v22 =	vmov s21;
	v28 =	vld.idx.msk [tilespmem:v28+s28+$0x0], $0xffff  }
0xae: {  	v41 =	vor.u32 s12, v30;
	v29 =	vld.idx.msk [tilespmem:v29+s28+$0x0], $0xffff  }
0xaf: {  	v31 =	vld.idx.msk [tilespmem:v31+s28+$0x0], $0xffff  }
0xb0: {  	v36 =	vld.idx.msk [tilespmem:v32+s25+$0x0], $0xffff  }
0xb1: {  	v37 =	vld.idx.msk [tilespmem:v26+s25+$0x0], $0xffff  }
0xb2: {  	v33 =	vld.idx.msk [tilespmem:v22+s25+$0x0], $0xffff  }
0xb3: {  	v41 =	vld.idx.msk [tilespmem:v41+s28+$0x0], $0xffff  }
0xb4: {  	v25 =	vld.idx.msk [tilespmem:v22+s26+$0x0], $0xffff  }
0xb5: {  	v22 =	vld.idx.msk [tilespmem:v24+s26+$0x0], $0xffff  }
0xb6: {  	v24 =	vld.idx.msk [tilespmem:v32+s26+$0x0], $0xffff  }
0xb7: {  	[tilespmem:v27+s29+$0x0] =	vst.idx.add.f32.msk $0x1, v33  }
0xb8: {  	[tilespmem:v28+s29+$0x0] =	vst.idx.add.f32.msk $0x1, v35  }
0xb9: {  	s8 =	simm.s32 $0x1;
	[tilespmem:v29+s29+$0x0] =	vst.idx.add.f32.msk $0x1, v36  }
0xba: {  	s8 =	simm.s32 @!p0 $0x0;
	[tilespmem:v31+s29+$0x0] =	vst.idx.add.f32.msk $0x1, v37  }
0xbb: {  	s8 =	sshll.u32 s8, $0xD;
	[tilespmem:v27+s30+$0x0] =	vst.idx.add.f32.msk $0x1, v25  }
0xbc: {  	s8 =	sor.u32 $0x5C00, s8;
	[tilespmem:v29+s30+$0x0] =	vst.idx.add.f32.msk $0x1, v24  }
0xbd: {  	s13 =	simm.s32 $0x6;
	v26 =	vld [tilespmem:s8+$0x0]  }
0xbe: {  	s14 =	simm.s32 $0x4;
	v43 =	vor.u32 s13, v30;
	v27 =	vld [tilespmem:s8+$0x80]  }
0xbf: {  	v44 =	vor.u32 s14, v30;
	[tilespmem:v28+s30+$0x0] =	vst.idx.add.f32.msk $0x1, v22  }
0xc0: {  	v34 =	vmov s12;
	v28 =	vld [tilespmem:s8+$0xFFFFFF80]  }
0xc1: {  	[tilespmem:v31+s30+$0x0] =	vst.idx.add.f32.msk $0x1, v23  }
0xc2: {  	v29 =	vld [tilespmem:s8+$0xFFFFFF00];
	v26 =	vmul.f32 v26, v33  }
0xc3: {  	s21 =	simm.s32 $0x9C00;
	v43 =	vld.idx.msk [tilespmem:v43+s28+$0x0], $0xffff;
	v27 =	vmul.f32 v27, v36  }
0xc4: {  	v39 =	vmov s14;
	v44 =	vld.idx.msk [tilespmem:v44+s28+$0x0], $0xffff;
	[tilespmem:s21+$0x0] =	vst v26  }
0xc5: {  	v31 =	vld.idx.msk [tilespmem:v34+s25+$0x0], $0xffff;
	v26 =	vmul.f32 v28, v35;
	v28 =	vmov s13;
	[tilespmem:s21+$0x80] =	vst v27  }
0xc6: {  	v27 =	vld [tilespmem:s8+$0x90]  }
0xc7: {  	v38 =	vld [tilespmem:s8+$0x10];
	[tilespmem:s21+$0xFFFFFF80] =	vst v26;
	v26 =	vmul.f32 v29, v37  }
0xc8: {  	v40 =	vld [tilespmem:s8+$0xFFFFFF90]  }
0xc9: {  	[tilespmem:s21+$0xFFFFFF00] =	vst v26;
	v26 =	vld.idx.msk [tilespmem:v39+s26+$0x0], $0xffff  }
0xca: {  	v32 =	vld.idx.msk [tilespmem:v28+s25+$0x0], $0xffff  }
0xcb: {  	v52 =	vld [tilespmem:s8+$0xFFFFFF10];
	v27 =	vmul.f32 v27, v36  }
0xcc: {  	v28 =	vld.idx.msk [tilespmem:v28+s26+$0x0], $0xffff;
	v29 =	vmul.f32 v38, v33  }
0xcd: {  	[tilespmem:s21+$0x90] =	vst v27;
	v27 =	vld.idx.msk [tilespmem:v34+s26+$0x0], $0xffff  }
0xce: {  	[tilespmem:s21+$0x10] =	vst v29;
	v34 =	vld.idx.msk [tilespmem:v39+s25+$0x0], $0xffff  }
0xcf: {  	v29 =	vmul.f32 v40, v35;
	[tilespmem:v41+s29+$0x0] =	vst.idx.add.f32.msk $0x1, v31  }
0xd0: {  	v53 =	vld [tilespmem:s8+$0x20]  }
0xd1: {  	v42 =	vld [tilespmem:s8+$0xA0];
	[tilespmem:s21+$0xFFFFFF90] =	vst v29  }
0xd2: {  	v29 =	vmul.f32 v52, v37;
	[tilespmem:v43+s29+$0x0] =	vst.idx.add.f32.msk $0x1, v32  }
0xd3: {  	[tilespmem:v43+s30+$0x0] =	vst.idx.add.f32.msk $0x1, v28  }
0xd4: {  	v54 =	vld [tilespmem:s8+$0xFFFFFFA0];
	[tilespmem:s21+$0xFFFFFF10] =	vst v29  }
0xd5: {  	v56 =	vld [tilespmem:s8+$0xFFFFFF20]  }
0xd6: {  	[tilespmem:v41+s30+$0x0] =	vst.idx.add.f32.msk $0x1, v27  }
0xd7: {  	s15 =	simm.s32 $0x7;
	[tilespmem:v44+s29+$0x0] =	vst.idx.add.f32.msk $0x1, v34;
	v29 =	vmul.f32 v53, v33  }
0xd8: {  	v57 =	vor.u32 s15, v30;
	[tilespmem:v44+s30+$0x0] =	vst.idx.add.f32.msk $0x1, v26  }
0xd9: {  	[tilespmem:s21+$0x20] =	vst v29;
	v29 =	vmul.f32 v54, v35  }
0xda: {  	v58 =	vld [tilespmem:s8+$0x30]  }
0xdb: {  	v45 =	vmov s15;
	v55 =	vmul.f32 v42, v36;
	[tilespmem:s21+$0xFFFFFFA0] =	vst v29  }
0xdc: {  	v40 =	vmul.f32 v56, v37;
	v46 =	vld [tilespmem:s8+$0xFFFFFFB0]  }
0xdd: {  	v42 =	vld.idx.msk [tilespmem:v57+s28+$0x0], $0xffff;
	[tilespmem:s21+$0xA0] =	vst v55  }
0xde: {  	v59 =	vld [tilespmem:s8+$0xB0];
	[tilespmem:s21+$0xFFFFFF20] =	vst v40  }
0xdf: {  	v60 =	vld [tilespmem:s8+$0xFFFFFF30];
	v47 =	vmul.f32 v58, v33  }
0xe0: {  	v33 =	vld.idx.msk [tilespmem:v45+s25+$0x0], $0xffff  }
0xe1: {  	v29 =	vld.idx.msk [tilespmem:v45+s26+$0x0], $0xffff;
	[tilespmem:s21+$0x30] =	vst v47;
	v35 =	vmul.f32 v46, v35  }
0xe2: {  	s11 =	sadd.s32 $0x200, s8;
	v61 =	vld [tilespmem:s8+$0x40]  }
0xe3: {  	v63 =	vld [tilespmem:s11+$0xFFFFFF80];
	[tilespmem:s21+$0xFFFFFFB0] =	vst v35  }
0xe4: {  	v62 =	vld [tilespmem:s8+$0xFFFFFFC0]  }
0xe5: {  	v37 =	vmul.f32 v60, v37;
	[tilespmem:v42+s29+$0x0] =	vst.idx.add.f32.msk $0x1, v33  }
0xe6: {  	v36 =	vmul.f32 v59, v36;
	[tilespmem:v42+s30+$0x0] =	vst.idx.add.f32.msk $0x1, v29  }
0xe7: {  	v38 =	vld [tilespmem:s11+$0x0];
	[tilespmem:s21+$0xFFFFFF30] =	vst v37;
	v35 =	vmul.f32 v61, v25  }
0xe8: {  	s14 =	simm.s32 $0x8;
	[tilespmem:s21+$0xB0] =	vst v36;
	v37 =	vld [tilespmem:s8+$0xFFFFFF40]  }
0xe9: {  	s10 =	simm.s32 $0x9E00;
	s12 =	smov.u32 s11;
	s13 =	simm.s32 $0x9E00;
	v39 =	vld [tilespmem:s11+$0xFFFFFF00];
	v40 =	vmul.f32 v63, v31;
	[tilespmem:s21+$0x40] =	vst v35;
	v36 =	vmul.f32 v62, v22  }
.LBB2_5:
0xea: {  	s4 =	sadd.s32 $0x1, s14  }
0xeb: {  	v35 =	vmov s14;
	v41 =	vor.u32 s14, v30;
	p1 =	slt.u32 s14, $0x3C;
	v42 =	vld [tilespmem:s8+$0x50];
	s15 =	smov.u32 s14;
	s14 =	sadd.s32 $0x4, s14  }
0xec: {  	v43 =	vmov s4;
	v44 =	vor.u32 s4, v30;
	s4 =	sadd.s32 $0x2, s15;
	[tilespmem:s13+$0xFFFFFF80] =	vst v40;
	v40 =	vld [tilespmem:s11+$0x80]  }
0xed: {  	v45 =	vmov s4;
	v46 =	vor.u32 s4, v30;
	s4 =	sadd.s32 $0x3, s15;
	v47 =	vld [tilespmem:s11+$0xFFFFFF90];
	v37 =	vmul.f32 v37, v23  }
0xee: {  	v48 =	vor.u32 s4, v30;
	v38 =	vmul.f32 v38, v32;
	[tilespmem:s21+$0xFFFFFFC0] =	vst v36;
	v36 =	vld [tilespmem:s8+$0xC0]  }
0xef: {  	v39 =	vmul.f32 v39, v34;
	[tilespmem:s21+$0xFFFFFF40] =	vst v37;
	v37 =	vld [tilespmem:s8+$0xFFFFFFD0]  }
0xf0: {  	v49 =	vmov s4;
	[tilespmem:s13+$0x0] =	vst v38;
	v38 =	vld [tilespmem:s8+$0xFFFFFF50];
	v42 =	vmul.f32 v42, v25  }
0xf1: {  	[tilespmem:s13+$0xFFFFFF00] =	vst v39;
	v39 =	vld [tilespmem:s11+$0x10];
	v40 =	vmul.f32 v40, v33  }
0xf2: {  	v50 =	vld.idx.msk [tilespmem:v43+s25+$0x0], $0xffff;
	v47 =	vmul.f32 v47, v31;
	[tilespmem:s21+$0x50] =	vst v42  }
0xf3: {  	[tilespmem:s13+$0x80] =	vst v40;
	v40 =	vld [tilespmem:s8+$0x60];
	v36 =	vmul.f32 v36, v24  }
0xf4: {  	[tilespmem:s13+$0xFFFFFF90] =	vst v47;
	v42 =	vld [tilespmem:s11+$0x90];
	v37 =	vmul.f32 v37, v22  }
0xf5: {  	v47 =	vld.idx.msk [tilespmem:v45+s25+$0x0], $0xffff;
	v38 =	vmul.f32 v38, v23;
	[tilespmem:s21+$0xC0] =	vst v36  }
0xf6: {  	v36 =	vmul.f32 v39, v32;
	[tilespmem:s21+$0xFFFFFFD0] =	vst v37;
	v37 =	vld [tilespmem:s8+$0xD0]  }
0xf7: {  	v39 =	vld.idx.msk [tilespmem:v35+s26+$0x0], $0xffff;
	[tilespmem:s21+$0xFFFFFF50] =	vst v38  }
0xf8: {  	v38 =	vld [tilespmem:s11+$0xFFFFFF10];
	[tilespmem:s13+$0x10] =	vst v36;
	v36 =	vmul.f32 v40, v25  }
0xf9: {  	v40 =	vld.idx.msk [tilespmem:v45+s26+$0x0], $0xffff;
	v42 =	vmul.f32 v42, v33  }
0xfa: {  	v45 =	vld [tilespmem:s8+$0xFFFFFF60];
	[tilespmem:s21+$0x60] =	vst v36  }
0xfb: {  	v36 =	vld.idx.msk [tilespmem:v44+s28+$0x0], $0xffff;
	[tilespmem:s13+$0x90] =	vst v42;
	v37 =	vmul.f32 v37, v24  }
0xfc: {  	s11 =	sadd.s32 $0x200, s11;
	v42 =	vld [tilespmem:s12+$0xA0]  }
0xfd: {  	v43 =	vld.idx.msk [tilespmem:v43+s26+$0x0], $0xffff;
	v38 =	vmul.f32 v38, v34;
	[tilespmem:s21+$0xD0] =	vst v37  }
0xfe: {  	v37 =	vld [tilespmem:s8+$0xE0]  }
0xff: {  	[tilespmem:s13+$0xFFFFFF10] =	vst v38;
	v38 =	vld [tilespmem:s12+$0x20];
	v44 =	vmul.f32 v45, v23  }
0x100: {  	v45 =	vld [tilespmem:s8+$0xFFFFFFE0]  }
0x101: {  	v42 =	vmul.f32 v42, v33;
	[tilespmem:s21+$0xFFFFFF60] =	vst v44;
	v44 =	vld [tilespmem:s8+$0x70]  }
0x102: {  	v51 =	vld [tilespmem:s12+$0xFFFFFFA0]  }
0x103: {  	s13 =	sadd.s32 $0x200, s13;
	[tilespmem:s10+$0xA0] =	vst v42;
	v42 =	vld [tilespmem:s8+$0xFFFFFF70];
	v37 =	vmul.f32 v37, v24  }
0x104: {  	v52 =	vld [tilespmem:s12+$0xFFFFFF20];
	v38 =	vmul.f32 v38, v32  }
0x105: {  	v46 =	vld.idx.msk [tilespmem:v46+s28+$0x0], $0xffff;
	v45 =	vmul.f32 v45, v22;
	[tilespmem:s21+$0xE0] =	vst v37  }
0x106: {  	[tilespmem:s10+$0x20] =	vst v38;
	v37 =	vmul.f32 v44, v25;
	v38 =	vld [tilespmem:s8+$0xF0];
	v25 =	vmov v28;
	v28 =	vmov v40  }
0x107: {  	v40 =	vmul.f32 v51, v31;
	v44 =	vld [tilespmem:s12+$0x30];
	[tilespmem:s21+$0xFFFFFFE0] =	vst v45  }
0x108: {  	v42 =	vmul.f32 v42, v23;
	v45 =	vld [tilespmem:s8+$0xFFFFFFF0];
	[tilespmem:s21+$0x70] =	vst v37;
	v23 =	vmov v26;
	v26 =	vmov v39;
	s8 =	smov.u32 s12;
	s12 =	smov.u32 s11  }
0x109: {  	v37 =	vmul.f32 v52, v34;
	v39 =	vld [tilespmem:s8+$0xB0]  }
0x10a: {  	v41 =	vld.idx.msk [tilespmem:v41+s28+$0x0], $0xffff;
	[tilespmem:s10+$0xFFFFFFA0] =	vst v40  }
0x10b: {  	[tilespmem:s10+$0xFFFFFF20] =	vst v37;
	v37 =	vld [tilespmem:s8+$0xFFFFFFB0];
	v38 =	vmul.f32 v38, v24;
	v24 =	vmov v29  }
0x10c: {  	v40 =	vld.idx.msk [tilespmem:v48+s28+$0x0], $0xffff;
	v44 =	vmul.f32 v44, v32;
	[tilespmem:s21+$0xFFFFFF70] =	vst v42;
	v32 =	vmov v47  }
0x10d: {  	v29 =	vld.idx.msk [tilespmem:v49+s26+$0x0], $0xffff;
	v42 =	vmul.f32 v45, v22;
	[tilespmem:s21+$0xF0] =	vst v38;
	v22 =	vmov v27;
	v27 =	vmov v43  }
0x10e: {  	[tilespmem:s10+$0x30] =	vst v44;
	v38 =	vmul.f32 v39, v33;
	v33 =	vld.idx.msk [tilespmem:v49+s25+$0x0], $0xffff  }
0x10f: {  	v35 =	vld.idx.msk [tilespmem:v35+s25+$0x0], $0xffff;
	[tilespmem:s21+$0xFFFFFFF0] =	vst v42;
	s21 =	smov.u32 s10;
	s10 =	smov.u32 s13  }
0x110: {  	v39 =	vld [tilespmem:s8+$0xFFFFFF30];
	v37 =	vmul.f32 v37, v31;
	[tilespmem:s21+$0xB0] =	vst v38;
	v31 =	vmov v50  }
0x111: {  	[tilespmem:v46+s29+$0x0] =	vst.idx.add.f32.msk $0x1, v32  }
0x112: {  	[tilespmem:v36+s29+$0x0] =	vst.idx.add.f32.msk $0x1, v31  }
0x113: {  	[tilespmem:s21+$0xFFFFFFB0] =	vst v37;
	v37 =	vld [tilespmem:s8+$0x40]  }
0x114: {  	[tilespmem:v46+s30+$0x0] =	vst.idx.add.f32.msk $0x1, v28  }
0x115: {  	[tilespmem:v40+s29+$0x0] =	vst.idx.add.f32.msk $0x1, v33;
	v38 =	vmul.f32 v39, v34;
	v34 =	vmov v35  }
0x116: {  	[tilespmem:v40+s30+$0x0] =	vst.idx.add.f32.msk $0x1, v29  }
0x117: {  	[tilespmem:v36+s30+$0x0] =	vst.idx.add.f32.msk $0x1, v27  }
0x118: {  	[tilespmem:s21+$0xFFFFFF30] =	vst v38;
	v35 =	vld [tilespmem:s8+$0xFFFFFFC0];
	v36 =	vmul.f32 v37, v25  }
0x119: {  	v40 =	vld [tilespmem:s11+$0xFFFFFF80]  }
.Ltmp1:
0x11a: {  	[tilespmem:v41+s29+$0x0] =	vst.idx.add.f32.msk $0x1, v34;
	(pc) =	sbr.rel @p1 .LBB2_5-.Ltmp1, $4  }
0x11b: {  	[tilespmem:v41+s30+$0x0] =	vst.idx.add.f32.msk $0x1, v26  }
0x11c: {  	v37 =	vld [tilespmem:s8+$0xFFFFFF40];
	[tilespmem:s21+$0x40] =	vst v36  }
0x11d: {  	v38 =	vld [tilespmem:s11+$0x0];
	v36 =	vmul.f32 v35, v22  }
0x11e: {  	v39 =	vld [tilespmem:s11+$0xFFFFFF00];
	v40 =	vmul.f32 v40, v31  }
0x11f: {  	v30 =	vld [tilespmem:s11+$0x80];
	_ =	sdelay $0x2  }
0x120: {  	v35 =	vmul.f32 v38, v32  }
0x121: {  	v41 =	vmul.f32 v39, v34  }
0x122: {  	[tilespmem:s13+$0x0] =	vst v35;
	v30 =	vmul.f32 v30, v33  }
0x123: {  	[tilespmem:s13+$0xFFFFFF00] =	vst v41;
	v35 =	vld [tilespmem:s11+$0x10]  }
0x124: {  	[tilespmem:s13+$0x80] =	vst v30;
	v42 =	vld [tilespmem:s11+$0xFFFFFF10]  }
0x125: {  	[tilespmem:s13+$0xFFFFFF80] =	vst v40;
	v43 =	vld [tilespmem:s11+$0x90]  }
0x126: {  	v44 =	vld [tilespmem:s11+$0xFFFFFF90];
	_ =	sdelay $0x1  }
0x127: {  	v35 =	vmul.f32 v35, v32  }
0x128: {  	v30 =	vmul.f32 v42, v34  }
0x129: {  	[tilespmem:s13+$0x10] =	vst v35;
	v45 =	vmul.f32 v43, v33  }
0x12a: {  	v46 =	vmul.f32 v44, v31;
	[tilespmem:s13+$0xFFFFFF10] =	vst v30;
	v47 =	vld [tilespmem:s12+$0x20]  }
0x12b: {  	[tilespmem:s13+$0x90] =	vst v45;
	v48 =	vld [tilespmem:s12+$0xFFFFFF20]  }
0x12c: {  	[tilespmem:s13+$0xFFFFFF90] =	vst v46;
	v49 =	vld [tilespmem:s12+$0xA0]  }
0x12d: {  	v50 =	vld [tilespmem:s12+$0xFFFFFFA0];
	_ =	sdelay $0x1  }
0x12e: {  	v30 =	vmul.f32 v47, v32  }
0x12f: {  	v35 =	vmul.f32 v48, v34  }
0x130: {  	v38 =	vmul.f32 v49, v33;
	[tilespmem:s10+$0x20] =	vst v30  }
0x131: {  	v51 =	vmul.f32 v50, v31;
	v52 =	vld [tilespmem:s12+$0x30];
	[tilespmem:s10+$0xFFFFFF20] =	vst v35  }
0x132: {  	[tilespmem:s10+$0xA0] =	vst v38;
	v35 =	vld [tilespmem:s12+$0xFFFFFF30]  }
0x133: {  	[tilespmem:s10+$0xFFFFFFA0] =	vst v51;
	v38 =	vld [tilespmem:s12+$0xB0]  }
0x134: {  	v30 =	vld [tilespmem:s12+$0xFFFFFFB0];
	_ =	sdelay $0x1  }
0x135: {  	v53 =	vmul.f32 v52, v32  }
0x136: {  	v55 =	vmul.f32 v35, v34  }
0x137: {  	v54 =	vld [tilespmem:s8+$0xC0];
	[tilespmem:s10+$0x30] =	vst v53;
	v56 =	vmul.f32 v38, v33  }
0x138: {  	v30 =	vmul.f32 v30, v31;
	v57 =	vld [tilespmem:s12+$0x40];
	[tilespmem:s10+$0xFFFFFF30] =	vst v55  }
0x139: {  	[tilespmem:s10+$0xB0] =	vst v56;
	v58 =	vld [tilespmem:s12+$0xFFFFFF40]  }
0x13a: {  	[tilespmem:s10+$0xFFFFFFB0] =	vst v30;
	v60 =	vld [tilespmem:s12+$0xC0]  }
0x13b: {  	[tilespmem:s21+$0xFFFFFFC0] =	vst v36;
	v59 =	vmul.f32 v37, v23;
	v62 =	vld [tilespmem:s12+$0xFFFFFFC0]  }
0x13c: {  	v36 =	vld [tilespmem:s8+$0xFFFFFFD0];
	v61 =	vmul.f32 v54, v24  }
0x13d: {  	v63 =	vld [tilespmem:s8+$0x50];
	[tilespmem:s21+$0xFFFFFF40] =	vst v59;
	v31 =	vmul.f32 v57, v28  }
0x13e: {  	[tilespmem:s21+$0xC0] =	vst v61;
	v33 =	vld [tilespmem:s8+$0xFFFFFF50];
	v32 =	vmul.f32 v58, v26  }
0x13f: {  	v34 =	vld [tilespmem:s8+$0xD0];
	[tilespmem:s10+$0x40] =	vst v31;
	v30 =	vmul.f32 v60, v29  }
0x140: {  	v40 =	vmul.f32 v62, v27;
	v41 =	vld [tilespmem:s12+$0x50];
	[tilespmem:s10+$0xFFFFFF40] =	vst v32  }
0x141: {  	v36 =	vmul.f32 v36, v22;
	v43 =	vld [tilespmem:s12+$0xFFFFFF50];
	[tilespmem:s10+$0xC0] =	vst v30  }
0x142: {  	v42 =	vmul.f32 v63, v25;
	[tilespmem:s10+$0xFFFFFFC0] =	vst v40;
	v45 =	vld [tilespmem:s12+$0xD0]  }
0x143: {  	[tilespmem:s21+$0xFFFFFFD0] =	vst v36;
	v44 =	vmul.f32 v33, v23;
	v47 =	vld [tilespmem:s12+$0xFFFFFFD0]  }
0x144: {  	[tilespmem:s21+$0x50] =	vst v42;
	v52 =	vld [tilespmem:s8+$0xFFFFFFE0];
	v46 =	vmul.f32 v34, v24  }
0x145: {  	v48 =	vld [tilespmem:s8+$0x60];
	[tilespmem:s21+$0xFFFFFF50] =	vst v44;
	v49 =	vmul.f32 v41, v28  }
0x146: {  	[tilespmem:s21+$0xD0] =	vst v46;
	v30 =	vld [tilespmem:s8+$0xFFFFFF60];
	v51 =	vmul.f32 v43, v26  }
0x147: {  	v50 =	vld [tilespmem:s8+$0xE0];
	[tilespmem:s10+$0x50] =	vst v49;
	v31 =	vmul.f32 v45, v29  }
0x148: {  	v33 =	vmul.f32 v47, v27;
	v32 =	vld [tilespmem:s12+$0x60];
	[tilespmem:s10+$0xFFFFFF50] =	vst v51  }
0x149: {  	v56 =	vmul.f32 v52, v22;
	v36 =	vld [tilespmem:s12+$0xFFFFFF60];
	[tilespmem:s10+$0xD0] =	vst v31  }
0x14a: {  	v34 =	vmul.f32 v48, v25;
	[tilespmem:s10+$0xFFFFFFD0] =	vst v33;
	v31 =	vld [tilespmem:s12+$0xE0]  }
0x14b: {  	[tilespmem:s21+$0xFFFFFFE0] =	vst v56;
	v30 =	vmul.f32 v30, v23;
	v54 =	vld [tilespmem:s12+$0xFFFFFFE0]  }
0x14c: {  	[tilespmem:s21+$0x60] =	vst v34;
	v59 =	vld [tilespmem:s8+$0xFFFFFFF0];
	v53 =	vmul.f32 v50, v24  }
0x14d: {  	v55 =	vld [tilespmem:s8+$0x70];
	[tilespmem:s21+$0xFFFFFF60] =	vst v30;
	v32 =	vmul.f32 v32, v28  }
0x14e: {  	[tilespmem:s21+$0xE0] =	vst v53;
	v57 =	vld [tilespmem:s8+$0xFFFFFF70];
	v58 =	vmul.f32 v36, v26  }
0x14f: {  	v33 =	vld [tilespmem:s8+$0xF0];
	[tilespmem:s10+$0x60] =	vst v32;
	v31 =	vmul.f32 v31, v29  }
0x150: {  	v34 =	vmul.f32 v54, v27;
	[tilespmem:s10+$0xFFFFFF60] =	vst v58;
	v32 =	vld [tilespmem:s12+$0x70]  }
0x151: {  	v22 =	vmul.f32 v59, v22;
	v61 =	vld [tilespmem:s12+$0xFFFFFF70];
	[tilespmem:s10+$0xE0] =	vst v31  }
0x152: {  	v60 =	vmul.f32 v55, v25;
	[tilespmem:s10+$0xFFFFFFE0] =	vst v34;
	v31 =	vld [tilespmem:s12+$0xF0]  }
0x153: {  	[tilespmem:s21+$0xFFFFFFF0] =	vst v22;
	v23 =	vmul.f32 v57, v23;
	v63 =	vld [tilespmem:s12+$0xFFFFFFF0]  }
0x154: {  	[tilespmem:s21+$0x70] =	vst v60;
	v62 =	vmul.f32 v33, v24  }
0x155: {  	[tilespmem:s21+$0xFFFFFF70] =	vst v23;
	v23 =	vmul.f32 v32, v28  }
0x156: {  	[tilespmem:s21+$0xF0] =	vst v62;
	v22 =	vmul.f32 v61, v26  }
0x157: {  	[tilespmem:s10+$0x70] =	vst v23;
	v23 =	vmul.f32 v31, v29  }
0x158: {  	[tilespmem:s10+$0xFFFFFF70] =	vst v22;
	v22 =	vmul.f32 v63, v27  }
0x159: {  	p1 =	sne.s32 s2, $0x13C;
	[tilespmem:s10+$0xF0] =	vst v23  }
.Ltmp2:
0x15a: {  	s4 =	sor.u32 $0x180, s20;
	[tilespmem:s10+$0xFFFFFFF0] =	vst v22;
	(pc) =	sbr.rel @p1 .LBB2_4-.Ltmp2, $4  }
0x15b: {  	[spmem:s3] =	stream.indirect.scatter.add.f32 [tilespmem:s31], [sflag:$0x4], $0x80, s4, s19, $0xb8;
	[tilespmem:$0x1FB00] =	vst v63  }
0x15c: {  	_ =	swait.ge [sflag:s16], $0x2000  }
0x15d: {  	[sflag:s16] =	ssyncset.done $0x0  }
0x15e: {  	p0 =	por !p0, !p0;
	[sflag:s16] =	ssyncadd.s32 $0xFFFFE000  }
0x15f: {  	[bflag:$0x0] =	sbarrier.arrive $0xFFFF  }
0x160: {  	s1 =	rddreg [dreg:$0x6]  }
0x161: {  	[hbm:s1], [sflag:s17] =	dma.local [spmem:s18], $0x2800  }
0x162: {  	_ =	swait.ge [sflag:s16], $0x2800  }
0x163: {  	[sflag:s16] =	ssyncset.done $0x0  }
0x164: {  	s15 =	simm.s32 $0x0;
	s14 =	rddreg [dreg:$0x7];
	[sflag:s16] =	ssyncadd.s32 $0xFFFFD800  }
0x165: {  	[hbm4b:s14+s15] =	stream.linear.scatter [tilespmem:s29], [sflag:$0x4], $0x2800, $0x38;
	[tilespmem:$0x1FB00] =	vst v63  }
0x166: {  	_ =	swait.ge [sflag:s16], $0x2800  }
0x167: {  	[sflag:s16] =	ssyncset.done $0x0  }
0x168: {  	s20 =	rddreg [dreg:$0x8];
	[sflag:s16] =	ssyncadd.s32 $0xFFFFD800  }
0x169: {  	[hbm4b:s20+s15] =	stream.linear.scatter [tilespmem:s30], [sflag:$0x4], $0x2800, $0x38;
	[tilespmem:$0x1FB00] =	vst v63  }
0x16a: {  	_ =	swait.ge [sflag:s16], $0x2800  }
0x16b: {  	s0 =	sadd.s32 $0x1, s0;
	s21 =	rddreg [dreg:$0x9]  }
0x16c: {  	p0 =	sne.s32 s0, s21  }
.Ltmp3:
0x16d: {  	_ = 	snop;
	(pc) =	sbr.rel @p0 .LBB2_1-.Ltmp3, $3  }
0x16e: {  	_ =	sdelay $0x1  }
0x16f: {  	[sflag:s16] =	ssyncset.done $0x0  }
0x170: {  	s10 =	simm.s32 $0xA80;
	[sflag:s16] =	ssyncadd.s32 $0xFFFFD800  }
0x171: {  	_ =	sfence.sel $0x180000  }
0x172: {  	[bflag:$0x0] =	sbarrier.arrive $0xFFFF  }
0x173: {  	_ =	strace $0x90000047  }
0x174: {  	s0 =	stileid.u32;
	[bflag:$0x2] =	sbarrier.arrive $0xFFFF  }
0x175: {  	p0 =	sne.s32 s0, $0x0;
	s0 =	rddreg [dreg:$0x3]  }
0x176: {  	s0 =	sadd.s32 @!p0 $0x100000, s0  }
0x177: {  	[sflag:s0] =	ssyncadd.tile.s32 @!p0 $0x1;
	_ =	shalt  }
.Lfunc_end2:
_tile_overlayer_lowered:
.L_overlay_start_2:
0x178: {  	(tag) =	ssettag $0x2  }
0x179: {  	s0 =	rddreg [dreg:$0x0];
	s2 =	stileid.u32  }
0x17a: {  	s1 =	rddreg [dreg:$0x1];
	p0 =	sne.s32 s2, $0x0  }
0x17b: {  	s3 =	rddreg [dreg:$0x2];
	[bflag:$0x3] =	sbarrier.arrive $0xFFFF;
	s2 =	simm.s32 @!p0 $0x1C04  }
0x17c: {  	[timem:s3], [sflag:s2] =	dma.local @!p0 [hbm:s0], s1  }
0x17d: {  	s0 =	simm.s32 @!p0 $0x4  }
0x17e: {  	_ =	swait.ge @!p0 [sflag:s0], s1  }
0x17f: {  	s1 =	ssub.s32 @!p0 $0x0, s1;
	[sflag:s0] =	ssyncset.done @!p0 $0x0  }
0x180: {  	[sflag:s0] =	ssyncadd.s32 @!p0 s1  }
0x181: {  	[bflag:$0x3] =	sbarrier.arrive $0xFFFF  }
0x182: {  	_ =	shalt  }

</sc_bundles>
